<compile_context>
chip_gen: v7x
topology: tpu7x:2x2x1
jax: 0.10.2.dev20260603
libtpu: 0.0.44.dev20260713+nightly
codegen_flags: <defaults>
</compile_context>

<pallas_src>
import jax
import jax.numpy as jnp
from jax import lax
from jax.experimental import pallas as pl
from jax.experimental.pallas import tpu as pltpu
from jax.experimental.pallas import tpu_sc as plsc

EMBED = 8
LANES = 16
NUM_CORES = 2
NUM_SUBCORES = 16
NUM_WORKERS = NUM_CORES * NUM_SUBCORES


def _dot_body(chunk, users_hbm, items_hbm, ut_hbm, it_hbm, out_hbm,
              idx_u, idx_i, out_v, stg_u, stg_i, sem_u, sem_i):
    wid = lax.axis_index("s") * NUM_CORES + lax.axis_index("c")
    base = wid * chunk
    pltpu.sync_copy(users_hbm.at[pl.ds(base, chunk)], idx_u)
    pltpu.sync_copy(items_hbm.at[pl.ds(base, chunk)], idx_i)

    groups = chunk // LANES
    lane = lax.iota(jnp.int32, LANES)

    def dot(g, carry):
        s = pl.ds(g * LANES, LANES)
        iu = idx_u[s]
        ii = idx_i[s]
        cps = []
        for j in range(LANES):
            cu = pl.multiple_of((iu[j] >> 7) * 128, 128)
            ci = pl.multiple_of((ii[j] >> 7) * 128, 128)
            cps.append(pltpu.async_copy(ut_hbm.at[:, pl.ds(cu, 128)],
                                        stg_u.at[j], sem_u))
            cps.append(pltpu.async_copy(it_hbm.at[:, pl.ds(ci, 128)],
                                        stg_i.at[j], sem_i))
        for cp in cps:
            cp.wait()
        cu127 = iu & 127
        ci127 = ii & 127
        acc = None
        for d in range(EMBED):
            dsp = jnp.full((LANES,), d, jnp.int32)
            u = plsc.load_gather(stg_u, [lane, dsp, cu127])
            v = plsc.load_gather(stg_i, [lane, dsp, ci127])
            acc = u * v if acc is None else acc + u * v
        out_v[s] = acc
        return carry

    lax.fori_loop(0, groups, dot, 0)

    pltpu.sync_copy(out_v, out_hbm.at[pl.ds(base, chunk)])


def kernel(users, items, user_table, item_table):
    batch = users.shape[0]
    chunk = batch // NUM_WORKERS
    ut = user_table.T
    it = item_table.T
    mesh = plsc.VectorSubcoreMesh(core_axis_name="c", subcore_axis_name="s")

    def body(*refs):
        _dot_body(chunk, *refs)

    k = pl.kernel(
        body,
        mesh=mesh,
        compiler_params=pltpu.CompilerParams(needs_layout_passes=False),
        out_type=jax.ShapeDtypeStruct((batch,), jnp.float32),
        scratch_types=[
            pltpu.VMEM((chunk,), jnp.int32),
            pltpu.VMEM((chunk,), jnp.int32),
            pltpu.VMEM((chunk,), jnp.float32),
            pltpu.VMEM((LANES, EMBED, 128), jnp.float32),
            pltpu.VMEM((LANES, EMBED, 128), jnp.float32),
            pltpu.SemaphoreType.DMA,
            pltpu.SemaphoreType.DMA,
        ],
    )
    return k(users.astype(jnp.int32), items.astype(jnp.int32), ut, it)

# --- scband reference (transcript-rebuilt; emitter-appended) ---
"""Pipeline reference for scband-dummy-model-30202210025706 (READ-ONLY COPY).

The authoritative reference and input builder live on the scoring server;
editing this copy changes nothing except your own understanding.
"""

import jax, jax.numpy as jnp
import numpy as np

NUM_USERS = 1000000
NUM_ITEMS = 1000000
EMBED_DIM = 8
BATCH = 16384


def setup_inputs(seed: int = 0) -> dict:
    key = jax.random.key(seed)
    k1, k2, k3, k4 = jax.random.split(key, 4)
    users = jax.random.randint(k1, (BATCH,), 0, NUM_USERS, dtype=jnp.int64 if jax.config.jax_enable_x64 else jnp.int32)
    items = jax.random.randint(k2, (BATCH,), 0, NUM_ITEMS, dtype=jnp.int64 if jax.config.jax_enable_x64 else jnp.int32)
    user_table = jax.random.normal(k3, (NUM_USERS, EMBED_DIM), dtype=jnp.float32)
    item_table = jax.random.normal(k4, (NUM_ITEMS, EMBED_DIM), dtype=jnp.float32)
    return {"users": users, "items": items, "user_table": user_table, "item_table": item_table}


def reference(users, items, user_table, item_table):
    u = jnp.take(user_table, users, axis=0)   # [B, 8] embedding lookup (gather)
    i = jnp.take(item_table, items, axis=0)   # [B, 8]
    return (u * i).sum(axis=1)                # [B]

if __name__ == "__main__":
    import jax
    _d = setup_inputs()
    print(jax.jit(kernel)(*tuple(_d.values())))

</pallas_src>

<mosaic_0001>
#map = affine_map<(d0, d1) -> (0)>
#map1 = affine_map<(d0, d1) -> (0, 0)>
module attributes {stable_mosaic.version = 14 : i64} {
  func.func @body(%arg0: i32, %arg1: i32, %arg2: memref<16384xi32, #tpu.memory_space<hbm>>, %arg3: memref<16384xi32, #tpu.memory_space<hbm>>, %arg4: memref<8x1000000xf32, #tpu.memory_space<hbm>>, %arg5: memref<8x1000000xf32, #tpu.memory_space<hbm>>, %arg6: memref<16384xf32, #tpu.memory_space<hbm>>, %arg7: memref<512xi32, #tpu.memory_space<vmem>>, %arg8: memref<512xi32, #tpu.memory_space<vmem>>, %arg9: memref<512xf32, #tpu.memory_space<vmem>>, %arg10: memref<16x8x128xf32, #tpu.memory_space<vmem>>, %arg11: memref<16x8x128xf32, #tpu.memory_space<vmem>>, %arg12: memref<!tpu.dma_semaphore, #tpu.memory_space<semaphore_mem>>, %arg13: memref<!tpu.dma_semaphore, #tpu.memory_space<semaphore_mem>>) attributes {dimension_semantics = [#tpu.dimension_semantics<core_parallel>, #tpu.dimension_semantics<subcore_parallel>], iteration_bounds = array<i64: 2, 16>, scalar_prefetch = 0 : i64, scratch_operands = 7 : i64, tpu.core_type = #tpu.core_type<sc_vector_subcore>, window_params = [{transform_indices = #map}, {transform_indices = #map}, {transform_indices = #map1}, {transform_indices = #map1}, {transform_indices = #map}]} {
    %mul3A = arith.constant 2 : i32
    %mul3A_0 = arith.muli %arg1, %mul3A : i32
    %add3A = arith.addi %mul3A_0, %arg0 : i32
    %mul3A_1 = arith.constant 512 : i32
    %mul3A_2 = arith.muli %add3A, %mul3A_1 : i32
    "tpu.region"() ({
      %run_scoped3A = tpu.sem_alloc : memref<!tpu.dma_semaphore, #tpu.memory_space<semaphore_mem>>
      %dma_start3A = tpu.memref_slice %arg2[%mul3A_2] : memref<16384xi32, #tpu.memory_space<hbm>> -> memref<512xi32, #tpu.memory_space<hbm>>
      %dma_start3A_8 = tpu.memref_slice %arg2[%mul3A_2] : memref<16384xi32, #tpu.memory_space<hbm>> -> memref<512xi32, #tpu.memory_space<hbm>>
      tpu.enqueue_dma source(%dma_start3A_8 : memref<512xi32, #tpu.memory_space<hbm>>) target(%arg7 : memref<512xi32, #tpu.memory_space<vmem>>) target_semaphore(%run_scoped3A : memref<!tpu.dma_semaphore, #tpu.memory_space<semaphore_mem>>)
      %dma_wait3A = tpu.memref_slice %arg2[%mul3A_2] : memref<16384xi32, #tpu.memory_space<hbm>> -> memref<512xi32, #tpu.memory_space<hbm>>
      %dma_wait3A_9 = tpu.memref_slice %arg2[%mul3A_2] : memref<16384xi32, #tpu.memory_space<hbm>> -> memref<512xi32, #tpu.memory_space<hbm>>
      tpu.wait_dma2 semaphore(%run_scoped3A : memref<!tpu.dma_semaphore, #tpu.memory_space<semaphore_mem>>) src(%dma_wait3A_9 : memref<512xi32, #tpu.memory_space<hbm>>) dst(%arg7 : memref<512xi32, #tpu.memory_space<vmem>>)
      tpu.yield
    }) : () -> ()
    "tpu.region"() ({
      %run_scoped3A = tpu.sem_alloc : memref<!tpu.dma_semaphore, #tpu.memory_space<semaphore_mem>>
      %dma_start3A = tpu.memref_slice %arg3[%mul3A_2] : memref<16384xi32, #tpu.memory_space<hbm>> -> memref<512xi32, #tpu.memory_space<hbm>>
      %dma_start3A_8 = tpu.memref_slice %arg3[%mul3A_2] : memref<16384xi32, #tpu.memory_space<hbm>> -> memref<512xi32, #tpu.memory_space<hbm>>
      tpu.enqueue_dma source(%dma_start3A_8 : memref<512xi32, #tpu.memory_space<hbm>>) target(%arg8 : memref<512xi32, #tpu.memory_space<vmem>>) target_semaphore(%run_scoped3A : memref<!tpu.dma_semaphore, #tpu.memory_space<semaphore_mem>>)
      %dma_wait3A = tpu.memref_slice %arg3[%mul3A_2] : memref<16384xi32, #tpu.memory_space<hbm>> -> memref<512xi32, #tpu.memory_space<hbm>>
      %dma_wait3A_9 = tpu.memref_slice %arg3[%mul3A_2] : memref<16384xi32, #tpu.memory_space<hbm>> -> memref<512xi32, #tpu.memory_space<hbm>>
      tpu.wait_dma2 semaphore(%run_scoped3A : memref<!tpu.dma_semaphore, #tpu.memory_space<semaphore_mem>>) src(%dma_wait3A_9 : memref<512xi32, #tpu.memory_space<hbm>>) dst(%arg8 : memref<512xi32, #tpu.memory_space<vmem>>)
      tpu.yield
    }) : () -> ()
    %iota3A = tpu.iota {dimensions = array<i32: 0>} : vector<16xi32>
    %scan3A = arith.constant 0 : i32
    %scan3A_3 = arith.constant 0 : i32
    %scan3A_4 = arith.constant 32 : i32
    %scan3A_5 = arith.addi %scan3A_3, %scan3A_4 : i32
    %scan3A_6 = arith.constant 1 : i32
    scf.for %scan3A_8 = %scan3A_3 to %scan3A_5 step %scan3A_6  : i32 {
      %mul3A_9 = arith.constant 16 : i32
      %mul3A_10 = arith.muli %scan3A_8, %mul3A_9 : i32
      %get3A = arith.index_cast %mul3A_10 : i32 to index
      %get3A_11 = tpu.vector_load %arg7[%get3A] {strides = array<i32>} : memref<512xi32, #tpu.memory_space<vmem>>, vector<16xi32>,
      %get3A_12 = arith.index_cast %mul3A_10 : i32 to index
      %get3A_13 = tpu.vector_load %arg8[%get3A_12] {strides = array<i32>} : memref<512xi32, #tpu.memory_space<vmem>>, vector<16xi32>,
      %slice3A = vector.extract_strided_slice %get3A_11 {offsets = [0], sizes = [1], strides = [1]} : vector<16xi32> to vector<1xi32>
      %squeeze3A = vector.extract %slice3A[0] : i32 from vector<1xi32>
      %shift_right_arithmetic3A = arith.constant 7 : i32
      %shift_right_arithmetic3A_14 = arith.shrsi %squeeze3A, %shift_right_arithmetic3A : i32
      %mul3A_15 = arith.constant 128 : i32
      %mul3A_16 = arith.muli %shift_right_arithmetic3A_14, %mul3A_15 : i32
      %multiple_of3A = tpu.assume_multiple %mul3A_16, 128 : i32
      %slice3A_17 = vector.extract_strided_slice %get3A_13 {offsets = [0], sizes = [1], strides = [1]} : vector<16xi32> to vector<1xi32>
      %squeeze3A_18 = vector.extract %slice3A_17[0] : i32 from vector<1xi32>
      %shift_right_arithmetic3A_19 = arith.constant 7 : i32
      %shift_right_arithmetic3A_20 = arith.shrsi %squeeze3A_18, %shift_right_arithmetic3A_19 : i32
      %mul3A_21 = arith.constant 128 : i32
      %mul3A_22 = arith.muli %shift_right_arithmetic3A_20, %mul3A_21 : i32
      %multiple_of3A_23 = tpu.assume_multiple %mul3A_22, 128 : i32
      %dma_start3A = arith.constant 0 : i32
      %dma_start3A_24 = arith.constant 0 : i32
      %dma_start3A_25 = arith.constant 0 : i32
      %dma_start3A_26 = tpu.memref_slice %arg10[%dma_start3A, %dma_start3A_24, %dma_start3A_25] : memref<16x8x128xf32, #tpu.memory_space<vmem>> -> memref<1x8x128xf32, #tpu.memory_space<vmem>>
      %dma_start3A_27 = tpu.memref_squeeze %dma_start3A_26 : memref<1x8x128xf32, #tpu.memory_space<vmem>> -> memref<8x128xf32, #tpu.memory_space<vmem>>
      %dma_start3A_28 = arith.constant 0 : i32
      %dma_start3A_29 = tpu.memref_slice %arg4[%dma_start3A_28, %multiple_of3A] : memref<8x1000000xf32, #tpu.memory_space<hbm>> -> memref<8x128xf32, #tpu.memory_space<hbm>>
      %dma_start3A_30 = arith.constant 0 : i32
      %dma_start3A_31 = arith.constant 0 : i32
      %dma_start3A_32 = tpu.memref_slice %arg10[%dma_start3A, %dma_start3A_30, %dma_start3A_31] : memref<16x8x128xf32, #tpu.memory_space<vmem>> -> memref<1x8x128xf32, #tpu.memory_space<vmem>>
      %dma_start3A_33 = tpu.memref_squeeze %dma_start3A_32 : memref<1x8x128xf32, #tpu.memory_space<vmem>> -> memref<8x128xf32, #tpu.memory_space<vmem>>
      %dma_start3A_34 = arith.constant 0 : i32
      %dma_start3A_35 = tpu.memref_slice %arg4[%dma_start3A_34, %multiple_of3A] : memref<8x1000000xf32, #tpu.memory_space<hbm>> -> memref<8x128xf32, #tpu.memory_space<hbm>>
      tpu.enqueue_dma source(%dma_start3A_35 : memref<8x128xf32, #tpu.memory_space<hbm>>) target(%dma_start3A_33 : memref<8x128xf32, #tpu.memory_space<vmem>>) target_semaphore(%arg12 : memref<!tpu.dma_semaphore, #tpu.memory_space<semaphore_mem>>)
      %dma_start3A_36 = arith.constant 0 : i32
      %dma_start3A_37 = arith.constant 0 : i32
      %dma_start3A_38 = arith.constant 0 : i32
      %dma_start3A_39 = tpu.memref_slice %arg11[%dma_start3A_36, %dma_start3A_37, %dma_start3A_38] : memref<16x8x128xf32, #tpu.memory_space<vmem>> -> memref<1x8x128xf32, #tpu.memory_space<vmem>>
      %dma_start3A_40 = tpu.memref_squeeze %dma_start3A_39 : memref<1x8x128xf32, #tpu.memory_space<vmem>> -> memref<8x128xf32, #tpu.memory_space<vmem>>
      %dma_start3A_41 = arith.constant 0 : i32
      %dma_start3A_42 = tpu.memref_slice %arg5[%dma_start3A_41, %multiple_of3A_23] : memref<8x1000000xf32, #tpu.memory_space<hbm>> -> memref<8x128xf32, #tpu.memory_space<hbm>>
      %dma_start3A_43 = arith.constant 0 : i32
      %dma_start3A_44 = arith.constant 0 : i32
      %dma_start3A_45 = tpu.memref_slice %arg11[%dma_start3A_36, %dma_start3A_43, %dma_start3A_44] : memref<16x8x128xf32, #tpu.memory_space<vmem>> -> memref<1x8x128xf32, #tpu.memory_space<vmem>>
      %dma_start3A_46 = tpu.memref_squeeze %dma_start3A_45 : memref<1x8x128xf32, #tpu.memory_space<vmem>> -> memref<8x128xf32, #tpu.memory_space<vmem>>
      %dma_start3A_47 = arith.constant 0 : i32
      %dma_start3A_48 = tpu.memref_slice %arg5[%dma_start3A_47, %multiple_of3A_23] : memref<8x1000000xf32, #tpu.memory_space<hbm>> -> memref<8x128xf32, #tpu.memory_space<hbm>>
      tpu.enqueue_dma source(%dma_start3A_48 : memref<8x128xf32, #tpu.memory_space<hbm>>) target(%dma_start3A_46 : memref<8x128xf32, #tpu.memory_space<vmem>>) target_semaphore(%arg13 : memref<!tpu.dma_semaphore, #tpu.memory_space<semaphore_mem>>)
      %slice3A_49 = vector.extract_strided_slice %get3A_11 {offsets = [1], sizes = [1], strides = [1]} : vector<16xi32> to vector<1xi32>
      %squeeze3A_50 = vector.extract %slice3A_49[0] : i32 from vector<1xi32>
      %shift_right_arithmetic3A_51 = arith.constant 7 : i32
      %shift_right_arithmetic3A_52 = arith.shrsi %squeeze3A_50, %shift_right_arithmetic3A_51 : i32
      %mul3A_53 = arith.constant 128 : i32
      %mul3A_54 = arith.muli %shift_right_arithmetic3A_52, %mul3A_53 : i32
      %multiple_of3A_55 = tpu.assume_multiple %mul3A_54, 128 : i32
      %slice3A_56 = vector.extract_strided_slice %get3A_13 {offsets = [1], sizes = [1], strides = [1]} : vector<16xi32> to vector<1xi32>
      %squeeze3A_57 = vector.extract %slice3A_56[0] : i32 from vector<1xi32>
      %shift_right_arithmetic3A_58 = arith.constant 7 : i32
      %shift_right_arithmetic3A_59 = arith.shrsi %squeeze3A_57, %shift_right_arithmetic3A_58 : i32
      %mul3A_60 = arith.constant 128 : i32
      %mul3A_61 = arith.muli %shift_right_arithmetic3A_59, %mul3A_60 : i32
      %multiple_of3A_62 = tpu.assume_multiple %mul3A_61, 128 : i32
      %dma_start3A_63 = arith.constant 1 : i32
      %dma_start3A_64 = arith.constant 0 : i32
      %dma_start3A_65 = arith.constant 0 : i32
      %dma_start3A_66 = tpu.memref_slice %arg10[%dma_start3A_63, %dma_start3A_64, %dma_start3A_65] : memref<16x8x128xf32, #tpu.memory_space<vmem>> -> memref<1x8x128xf32, #tpu.memory_space<vmem>>
      %dma_start3A_67 = tpu.memref_squeeze %dma_start3A_66 : memref<1x8x128xf32, #tpu.memory_space<vmem>> -> memref<8x128xf32, #tpu.memory_space<vmem>>
      %dma_start3A_68 = arith.constant 0 : i32
      %dma_start3A_69 = tpu.memref_slice %arg4[%dma_start3A_68, %multiple_of3A_55] : memref<8x1000000xf32, #tpu.memory_space<hbm>> -> memref<8x128xf32, #tpu.memory_space<hbm>>
      %dma_start3A_70 = arith.constant 0 : i32
      %dma_start3A_71 = arith.constant 0 : i32
      %dma_start3A_72 = tpu.memref_slice %arg10[%dma_start3A_63, %dma_start3A_70, %dma_start3A_71] : memref<16x8x128xf32, #tpu.memory_space<vmem>> -> memref<1x8x128xf32, #tpu.memory_space<vmem>>
      %dma_start3A_73 = tpu.memref_squeeze %dma_start3A_72 : memref<1x8x128xf32, #tpu.memory_space<vmem>> -> memref<8x128xf32, #tpu.memory_space<vmem>>
      %dma_start3A_74 = arith.constant 0 : i32
      %dma_start3A_75 = tpu.memref_slice %arg4[%dma_start3A_74, %multiple_of3A_55] : memref<8x1000000xf32, #tpu.memory_space<hbm>> -> memref<8x128xf32, #tpu.memory_space<hbm>>
      tpu.enqueue_dma source(%dma_start3A_75 : memref<8x128xf32, #tpu.memory_space<hbm>>) target(%dma_start3A_73 : memref<8x128xf32, #tpu.memory_space<vmem>>) target_semaphore(%arg12 : memref<!tpu.dma_semaphore, #tpu.memory_space<semaphore_mem>>)
      %dma_start3A_76 = arith.constant 1 : i32
      %dma_start3A_77 = arith.constant 0 : i32
      %dma_start3A_78 = arith.constant 0 : i32
      %dma_start3A_79 = tpu.memref_slice %arg11[%dma_start3A_76, %dma_start3A_77, %dma_start3A_78] : memref<16x8x128xf32, #tpu.memory_space<vmem>> -> memref<1x8x128xf32, #tpu.memory_space<vmem>>
      %dma_start3A_80 = tpu.memref_squeeze %dma_start3A_79 : memref<1x8x128xf32, #tpu.memory_space<vmem>> -> memref<8x128xf32, #tpu.memory_space<vmem>>
      %dma_start3A_81 = arith.constant 0 : i32
      %dma_start3A_82 = tpu.memref_slice %arg5[%dma_start3A_81, %multiple_of3A_62] : memref<8x1000000xf32, #tpu.memory_space<hbm>> -> memref<8x128xf32, #tpu.memory_space<hbm>>
      %dma_start3A_83 = arith.constant 0 : i32
      %dma_start3A_84 = arith.constant 0 : i32
      %dma_start3A_85 = tpu.memref_slice %arg11[%dma_start3A_76, %dma_start3A_83, %dma_start3A_84] : memref<16x8x128xf32, #tpu.memory_space<vmem>> -> memref<1x8x128xf32, #tpu.memory_space<vmem>>
      %dma_start3A_86 = tpu.memref_squeeze %dma_start3A_85 : memref<1x8x128xf32, #tpu.memory_space<vmem>> -> memref<8x128xf32, #tpu.memory_space<vmem>>
      %dma_start3A_87 = arith.constant 0 : i32
      %dma_start3A_88 = tpu.memref_slice %arg5[%dma_start3A_87, %multiple_of3A_62] : memref<8x1000000xf32, #tpu.memory_space<hbm>> -> memref<8x128xf32, #tpu.memory_space<hbm>>
      tpu.enqueue_dma source(%dma_start3A_88 : memref<8x128xf32, #tpu.memory_space<hbm>>) target(%dma_start3A_86 : memref<8x128xf32, #tpu.memory_space<vmem>>) target_semaphore(%arg13 : memref<!tpu.dma_semaphore, #tpu.memory_space<semaphore_mem>>)
      %slice3A_89 = vector.extract_strided_slice %get3A_11 {offsets = [2], sizes = [1], strides = [1]} : vector<16xi32> to vector<1xi32>
      %squeeze3A_90 = vector.extract %slice3A_89[0] : i32 from vector<1xi32>
      %shift_right_arithmetic3A_91 = arith.constant 7 : i32
      %shift_right_arithmetic3A_92 = arith.shrsi %squeeze3A_90, %shift_right_arithmetic3A_91 : i32
      %mul3A_93 = arith.constant 128 : i32
      %mul3A_94 = arith.muli %shift_right_arithmetic3A_92, %mul3A_93 : i32
      %multiple_of3A_95 = tpu.assume_multiple %mul3A_94, 128 : i32
      %slice3A_96 = vector.extract_strided_slice %get3A_13 {offsets = [2], sizes = [1], strides = [1]} : vector<16xi32> to vector<1xi32>
      %squeeze3A_97 = vector.extract %slice3A_96[0] : i32 from vector<1xi32>
      %shift_right_arithmetic3A_98 = arith.constant 7 : i32
      %shift_right_arithmetic3A_99 = arith.shrsi %squeeze3A_97, %shift_right_arithmetic3A_98 : i32
      %mul3A_100 = arith.constant 128 : i32
      %mul3A_101 = arith.muli %shift_right_arithmetic3A_99, %mul3A_100 : i32
      %multiple_of3A_102 = tpu.assume_multiple %mul3A_101, 128 : i32
      %dma_start3A_103 = arith.constant 2 : i32
      %dma_start3A_104 = arith.constant 0 : i32
      %dma_start3A_105 = arith.constant 0 : i32
      %dma_start3A_106 = tpu.memref_slice %arg10[%dma_start3A_103, %dma_start3A_104, %dma_start3A_105] : memref<16x8x128xf32, #tpu.memory_space<vmem>> -> memref<1x8x128xf32, #tpu.memory_space<vmem>>
      %dma_start3A_107 = tpu.memref_squeeze %dma_start3A_106 : memref<1x8x128xf32, #tpu.memory_space<vmem>> -> memref<8x128xf32, #tpu.memory_space<vmem>>
      %dma_start3A_108 = arith.constant 0 : i32
      %dma_start3A_109 = tpu.memref_slice %arg4[%dma_start3A_108, %multiple_of3A_95] : memref<8x1000000xf32, #tpu.memory_space<hbm>> -> memref<8x128xf32, #tpu.memory_space<hbm>>
      %dma_start3A_110 = arith.constant 0 : i32
      %dma_start3A_111 = arith.constant 0 : i32
      %dma_start3A_112 = tpu.memref_slice %arg10[%dma_start3A_103, %dma_start3A_110, %dma_start3A_111] : memref<16x8x128xf32, #tpu.memory_space<vmem>> -> memref<1x8x128xf32, #tpu.memory_space<vmem>>
      %dma_start3A_113 = tpu.memref_squeeze %dma_start3A_112 : memref<1x8x128xf32, #tpu.memory_space<vmem>> -> memref<8x128xf32, #tpu.memory_space<vmem>>
      %dma_start3A_114 = arith.constant 0 : i32
      %dma_start3A_115 = tpu.memref_slice %arg4[%dma_start3A_114, %multiple_of3A_95] : memref<8x1000000xf32, #tpu.memory_space<hbm>> -> memref<8x128xf32, #tpu.memory_space<hbm>>
      tpu.enqueue_dma source(%dma_start3A_115 : memref<8x128xf32, #tpu.memory_space<hbm>>) target(%dma_start3A_113 : memref<8x128xf32, #tpu.memory_space<vmem>>) target_semaphore(%arg12 : memref<!tpu.dma_semaphore, #tpu.memory_space<semaphore_mem>>)
      %dma_start3A_116 = arith.constant 2 : i32
      %dma_start3A_117 = arith.constant 0 : i32
      %dma_start3A_118 = arith.constant 0 : i32
      %dma_start3A_119 = tpu.memref_slice %arg11[%dma_start3A_116, %dma_start3A_117, %dma_start3A_118] : memref<16x8x128xf32, #tpu.memory_space<vmem>> -> memref<1x8x128xf32, #tpu.memory_space<vmem>>
      %dma_start3A_120 = tpu.memref_squeeze %dma_start3A_119 : memref<1x8x128xf32, #tpu.memory_space<vmem>> -> memref<8x128xf32, #tpu.memory_space<vmem>>
      %dma_start3A_121 = arith.constant 0 : i32
      %dma_start3A_122 = tpu.memref_slice %arg5[%dma_start3A_121, %multiple_of3A_102] : memref<8x1000000xf32, #tpu.memory_space<hbm>> -> memref<8x128xf32, #tpu.memory_space<hbm>>
      %dma_start3A_123 = arith.constant 0 : i32
      %dma_start3A_124 = arith.constant 0 : i32
      %dma_start3A_125 = tpu.memref_slice %arg11[%dma_start3A_116, %dma_start3A_123, %dma_start3A_124] : memref<16x8x128xf32, #tpu.memory_space<vmem>> -> memref<1x8x128xf32, #tpu.memory_space<vmem>>
      %dma_start3A_126 = tpu.memref_squeeze %dma_start3A_125 : memref<1x8x128xf32, #tpu.memory_space<vmem>> -> memref<8x128xf32, #tpu.memory_space<vmem>>
      %dma_start3A_127 = arith.constant 0 : i32
      %dma_start3A_128 = tpu.memref_slice %arg5[%dma_start3A_127, %multiple_of3A_102] : memref<8x1000000xf32, #tpu.memory_space<hbm>> -> memref<8x128xf32, #tpu.memory_space<hbm>>
      tpu.enqueue_dma source(%dma_start3A_128 : memref<8x128xf32, #tpu.memory_space<hbm>>) target(%dma_start3A_126 : memref<8x128xf32, #tpu.memory_space<vmem>>) target_semaphore(%arg13 : memref<!tpu.dma_semaphore, #tpu.memory_space<semaphore_mem>>)
      %slice3A_129 = vector.extract_strided_slice %get3A_11 {offsets = [3], sizes = [1], strides = [1]} : vector<16xi32> to vector<1xi32>
      %squeeze3A_130 = vector.extract %slice3A_129[0] : i32 from vector<1xi32>
      %shift_right_arithmetic3A_131 = arith.constant 7 : i32
      %shift_right_arithmetic3A_132 = arith.shrsi %squeeze3A_130, %shift_right_arithmetic3A_131 : i32
      %mul3A_133 = arith.constant 128 : i32
      %mul3A_134 = arith.muli %shift_right_arithmetic3A_132, %mul3A_133 : i32
      %multiple_of3A_135 = tpu.assume_multiple %mul3A_134, 128 : i32
      %slice3A_136 = vector.extract_strided_slice %get3A_13 {offsets = [3], sizes = [1], strides = [1]} : vector<16xi32> to vector<1xi32>
      %squeeze3A_137 = vector.extract %slice3A_136[0] : i32 from vector<1xi32>
      %shift_right_arithmetic3A_138 = arith.constant 7 : i32
      %shift_right_arithmetic3A_139 = arith.shrsi %squeeze3A_137, %shift_right_arithmetic3A_138 : i32
      %mul3A_140 = arith.constant 128 : i32
      %mul3A_141 = arith.muli %shift_right_arithmetic3A_139, %mul3A_140 : i32
      %multiple_of3A_142 = tpu.assume_multiple %mul3A_141, 128 : i32
      %dma_start3A_143 = arith.constant 3 : i32
      %dma_start3A_144 = arith.constant 0 : i32
      %dma_start3A_145 = arith.constant 0 : i32
      %dma_start3A_146 = tpu.memref_slice %arg10[%dma_start3A_143, %dma_start3A_144, %dma_start3A_145] : memref<16x8x128xf32, #tpu.memory_space<vmem>> -> memref<1x8x128xf32, #tpu.memory_space<vmem>>
      %dma_start3A_147 = tpu.memref_squeeze %dma_start3A_146 : memref<1x8x128xf32, #tpu.memory_space<vmem>> -> memref<8x128xf32, #tpu.memory_space<vmem>>
      %dma_start3A_148 = arith.constant 0 : i32
      %dma_start3A_149 = tpu.memref_slice %arg4[%dma_start3A_148, %multiple_of3A_135] : memref<8x1000000xf32, #tpu.memory_space<hbm>> -> memref<8x128xf32, #tpu.memory_space<hbm>>
      %dma_start3A_150 = arith.constant 0 : i32
      %dma_start3A_151 = arith.constant 0 : i32
      %dma_start3A_152 = tpu.memref_slice %arg10[%dma_start3A_143, %dma_start3A_150, %dma_start3A_151] : memref<16x8x128xf32, #tpu.memory_space<vmem>> -> memref<1x8x128xf32, #tpu.memory_space<vmem>>
      %dma_start3A_153 = tpu.memref_squeeze %dma_start3A_152 : memref<1x8x128xf32, #tpu.memory_space<vmem>> -> memref<8x128xf32, #tpu.memory_space<vmem>>
      %dma_start3A_154 = arith.constant 0 : i32
      %dma_start3A_155 = tpu.memref_slice %arg4[%dma_start3A_154, %multiple_of3A_135] : memref<8x1000000xf32, #tpu.memory_space<hbm>> -> memref<8x128xf32, #tpu.memory_space<hbm>>
      tpu.enqueue_dma source(%dma_start3A_155 : memref<8x128xf32, #tpu.memory_space<hbm>>) target(%dma_start3A_153 : memref<8x128xf32, #tpu.memory_space<vmem>>) target_semaphore(%arg12 : memref<!tpu.dma_semaphore, #tpu.memory_space<semaphore_mem>>)
      %dma_start3A_156 = arith.constant 3 : i32
      %dma_start3A_157 = arith.constant 0 : i32
      %dma_start3A_158 = arith.constant 0 : i32
      %dma_start3A_159 = tpu.memref_slice %arg11[%dma_start3A_156, %dma_start3A_157, %dma_start3A_158] : memref<16x8x128xf32, #tpu.memory_space<vmem>> -> memref<1x8x128xf32, #tpu.memory_space<vmem>>
      %dma_start3A_160 = tpu.memref_squeeze %dma_start3A_159 : memref<1x8x128xf32, #tpu.memory_space<vmem>> -> memref<8x128xf32, #tpu.memory_space<vmem>>
      %dma_start3A_161 = arith.constant 0 : i32
      %dma_start3A_162 = tpu.memref_slice %arg5[%dma_start3A_161, %multiple_of3A_142] : memref<8x1000000xf32, #tpu.memory_space<hbm>> -> memref<8x128xf32, #tpu.memory_space<hbm>>
      %dma_start3A_163 = arith.constant 0 : i32
      %dma_start3A_164 = arith.constant 0 : i32
      %dma_start3A_165 = tpu.memref_slice %arg11[%dma_start3A_156, %dma_start3A_163, %dma_start3A_164] : memref<16x8x128xf32, #tpu.memory_space<vmem>> -> memref<1x8x128xf32, #tpu.memory_space<vmem>>
      %dma_start3A_166 = tpu.memref_squeeze %dma_start3A_165 : memref<1x8x128xf32, #tpu.memory_space<vmem>> -> memref<8x128xf32, #tpu.memory_space<vmem>>
      %dma_start3A_167 = arith.constant 0 : i32
      %dma_start3A_168 = tpu.memref_slice %arg5[%dma_start3A_167, %multiple_of3A_142] : memref<8x1000000xf32, #tpu.memory_space<hbm>> -> memref<8x128xf32, #tpu.memory_space<hbm>>
      tpu.enqueue_dma source(%dma_start3A_168 : memref<8x128xf32, #tpu.memory_space<hbm>>) target(%dma_start3A_166 : memref<8x128xf32, #tpu.memory_space<vmem>>) target_semaphore(%arg13 : memref<!tpu.dma_semaphore, #tpu.memory_space<semaphore_mem>>)
      %slice3A_169 = vector.extract_strided_slice %get3A_11 {offsets = [4], sizes = [1], strides = [1]} : vector<16xi32> to vector<1xi32>
      %squeeze3A_170 = vector.extract %slice3A_169[0] : i32 from vector<1xi32>
      %shift_right_arithmetic3A_171 = arith.constant 7 : i32
      %shift_right_arithmetic3A_172 = arith.shrsi %squeeze3A_170, %shift_right_arithmetic3A_171 : i32
      %mul3A_173 = arith.constant 128 : i32
      %mul3A_174 = arith.muli %shift_right_arithmetic3A_172, %mul3A_173 : i32
      %multiple_of3A_175 = tpu.assume_multiple %mul3A_174, 128 : i32
      %slice3A_176 = vector.extract_strided_slice %get3A_13 {offsets = [4], sizes = [1], strides = [1]} : vector<16xi32> to vector<1xi32>
      %squeeze3A_177 = vector.extract %slice3A_176[0] : i32 from vector<1xi32>
      %shift_right_arithmetic3A_178 = arith.constant 7 : i32
      %shift_right_arithmetic3A_179 = arith.shrsi %squeeze3A_177, %shift_right_arithmetic3A_178 : i32
      %mul3A_180 = arith.constant 128 : i32
      %mul3A_181 = arith.muli %shift_right_arithmetic3A_179, %mul3A_180 : i32
      %multiple_of3A_182 = tpu.assume_multiple %mul3A_181, 128 : i32
      %dma_start3A_183 = arith.constant 4 : i32
      %dma_start3A_184 = arith.constant 0 : i32
      %dma_start3A_185 = arith.constant 0 : i32
      %dma_start3A_186 = tpu.memref_slice %arg10[%dma_start3A_183, %dma_start3A_184, %dma_start3A_185] : memref<16x8x128xf32, #tpu.memory_space<vmem>> -> memref<1x8x128xf32, #tpu.memory_space<vmem>>
      %dma_start3A_187 = tpu.memref_squeeze %dma_start3A_186 : memref<1x8x128xf32, #tpu.memory_space<vmem>> -> memref<8x128xf32, #tpu.memory_space<vmem>>
      %dma_start3A_188 = arith.constant 0 : i32
      %dma_start3A_189 = tpu.memref_slice %arg4[%dma_start3A_188, %multiple_of3A_175] : memref<8x1000000xf32, #tpu.memory_space<hbm>> -> memref<8x128xf32, #tpu.memory_space<hbm>>
      %dma_start3A_190 = arith.constant 0 : i32
      %dma_start3A_191 = arith.constant 0 : i32
      %dma_start3A_192 = tpu.memref_slice %arg10[%dma_start3A_183, %dma_start3A_190, %dma_start3A_191] : memref<16x8x128xf32, #tpu.memory_space<vmem>> -> memref<1x8x128xf32, #tpu.memory_space<vmem>>
      %dma_start3A_193 = tpu.memref_squeeze %dma_start3A_192 : memref<1x8x128xf32, #tpu.memory_space<vmem>> -> memref<8x128xf32, #tpu.memory_space<vmem>>
      %dma_start3A_194 = arith.constant 0 : i32
      %dma_start3A_195 = tpu.memref_slice %arg4[%dma_start3A_194, %multiple_of3A_175] : memref<8x1000000xf32, #tpu.memory_space<hbm>> -> memref<8x128xf32, #tpu.memory_space<hbm>>
      tpu.enqueue_dma source(%dma_start3A_195 : memref<8x128xf32, #tpu.memory_space<hbm>>) target(%dma_start3A_193 : memref<8x128xf32, #tpu.memory_space<vmem>>) target_semaphore(%arg12 : memref<!tpu.dma_semaphore, #tpu.memory_space<semaphore_mem>>)
      %dma_start3A_196 = arith.constant 4 : i32
      %dma_start3A_197 = arith.constant 0 : i32
      %dma_start3A_198 = arith.constant 0 : i32
      %dma_start3A_199 = tpu.memref_slice %arg11[%dma_start3A_196, %dma_start3A_197, %dma_start3A_198] : memref<16x8x128xf32, #tpu.memory_space<vmem>> -> memref<1x8x128xf32, #tpu.memory_space<vmem>>
      %dma_start3A_200 = tpu.memref_squeeze %dma_start3A_199 : memref<1x8x128xf32, #tpu.memory_space<vmem>> -> memref<8x128xf32, #tpu.memory_space<vmem>>
      %dma_start3A_201 = arith.constant 0 : i32
      %dma_start3A_202 = tpu.memref_slice %arg5[%dma_start3A_201, %multiple_of3A_182] : memref<8x1000000xf32, #tpu.memory_space<hbm>> -> memref<8x128xf32, #tpu.memory_space<hbm>>
      %dma_start3A_203 = arith.constant 0 : i32
      %dma_start3A_204 = arith.constant 0 : i32
      %dma_start3A_205 = tpu.memref_slice %arg11[%dma_start3A_196, %dma_start3A_203, %dma_start3A_204] : memref<16x8x128xf32, #tpu.memory_space<vmem>> -> memref<1x8x128xf32, #tpu.memory_space<vmem>>
      %dma_start3A_206 = tpu.memref_squeeze %dma_start3A_205 : memref<1x8x128xf32, #tpu.memory_space<vmem>> -> memref<8x128xf32, #tpu.memory_space<vmem>>
      %dma_start3A_207 = arith.constant 0 : i32
      %dma_start3A_208 = tpu.memref_slice %arg5[%dma_start3A_207, %multiple_of3A_182] : memref<8x1000000xf32, #tpu.memory_space<hbm>> -> memref<8x128xf32, #tpu.memory_space<hbm>>
      tpu.enqueue_dma source(%dma_start3A_208 : memref<8x128xf32, #tpu.memory_space<hbm>>) target(%dma_start3A_206 : memref<8x128xf32, #tpu.memory_space<vmem>>) target_semaphore(%arg13 : memref<!tpu.dma_semaphore, #tpu.memory_space<semaphore_mem>>)
      %slice3A_209 = vector.extract_strided_slice %get3A_11 {offsets = [5], sizes = [1], strides = [1]} : vector<16xi32> to vector<1xi32>
      %squeeze3A_210 = vector.extract %slice3A_209[0] : i32 from vector<1xi32>
      %shift_right_arithmetic3A_211 = arith.constant 7 : i32
      %shift_right_arithmetic3A_212 = arith.shrsi %squeeze3A_210, %shift_right_arithmetic3A_211 : i32
      %mul3A_213 = arith.constant 128 : i32
      %mul3A_214 = arith.muli %shift_right_arithmetic3A_212, %mul3A_213 : i32
      %multiple_of3A_215 = tpu.assume_multiple %mul3A_214, 128 : i32
      %slice3A_216 = vector.extract_strided_slice %get3A_13 {offsets = [5], sizes = [1], strides = [1]} : vector<16xi32> to vector<1xi32>
      %squeeze3A_217 = vector.extract %slice3A_216[0] : i32 from vector<1xi32>
      %shift_right_arithmetic3A_218 = arith.constant 7 : i32
      %shift_right_arithmetic3A_219 = arith.shrsi %squeeze3A_217, %shift_right_arithmetic3A_218 : i32
      %mul3A_220 = arith.constant 128 : i32
      %mul3A_221 = arith.muli %shift_right_arithmetic3A_219, %mul3A_220 : i32
      %multiple_of3A_222 = tpu.assume_multiple %mul3A_221, 128 : i32
      %dma_start3A_223 = arith.constant 5 : i32
      %dma_start3A_224 = arith.constant 0 : i32
      %dma_start3A_225 = arith.constant 0 : i32
      %dma_start3A_226 = tpu.memref_slice %arg10[%dma_start3A_223, %dma_start3A_224, %dma_start3A_225] : memref<16x8x128xf32, #tpu.memory_space<vmem>> -> memref<1x8x128xf32, #tpu.memory_space<vmem>>
      %dma_start3A_227 = tpu.memref_squeeze %dma_start3A_226 : memref<1x8x128xf32, #tpu.memory_space<vmem>> -> memref<8x128xf32, #tpu.memory_space<vmem>>
      %dma_start3A_228 = arith.constant 0 : i32
      %dma_start3A_229 = tpu.memref_slice %arg4[%dma_start3A_228, %multiple_of3A_215] : memref<8x1000000xf32, #tpu.memory_space<hbm>> -> memref<8x128xf32, #tpu.memory_space<hbm>>
      %dma_start3A_230 = arith.constant 0 : i32
      %dma_start3A_231 = arith.constant 0 : i32
      %dma_start3A_232 = tpu.memref_slice %arg10[%dma_start3A_223, %dma_start3A_230, %dma_start3A_231] : memref<16x8x128xf32, #tpu.memory_space<vmem>> -> memref<1x8x128xf32, #tpu.memory_space<vmem>>
      %dma_start3A_233 = tpu.memref_squeeze %dma_start3A_232 : memref<1x8x128xf32, #tpu.memory_space<vmem>> -> memref<8x128xf32, #tpu.memory_space<vmem>>
      %dma_start3A_234 = arith.constant 0 : i32
      %dma_start3A_235 = tpu.memref_slice %arg4[%dma_start3A_234, %multiple_of3A_215] : memref<8x1000000xf32, #tpu.memory_space<hbm>> -> memref<8x128xf32, #tpu.memory_space<hbm>>
      tpu.enqueue_dma source(%dma_start3A_235 : memref<8x128xf32, #tpu.memory_space<hbm>>) target(%dma_start3A_233 : memref<8x128xf32, #tpu.memory_space<vmem>>) target_semaphore(%arg12 : memref<!tpu.dma_semaphore, #tpu.memory_space<semaphore_mem>>)
      %dma_start3A_236 = arith.constant 5 : i32
      %dma_start3A_237 = arith.constant 0 : i32
      %dma_start3A_238 = arith.constant 0 : i32
      %dma_start3A_239 = tpu.memref_slice %arg11[%dma_start3A_236, %dma_start3A_237, %dma_start3A_238] : memref<16x8x128xf32, #tpu.memory_space<vmem>> -> memref<1x8x128xf32, #tpu.memory_space<vmem>>
      %dma_start3A_240 = tpu.memref_squeeze %dma_start3A_239 : memref<1x8x128xf32, #tpu.memory_space<vmem>> -> memref<8x128xf32, #tpu.memory_space<vmem>>
      %dma_start3A_241 = arith.constant 0 : i32
      %dma_start3A_242 = tpu.memref_slice %arg5[%dma_start3A_241, %multiple_of3A_222] : memref<8x1000000xf32, #tpu.memory_space<hbm>> -> memref<8x128xf32, #tpu.memory_space<hbm>>
      %dma_start3A_243 = arith.constant 0 : i32
      %dma_start3A_244 = arith.constant 0 : i32
      %dma_start3A_245 = tpu.memref_slice %arg11[%dma_start3A_236, %dma_start3A_243, %dma_start3A_244] : memref<16x8x128xf32, #tpu.memory_space<vmem>> -> memref<1x8x128xf32, #tpu.memory_space<vmem>>
      %dma_start3A_246 = tpu.memref_squeeze %dma_start3A_245 : memref<1x8x128xf32, #tpu.memory_space<vmem>> -> memref<8x128xf32, #tpu.memory_space<vmem>>
      %dma_start3A_247 = arith.constant 0 : i32
      %dma_start3A_248 = tpu.memref_slice %arg5[%dma_start3A_247, %multiple_of3A_222] : memref<8x1000000xf32, #tpu.memory_space<hbm>> -> memref<8x128xf32, #tpu.memory_space<hbm>>
      tpu.enqueue_dma source(%dma_start3A_248 : memref<8x128xf32, #tpu.memory_space<hbm>>) target(%dma_start3A_246 : memref<8x128xf32, #tpu.memory_space<vmem>>) target_semaphore(%arg13 : memref<!tpu.dma_semaphore, #tpu.memory_space<semaphore_mem>>)
      %slice3A_249 = vector.extract_strided_slice %get3A_11 {offsets = [6], sizes = [1], strides = [1]} : vector<16xi32> to vector<1xi32>
      %squeeze3A_250 = vector.extract %slice3A_249[0] : i32 from vector<1xi32>
      %shift_right_arithmetic3A_251 = arith.constant 7 : i32
      %shift_right_arithmetic3A_252 = arith.shrsi %squeeze3A_250, %shift_right_arithmetic3A_251 : i32
      %mul3A_253 = arith.constant 128 : i32
      %mul3A_254 = arith.muli %shift_right_arithmetic3A_252, %mul3A_253 : i32
      %multiple_of3A_255 = tpu.assume_multiple %mul3A_254, 128 : i32
      %slice3A_256 = vector.extract_strided_slice %get3A_13 {offsets = [6], sizes = [1], strides = [1]} : vector<16xi32> to vector<1xi32>
      %squeeze3A_257 = vector.extract %slice3A_256[0] : i32 from vector<1xi32>
      %shift_right_arithmetic3A_258 = arith.constant 7 : i32
      %shift_right_arithmetic3A_259 = arith.shrsi %squeeze3A_257, %shift_right_arithmetic3A_258 : i32
      %mul3A_260 = arith.constant 128 : i32
      %mul3A_261 = arith.muli %shift_right_arithmetic3A_259, %mul3A_260 : i32
      %multiple_of3A_262 = tpu.assume_multiple %mul3A_261, 128 : i32
      %dma_start3A_263 = arith.constant 6 : i32
      %dma_start3A_264 = arith.constant 0 : i32
      %dma_start3A_265 = arith.constant 0 : i32
      %dma_start3A_266 = tpu.memref_slice %arg10[%dma_start3A_263, %dma_start3A_264, %dma_start3A_265] : memref<16x8x128xf32, #tpu.memory_space<vmem>> -> memref<1x8x128xf32, #tpu.memory_space<vmem>>
      %dma_start3A_267 = tpu.memref_squeeze %dma_start3A_266 : memref<1x8x128xf32, #tpu.memory_space<vmem>> -> memref<8x128xf32, #tpu.memory_space<vmem>>
      %dma_start3A_268 = arith.constant 0 : i32
      %dma_start3A_269 = tpu.memref_slice %arg4[%dma_start3A_268, %multiple_of3A_255] : memref<8x1000000xf32, #tpu.memory_space<hbm>> -> memref<8x128xf32, #tpu.memory_space<hbm>>
      %dma_start3A_270 = arith.constant 0 : i32
      %dma_start3A_271 = arith.constant 0 : i32
      %dma_start3A_272 = tpu.memref_slice %arg10[%dma_start3A_263, %dma_start3A_270, %dma_start3A_271] : memref<16x8x128xf32, #tpu.memory_space<vmem>> -> memref<1x8x128xf32, #tpu.memory_space<vmem>>
      %dma_start3A_273 = tpu.memref_squeeze %dma_start3A_272 : memref<1x8x128xf32, #tpu.memory_space<vmem>> -> memref<8x128xf32, #tpu.memory_space<vmem>>
      %dma_start3A_274 = arith.constant 0 : i32
      %dma_start3A_275 = tpu.memref_slice %arg4[%dma_start3A_274, %multiple_of3A_255] : memref<8x1000000xf32, #tpu.memory_space<hbm>> -> memref<8x128xf32, #tpu.memory_space<hbm>>
      tpu.enqueue_dma source(%dma_start3A_275 : memref<8x128xf32, #tpu.memory_space<hbm>>) target(%dma_start3A_273 : memref<8x128xf32, #tpu.memory_space<vmem>>) target_semaphore(%arg12 : memref<!tpu.dma_semaphore, #tpu.memory_space<semaphore_mem>>)
      %dma_start3A_276 = arith.constant 6 : i32
      %dma_start3A_277 = arith.constant 0 : i32
      %dma_start3A_278 = arith.constant 0 : i32
      %dma_start3A_279 = tpu.memref_slice %arg11[%dma_start3A_276, %dma_start3A_277, %dma_start3A_278] : memref<16x8x128xf32, #tpu.memory_space<vmem>> -> memref<1x8x128xf32, #tpu.memory_space<vmem>>
      %dma_start3A_280 = tpu.memref_squeeze %dma_start3A_279 : memref<1x8x128xf32, #tpu.memory_space<vmem>> -> memref<8x128xf32, #tpu.memory_space<vmem>>
      %dma_start3A_281 = arith.constant 0 : i32
      %dma_start3A_282 = tpu.memref_slice %arg5[%dma_start3A_281, %multiple_of3A_262] : memref<8x1000000xf32, #tpu.memory_space<hbm>> -> memref<8x128xf32, #tpu.memory_space<hbm>>
      %dma_start3A_283 = arith.constant 0 : i32
      %dma_start3A_284 = arith.constant 0 : i32
      %dma_start3A_285 = tpu.memref_slice %arg11[%dma_start3A_276, %dma_start3A_283, %dma_start3A_284] : memref<16x8x128xf32, #tpu.memory_space<vmem>> -> memref<1x8x128xf32, #tpu.memory_space<vmem>>
      %dma_start3A_286 = tpu.memref_squeeze %dma_start3A_285 : memref<1x8x128xf32, #tpu.memory_space<vmem>> -> memref<8x128xf32, #tpu.memory_space<vmem>>
      %dma_start3A_287 = arith.constant 0 : i32
      %dma_start3A_288 = tpu.memref_slice %arg5[%dma_start3A_287, %multiple_of3A_262] : memref<8x1000000xf32, #tpu.memory_space<hbm>> -> memref<8x128xf32, #tpu.memory_space<hbm>>
      tpu.enqueue_dma source(%dma_start3A_288 : memref<8x128xf32, #tpu.memory_space<hbm>>) target(%dma_start3A_286 : memref<8x128xf32, #tpu.memory_space<vmem>>) target_semaphore(%arg13 : memref<!tpu.dma_semaphore, #tpu.memory_space<semaphore_mem>>)
      %slice3A_289 = vector.extract_strided_slice %get3A_11 {offsets = [7], sizes = [1], strides = [1]} : vector<16xi32> to vector<1xi32>
      %squeeze3A_290 = vector.extract %slice3A_289[0] : i32 from vector<1xi32>
      %shift_right_arithmetic3A_291 = arith.constant 7 : i32
      %shift_right_arithmetic3A_292 = arith.shrsi %squeeze3A_290, %shift_right_arithmetic3A_291 : i32
      %mul3A_293 = arith.constant 128 : i32
      %mul3A_294 = arith.muli %shift_right_arithmetic3A_292, %mul3A_293 : i32
      %multiple_of3A_295 = tpu.assume_multiple %mul3A_294, 128 : i32
      %slice3A_296 = vector.extract_strided_slice %get3A_13 {offsets = [7], sizes = [1], strides = [1]} : vector<16xi32> to vector<1xi32>
      %squeeze3A_297 = vector.extract %slice3A_296[0] : i32 from vector<1xi32>
      %shift_right_arithmetic3A_298 = arith.constant 7 : i32
      %shift_right_arithmetic3A_299 = arith.shrsi %squeeze3A_297, %shift_right_arithmetic3A_298 : i32
      %mul3A_300 = arith.constant 128 : i32
      %mul3A_301 = arith.muli %shift_right_arithmetic3A_299, %mul3A_300 : i32
      %multiple_of3A_302 = tpu.assume_multiple %mul3A_301, 128 : i32
      %dma_start3A_303 = arith.constant 7 : i32
      %dma_start3A_304 = arith.constant 0 : i32
      %dma_start3A_305 = arith.constant 0 : i32
      %dma_start3A_306 = tpu.memref_slice %arg10[%dma_start3A_303, %dma_start3A_304, %dma_start3A_305] : memref<16x8x128xf32, #tpu.memory_space<vmem>> -> memref<1x8x128xf32, #tpu.memory_space<vmem>>
      %dma_start3A_307 = tpu.memref_squeeze %dma_start3A_306 : memref<1x8x128xf32, #tpu.memory_space<vmem>> -> memref<8x128xf32, #tpu.memory_space<vmem>>
      %dma_start3A_308 = arith.constant 0 : i32
      %dma_start3A_309 = tpu.memref_slice %arg4[%dma_start3A_308, %multiple_of3A_295] : memref<8x1000000xf32, #tpu.memory_space<hbm>> -> memref<8x128xf32, #tpu.memory_space<hbm>>
      %dma_start3A_310 = arith.constant 0 : i32
      %dma_start3A_311 = arith.constant 0 : i32
      %dma_start3A_312 = tpu.memref_slice %arg10[%dma_start3A_303, %dma_start3A_310, %dma_start3A_311] : memref<16x8x128xf32, #tpu.memory_space<vmem>> -> memref<1x8x128xf32, #tpu.memory_space<vmem>>
      %dma_start3A_313 = tpu.memref_squeeze %dma_start3A_312 : memref<1x8x128xf32, #tpu.memory_space<vmem>> -> memref<8x128xf32, #tpu.memory_space<vmem>>
      %dma_start3A_314 = arith.constant 0 : i32
      %dma_start3A_315 = tpu.memref_slice %arg4[%dma_start3A_314, %multiple_of3A_295] : memref<8x1000000xf32, #tpu.memory_space<hbm>> -> memref<8x128xf32, #tpu.memory_space<hbm>>
      tpu.enqueue_dma source(%dma_start3A_315 : memref<8x128xf32, #tpu.memory_space<hbm>>) target(%dma_start3A_313 : memref<8x128xf32, #tpu.memory_space<vmem>>) target_semaphore(%arg12 : memref<!tpu.dma_semaphore, #tpu.memory_space<semaphore_mem>>)
      %dma_start3A_316 = arith.constant 7 : i32
      %dma_start3A_317 = arith.constant 0 : i32
      %dma_start3A_318 = arith.constant 0 : i32
      %dma_start3A_319 = tpu.memref_slice %arg11[%dma_start3A_316, %dma_start3A_317, %dma_start3A_318] : memref<16x8x128xf32, #tpu.memory_space<vmem>> -> memref<1x8x128xf32, #tpu.memory_space<vmem>>
      %dma_start3A_320 = tpu.memref_squeeze %dma_start3A_319 : memref<1x8x128xf32, #tpu.memory_space<vmem>> -> memref<8x128xf32, #tpu.memory_space<vmem>>
      %dma_start3A_321 = arith.constant 0 : i32
      %dma_start3A_322 = tpu.memref_slice %arg5[%dma_start3A_321, %multiple_of3A_302] : memref<8x1000000xf32, #tpu.memory_space<hbm>> -> memref<8x128xf32, #tpu.memory_space<hbm>>
      %dma_start3A_323 = arith.constant 0 : i32
      %dma_start3A_324 = arith.constant 0 : i32
      %dma_start3A_325 = tpu.memref_slice %arg11[%dma_start3A_316, %dma_start3A_323, %dma_start3A_324] : memref<16x8x128xf32, #tpu.memory_space<vmem>> -> memref<1x8x128xf32, #tpu.memory_space<vmem>>
      %dma_start3A_326 = tpu.memref_squeeze %dma_start3A_325 : memref<1x8x128xf32, #tpu.memory_space<vmem>> -> memref<8x128xf32, #tpu.memory_space<vmem>>
      %dma_start3A_327 = arith.constant 0 : i32
      %dma_start3A_328 = tpu.memref_slice %arg5[%dma_start3A_327, %multiple_of3A_302] : memref<8x1000000xf32, #tpu.memory_space<hbm>> -> memref<8x128xf32, #tpu.memory_space<hbm>>
      tpu.enqueue_dma source(%dma_start3A_328 : memref<8x128xf32, #tpu.memory_space<hbm>>) target(%dma_start3A_326 : memref<8x128xf32, #tpu.memory_space<vmem>>) target_semaphore(%arg13 : memref<!tpu.dma_semaphore, #tpu.memory_space<semaphore_mem>>)
      %slice3A_329 = vector.extract_strided_slice %get3A_11 {offsets = [8], sizes = [1], strides = [1]} : vector<16xi32> to vector<1xi32>
      %squeeze3A_330 = vector.extract %slice3A_329[0] : i32 from vector<1xi32>
      %shift_right_arithmetic3A_331 = arith.constant 7 : i32
      %shift_right_arithmetic3A_332 = arith.shrsi %squeeze3A_330, %shift_right_arithmetic3A_331 : i32
      %mul3A_333 = arith.constant 128 : i32
      %mul3A_334 = arith.muli %shift_right_arithmetic3A_332, %mul3A_333 : i32
      %multiple_of3A_335 = tpu.assume_multiple %mul3A_334, 128 : i32
      %slice3A_336 = vector.extract_strided_slice %get3A_13 {offsets = [8], sizes = [1], strides = [1]} : vector<16xi32> to vector<1xi32>
      %squeeze3A_337 = vector.extract %slice3A_336[0] : i32 from vector<1xi32>
      %shift_right_arithmetic3A_338 = arith.constant 7 : i32
      %shift_right_arithmetic3A_339 = arith.shrsi %squeeze3A_337, %shift_right_arithmetic3A_338 : i32
      %mul3A_340 = arith.constant 128 : i32
      %mul3A_341 = arith.muli %shift_right_arithmetic3A_339, %mul3A_340 : i32
      %multiple_of3A_342 = tpu.assume_multiple %mul3A_341, 128 : i32
      %dma_start3A_343 = arith.constant 8 : i32
      %dma_start3A_344 = arith.constant 0 : i32
      %dma_start3A_345 = arith.constant 0 : i32
      %dma_start3A_346 = tpu.memref_slice %arg10[%dma_start3A_343, %dma_start3A_344, %dma_start3A_345] : memref<16x8x128xf32, #tpu.memory_space<vmem>> -> memref<1x8x128xf32, #tpu.memory_space<vmem>>
      %dma_start3A_347 = tpu.memref_squeeze %dma_start3A_346 : memref<1x8x128xf32, #tpu.memory_space<vmem>> -> memref<8x128xf32, #tpu.memory_space<vmem>>
      %dma_start3A_348 = arith.constant 0 : i32
      %dma_start3A_349 = tpu.memref_slice %arg4[%dma_start3A_348, %multiple_of3A_335] : memref<8x1000000xf32, #tpu.memory_space<hbm>> -> memref<8x128xf32, #tpu.memory_space<hbm>>
      %dma_start3A_350 = arith.constant 0 : i32
      %dma_start3A_351 = arith.constant 0 : i32
      %dma_start3A_352 = tpu.memref_slice %arg10[%dma_start3A_343, %dma_start3A_350, %dma_start3A_351] : memref<16x8x128xf32, #tpu.memory_space<vmem>> -> memref<1x8x128xf32, #tpu.memory_space<vmem>>
      %dma_start3A_353 = tpu.memref_squeeze %dma_start3A_352 : memref<1x8x128xf32, #tpu.memory_space<vmem>> -> memref<8x128xf32, #tpu.memory_space<vmem>>
      %dma_start3A_354 = arith.constant 0 : i32
      %dma_start3A_355 = tpu.memref_slice %arg4[%dma_start3A_354, %multiple_of3A_335] : memref<8x1000000xf32, #tpu.memory_space<hbm>> -> memref<8x128xf32, #tpu.memory_space<hbm>>
      tpu.enqueue_dma source(%dma_start3A_355 : memref<8x128xf32, #tpu.memory_space<hbm>>) target(%dma_start3A_353 : memref<8x128xf32, #tpu.memory_space<vmem>>) target_semaphore(%arg12 : memref<!tpu.dma_semaphore, #tpu.memory_space<semaphore_mem>>)
      %dma_start3A_356 = arith.constant 8 : i32
      %dma_start3A_357 = arith.constant 0 : i32
      %dma_start3A_358 = arith.constant 0 : i32
      %dma_start3A_359 = tpu.memref_slice %arg11[%dma_start3A_356, %dma_start3A_357, %dma_start3A_358] : memref<16x8x128xf32, #tpu.memory_space<vmem>> -> memref<1x8x128xf32, #tpu.memory_space<vmem>>
      %dma_start3A_360 = tpu.memref_squeeze %dma_start3A_359 : memref<1x8x128xf32, #tpu.memory_space<vmem>> -> memref<8x128xf32, #tpu.memory_space<vmem>>
      %dma_start3A_361 = arith.constant 0 : i32
      %dma_start3A_362 = tpu.memref_slice %arg5[%dma_start3A_361, %multiple_of3A_342] : memref<8x1000000xf32, #tpu.memory_space<hbm>> -> memref<8x128xf32, #tpu.memory_space<hbm>>
      %dma_start3A_363 = arith.constant 0 : i32
      %dma_start3A_364 = arith.constant 0 : i32
      %dma_start3A_365 = tpu.memref_slice %arg11[%dma_start3A_356, %dma_start3A_363, %dma_start3A_364] : memref<16x8x128xf32, #tpu.memory_space<vmem>> -> memref<1x8x128xf32, #tpu.memory_space<vmem>>
      %dma_start3A_366 = tpu.memref_squeeze %dma_start3A_365 : memref<1x8x128xf32, #tpu.memory_space<vmem>> -> memref<8x128xf32, #tpu.memory_space<vmem>>
      %dma_start3A_367 = arith.constant 0 : i32
      %dma_start3A_368 = tpu.memref_slice %arg5[%dma_start3A_367, %multiple_of3A_342] : memref<8x1000000xf32, #tpu.memory_space<hbm>> -> memref<8x128xf32, #tpu.memory_space<hbm>>
      tpu.enqueue_dma source(%dma_start3A_368 : memref<8x128xf32, #tpu.memory_space<hbm>>) target(%dma_start3A_366 : memref<8x128xf32, #tpu.memory_space<vmem>>) target_semaphore(%arg13 : memref<!tpu.dma_semaphore, #tpu.memory_space<semaphore_mem>>)
      %slice3A_369 = vector.extract_strided_slice %get3A_11 {offsets = [9], sizes = [1], strides = [1]} : vector<16xi32> to vector<1xi32>
      %squeeze3A_370 = vector.extract %slice3A_369[0] : i32 from vector<1xi32>
      %shift_right_arithmetic3A_371 = arith.constant 7 : i32
      %shift_right_arithmetic3A_372 = arith.shrsi %squeeze3A_370, %shift_right_arithmetic3A_371 : i32
      %mul3A_373 = arith.constant 128 : i32
      %mul3A_374 = arith.muli %shift_right_arithmetic3A_372, %mul3A_373 : i32
      %multiple_of3A_375 = tpu.assume_multiple %mul3A_374, 128 : i32
      %slice3A_376 = vector.extract_strided_slice %get3A_13 {offsets = [9], sizes = [1], strides = [1]} : vector<16xi32> to vector<1xi32>
      %squeeze3A_377 = vector.extract %slice3A_376[0] : i32 from vector<1xi32>
      %shift_right_arithmetic3A_378 = arith.constant 7 : i32
      %shift_right_arithmetic3A_379 = arith.shrsi %squeeze3A_377, %shift_right_arithmetic3A_378 : i32
      %mul3A_380 = arith.constant 128 : i32
      %mul3A_381 = arith.muli %shift_right_arithmetic3A_379, %mul3A_380 : i32
      %multiple_of3A_382 = tpu.assume_multiple %mul3A_381, 128 : i32
      %dma_start3A_383 = arith.constant 9 : i32
      %dma_start3A_384 = arith.constant 0 : i32
      %dma_start3A_385 = arith.constant 0 : i32
      %dma_start3A_386 = tpu.memref_slice %arg10[%dma_start3A_383, %dma_start3A_384, %dma_start3A_385] : memref<16x8x128xf32, #tpu.memory_space<vmem>> -> memref<1x8x128xf32, #tpu.memory_space<vmem>>
      %dma_start3A_387 = tpu.memref_squeeze %dma_start3A_386 : memref<1x8x128xf32, #tpu.memory_space<vmem>> -> memref<8x128xf32, #tpu.memory_space<vmem>>
      %dma_start3A_388 = arith.constant 0 : i32
      %dma_start3A_389 = tpu.memref_slice %arg4[%dma_start3A_388, %multiple_of3A_375] : memref<8x1000000xf32, #tpu.memory_space<hbm>> -> memref<8x128xf32, #tpu.memory_space<hbm>>
      %dma_start3A_390 = arith.constant 0 : i32
      %dma_start3A_391 = arith.constant 0 : i32
      %dma_start3A_392 = tpu.memref_slice %arg10[%dma_start3A_383, %dma_start3A_390, %dma_start3A_391] : memref<16x8x128xf32, #tpu.memory_space<vmem>> -> memref<1x8x128xf32, #tpu.memory_space<vmem>>
      %dma_start3A_393 = tpu.memref_squeeze %dma_start3A_392 : memref<1x8x128xf32, #tpu.memory_space<vmem>> -> memref<8x128xf32, #tpu.memory_space<vmem>>
      %dma_start3A_394 = arith.constant 0 : i32
      %dma_start3A_395 = tpu.memref_slice %arg4[%dma_start3A_394, %multiple_of3A_375] : memref<8x1000000xf32, #tpu.memory_space<hbm>> -> memref<8x128xf32, #tpu.memory_space<hbm>>
      tpu.enqueue_dma source(%dma_start3A_395 : memref<8x128xf32, #tpu.memory_space<hbm>>) target(%dma_start3A_393 : memref<8x128xf32, #tpu.memory_space<vmem>>) target_semaphore(%arg12 : memref<!tpu.dma_semaphore, #tpu.memory_space<semaphore_mem>>)
      %dma_start3A_396 = arith.constant 9 : i32
      %dma_start3A_397 = arith.constant 0 : i32
      %dma_start3A_398 = arith.constant 0 : i32
      %dma_start3A_399 = tpu.memref_slice %arg11[%dma_start3A_396, %dma_start3A_397, %dma_start3A_398] : memref<16x8x128xf32, #tpu.memory_space<vmem>> -> memref<1x8x128xf32, #tpu.memory_space<vmem>>
      %dma_start3A_400 = tpu.memref_squeeze %dma_start3A_399 : memref<1x8x128xf32, #tpu.memory_space<vmem>> -> memref<8x128xf32, #tpu.memory_space<vmem>>
      %dma_start3A_401 = arith.constant 0 : i32
      %dma_start3A_402 = tpu.memref_slice %arg5[%dma_start3A_401, %multiple_of3A_382] : memref<8x1000000xf32, #tpu.memory_space<hbm>> -> memref<8x128xf32, #tpu.memory_space<hbm>>
      %dma_start3A_403 = arith.constant 0 : i32
      %dma_start3A_404 = arith.constant 0 : i32
      %dma_start3A_405 = tpu.memref_slice %arg11[%dma_start3A_396, %dma_start3A_403, %dma_start3A_404] : memref<16x8x128xf32, #tpu.memory_space<vmem>> -> memref<1x8x128xf32, #tpu.memory_space<vmem>>
      %dma_start3A_406 = tpu.memref_squeeze %dma_start3A_405 : memref<1x8x128xf32, #tpu.memory_space<vmem>> -> memref<8x128xf32, #tpu.memory_space<vmem>>
      %dma_start3A_407 = arith.constant 0 : i32
      %dma_start3A_408 = tpu.memref_slice %arg5[%dma_start3A_407, %multiple_of3A_382] : memref<8x1000000xf32, #tpu.memory_space<hbm>> -> memref<8x128xf32, #tpu.memory_space<hbm>>
      tpu.enqueue_dma source(%dma_start3A_408 : memref<8x128xf32, #tpu.memory_space<hbm>>) target(%dma_start3A_406 : memref<8x128xf32, #tpu.memory_space<vmem>>) target_semaphore(%arg13 : memref<!tpu.dma_semaphore, #tpu.memory_space<semaphore_mem>>)
      %slice3A_409 = vector.extract_strided_slice %get3A_11 {offsets = [10], sizes = [1], strides = [1]} : vector<16xi32> to vector<1xi32>
      %squeeze3A_410 = vector.extract %slice3A_409[0] : i32 from vector<1xi32>
      %shift_right_arithmetic3A_411 = arith.constant 7 : i32
      %shift_right_arithmetic3A_412 = arith.shrsi %squeeze3A_410, %shift_right_arithmetic3A_411 : i32
      %mul3A_413 = arith.constant 128 : i32
      %mul3A_414 = arith.muli %shift_right_arithmetic3A_412, %mul3A_413 : i32
      %multiple_of3A_415 = tpu.assume_multiple %mul3A_414, 128 : i32
      %slice3A_416 = vector.extract_strided_slice %get3A_13 {offsets = [10], sizes = [1], strides = [1]} : vector<16xi32> to vector<1xi32>
      %squeeze3A_417 = vector.extract %slice3A_416[0] : i32 from vector<1xi32>
      %shift_right_arithmetic3A_418 = arith.constant 7 : i32
      %shift_right_arithmetic3A_419 = arith.shrsi %squeeze3A_417, %shift_right_arithmetic3A_418 : i32
      %mul3A_420 = arith.constant 128 : i32
      %mul3A_421 = arith.muli %shift_right_arithmetic3A_419, %mul3A_420 : i32
      %multiple_of3A_422 = tpu.assume_multiple %mul3A_421, 128 : i32
      %dma_start3A_423 = arith.constant 10 : i32
      %dma_start3A_424 = arith.constant 0 : i32
      %dma_start3A_425 = arith.constant 0 : i32
      %dma_start3A_426 = tpu.memref_slice %arg10[%dma_start3A_423, %dma_start3A_424, %dma_start3A_425] : memref<16x8x128xf32, #tpu.memory_space<vmem>> -> memref<1x8x128xf32, #tpu.memory_space<vmem>>
      %dma_start3A_427 = tpu.memref_squeeze %dma_start3A_426 : memref<1x8x128xf32, #tpu.memory_space<vmem>> -> memref<8x128xf32, #tpu.memory_space<vmem>>
      %dma_start3A_428 = arith.constant 0 : i32
      %dma_start3A_429 = tpu.memref_slice %arg4[%dma_start3A_428, %multiple_of3A_415] : memref<8x1000000xf32, #tpu.memory_space<hbm>> -> memref<8x128xf32, #tpu.memory_space<hbm>>
      %dma_start3A_430 = arith.constant 0 : i32
      %dma_start3A_431 = arith.constant 0 : i32
      %dma_start3A_432 = tpu.memref_slice %arg10[%dma_start3A_423, %dma_start3A_430, %dma_start3A_431] : memref<16x8x128xf32, #tpu.memory_space<vmem>> -> memref<1x8x128xf32, #tpu.memory_space<vmem>>
      %dma_start3A_433 = tpu.memref_squeeze %dma_start3A_432 : memref<1x8x128xf32, #tpu.memory_space<vmem>> -> memref<8x128xf32, #tpu.memory_space<vmem>>
      %dma_start3A_434 = arith.constant 0 : i32
      %dma_start3A_435 = tpu.memref_slice %arg4[%dma_start3A_434, %multiple_of3A_415] : memref<8x1000000xf32, #tpu.memory_space<hbm>> -> memref<8x128xf32, #tpu.memory_space<hbm>>
      tpu.enqueue_dma source(%dma_start3A_435 : memref<8x128xf32, #tpu.memory_space<hbm>>) target(%dma_start3A_433 : memref<8x128xf32, #tpu.memory_space<vmem>>) target_semaphore(%arg12 : memref<!tpu.dma_semaphore, #tpu.memory_space<semaphore_mem>>)
      %dma_start3A_436 = arith.constant 10 : i32
      %dma_start3A_437 = arith.constant 0 : i32
      %dma_start3A_438 = arith.constant 0 : i32
      %dma_start3A_439 = tpu.memref_slice %arg11[%dma_start3A_436, %dma_start3A_437, %dma_start3A_438] : memref<16x8x128xf32, #tpu.memory_space<vmem>> -> memref<1x8x128xf32, #tpu.memory_space<vmem>>
      %dma_start3A_440 = tpu.memref_squeeze %dma_start3A_439 : memref<1x8x128xf32, #tpu.memory_space<vmem>> -> memref<8x128xf32, #tpu.memory_space<vmem>>
      %dma_start3A_441 = arith.constant 0 : i32
      %dma_start3A_442 = tpu.memref_slice %arg5[%dma_start3A_441, %multiple_of3A_422] : memref<8x1000000xf32, #tpu.memory_space<hbm>> -> memref<8x128xf32, #tpu.memory_space<hbm>>
      %dma_start3A_443 = arith.constant 0 : i32
      %dma_start3A_444 = arith.constant 0 : i32
      %dma_start3A_445 = tpu.memref_slice %arg11[%dma_start3A_436, %dma_start3A_443, %dma_start3A_444] : memref<16x8x128xf32, #tpu.memory_space<vmem>> -> memref<1x8x128xf32, #tpu.memory_space<vmem>>
      %dma_start3A_446 = tpu.memref_squeeze %dma_start3A_445 : memref<1x8x128xf32, #tpu.memory_space<vmem>> -> memref<8x128xf32, #tpu.memory_space<vmem>>
      %dma_start3A_447 = arith.constant 0 : i32
      %dma_start3A_448 = tpu.memref_slice %arg5[%dma_start3A_447, %multiple_of3A_422] : memref<8x1000000xf32, #tpu.memory_space<hbm>> -> memref<8x128xf32, #tpu.memory_space<hbm>>
      tpu.enqueue_dma source(%dma_start3A_448 : memref<8x128xf32, #tpu.memory_space<hbm>>) target(%dma_start3A_446 : memref<8x128xf32, #tpu.memory_space<vmem>>) target_semaphore(%arg13 : memref<!tpu.dma_semaphore, #tpu.memory_space<semaphore_mem>>)
      %slice3A_449 = vector.extract_strided_slice %get3A_11 {offsets = [11], sizes = [1], strides = [1]} : vector<16xi32> to vector<1xi32>
      %squeeze3A_450 = vector.extract %slice3A_449[0] : i32 from vector<1xi32>
      %shift_right_arithmetic3A_451 = arith.constant 7 : i32
      %shift_right_arithmetic3A_452 = arith.shrsi %squeeze3A_450, %shift_right_arithmetic3A_451 : i32
      %mul3A_453 = arith.constant 128 : i32
      %mul3A_454 = arith.muli %shift_right_arithmetic3A_452, %mul3A_453 : i32
      %multiple_of3A_455 = tpu.assume_multiple %mul3A_454, 128 : i32
      %slice3A_456 = vector.extract_strided_slice %get3A_13 {offsets = [11], sizes = [1], strides = [1]} : vector<16xi32> to vector<1xi32>
      %squeeze3A_457 = vector.extract %slice3A_456[0] : i32 from vector<1xi32>
      %shift_right_arithmetic3A_458 = arith.constant 7 : i32
      %shift_right_arithmetic3A_459 = arith.shrsi %squeeze3A_457, %shift_right_arithmetic3A_458 : i32
      %mul3A_460 = arith.constant 128 : i32
      %mul3A_461 = arith.muli %shift_right_arithmetic3A_459, %mul3A_460 : i32
      %multiple_of3A_462 = tpu.assume_multiple %mul3A_461, 128 : i32
      %dma_start3A_463 = arith.constant 11 : i32
      %dma_start3A_464 = arith.constant 0 : i32
      %dma_start3A_465 = arith.constant 0 : i32
      %dma_start3A_466 = tpu.memref_slice %arg10[%dma_start3A_463, %dma_start3A_464, %dma_start3A_465] : memref<16x8x128xf32, #tpu.memory_space<vmem>> -> memref<1x8x128xf32, #tpu.memory_space<vmem>>
      %dma_start3A_467 = tpu.memref_squeeze %dma_start3A_466 : memref<1x8x128xf32, #tpu.memory_space<vmem>> -> memref<8x128xf32, #tpu.memory_space<vmem>>
      %dma_start3A_468 = arith.constant 0 : i32
      %dma_start3A_469 = tpu.memref_slice %arg4[%dma_start3A_468, %multiple_of3A_455] : memref<8x1000000xf32, #tpu.memory_space<hbm>> -> memref<8x128xf32, #tpu.memory_space<hbm>>
      %dma_start3A_470 = arith.constant 0 : i32
      %dma_start3A_471 = arith.constant 0 : i32
      %dma_start3A_472 = tpu.memref_slice %arg10[%dma_start3A_463, %dma_start3A_470, %dma_start3A_471] : memref<16x8x128xf32, #tpu.memory_space<vmem>> -> memref<1x8x128xf32, #tpu.memory_space<vmem>>
      %dma_start3A_473 = tpu.memref_squeeze %dma_start3A_472 : memref<1x8x128xf32, #tpu.memory_space<vmem>> -> memref<8x128xf32, #tpu.memory_space<vmem>>
      %dma_start3A_474 = arith.constant 0 : i32
      %dma_start3A_475 = tpu.memref_slice %arg4[%dma_start3A_474, %multiple_of3A_455] : memref<8x1000000xf32, #tpu.memory_space<hbm>> -> memref<8x128xf32, #tpu.memory_space<hbm>>
      tpu.enqueue_dma source(%dma_start3A_475 : memref<8x128xf32, #tpu.memory_space<hbm>>) target(%dma_start3A_473 : memref<8x128xf32, #tpu.memory_space<vmem>>) target_semaphore(%arg12 : memref<!tpu.dma_semaphore, #tpu.memory_space<semaphore_mem>>)
      %dma_start3A_476 = arith.constant 11 : i32
      %dma_start3A_477 = arith.constant 0 : i32
      %dma_start3A_478 = arith.constant 0 : i32
      %dma_start3A_479 = tpu.memref_slice %arg11[%dma_start3A_476, %dma_start3A_477, %dma_start3A_478] : memref<16x8x128xf32, #tpu.memory_space<vmem>> -> memref<1x8x128xf32, #tpu.memory_space<vmem>>
      %dma_start3A_480 = tpu.memref_squeeze %dma_start3A_479 : memref<1x8x128xf32, #tpu.memory_space<vmem>> -> memref<8x128xf32, #tpu.memory_space<vmem>>
      %dma_start3A_481 = arith.constant 0 : i32
      %dma_start3A_482 = tpu.memref_slice %arg5[%dma_start3A_481, %multiple_of3A_462] : memref<8x1000000xf32, #tpu.memory_space<hbm>> -> memref<8x128xf32, #tpu.memory_space<hbm>>
      %dma_start3A_483 = arith.constant 0 : i32
      %dma_start3A_484 = arith.constant 0 : i32
      %dma_start3A_485 = tpu.memref_slice %arg11[%dma_start3A_476, %dma_start3A_483, %dma_start3A_484] : memref<16x8x128xf32, #tpu.memory_space<vmem>> -> memref<1x8x128xf32, #tpu.memory_space<vmem>>
      %dma_start3A_486 = tpu.memref_squeeze %dma_start3A_485 : memref<1x8x128xf32, #tpu.memory_space<vmem>> -> memref<8x128xf32, #tpu.memory_space<vmem>>
      %dma_start3A_487 = arith.constant 0 : i32
      %dma_start3A_488 = tpu.memref_slice %arg5[%dma_start3A_487, %multiple_of3A_462] : memref<8x1000000xf32, #tpu.memory_space<hbm>> -> memref<8x128xf32, #tpu.memory_space<hbm>>
      tpu.enqueue_dma source(%dma_start3A_488 : memref<8x128xf32, #tpu.memory_space<hbm>>) target(%dma_start3A_486 : memref<8x128xf32, #tpu.memory_space<vmem>>) target_semaphore(%arg13 : memref<!tpu.dma_semaphore, #tpu.memory_space<semaphore_mem>>)
      %slice3A_489 = vector.extract_strided_slice %get3A_11 {offsets = [12], sizes = [1], strides = [1]} : vector<16xi32> to vector<1xi32>
      %squeeze3A_490 = vector.extract %slice3A_489[0] : i32 from vector<1xi32>
      %shift_right_arithmetic3A_491 = arith.constant 7 : i32
      %shift_right_arithmetic3A_492 = arith.shrsi %squeeze3A_490, %shift_right_arithmetic3A_491 : i32
      %mul3A_493 = arith.constant 128 : i32
      %mul3A_494 = arith.muli %shift_right_arithmetic3A_492, %mul3A_493 : i32
      %multiple_of3A_495 = tpu.assume_multiple %mul3A_494, 128 : i32
      %slice3A_496 = vector.extract_strided_slice %get3A_13 {offsets = [12], sizes = [1], strides = [1]} : vector<16xi32> to vector<1xi32>
      %squeeze3A_497 = vector.extract %slice3A_496[0] : i32 from vector<1xi32>
      %shift_right_arithmetic3A_498 = arith.constant 7 : i32
      %shift_right_arithmetic3A_499 = arith.shrsi %squeeze3A_497, %shift_right_arithmetic3A_498 : i32
      %mul3A_500 = arith.constant 128 : i32
      %mul3A_501 = arith.muli %shift_right_arithmetic3A_499, %mul3A_500 : i32
      %multiple_of3A_502 = tpu.assume_multiple %mul3A_501, 128 : i32
      %dma_start3A_503 = arith.constant 12 : i32
      %dma_start3A_504 = arith.constant 0 : i32
      %dma_start3A_505 = arith.constant 0 : i32
      %dma_start3A_506 = tpu.memref_slice %arg10[%dma_start3A_503, %dma_start3A_504, %dma_start3A_505] : memref<16x8x128xf32, #tpu.memory_space<vmem>> -> memref<1x8x128xf32, #tpu.memory_space<vmem>>
      %dma_start3A_507 = tpu.memref_squeeze %dma_start3A_506 : memref<1x8x128xf32, #tpu.memory_space<vmem>> -> memref<8x128xf32, #tpu.memory_space<vmem>>
      %dma_start3A_508 = arith.constant 0 : i32
      %dma_start3A_509 = tpu.memref_slice %arg4[%dma_start3A_508, %multiple_of3A_495] : memref<8x1000000xf32, #tpu.memory_space<hbm>> -> memref<8x128xf32, #tpu.memory_space<hbm>>
      %dma_start3A_510 = arith.constant 0 : i32
      %dma_start3A_511 = arith.constant 0 : i32
      %dma_start3A_512 = tpu.memref_slice %arg10[%dma_start3A_503, %dma_start3A_510, %dma_start3A_511] : memref<16x8x128xf32, #tpu.memory_space<vmem>> -> memref<1x8x128xf32, #tpu.memory_space<vmem>>
      %dma_start3A_513 = tpu.memref_squeeze %dma_start3A_512 : memref<1x8x128xf32, #tpu.memory_space<vmem>> -> memref<8x128xf32, #tpu.memory_space<vmem>>
      %dma_start3A_514 = arith.constant 0 : i32
      %dma_start3A_515 = tpu.memref_slice %arg4[%dma_start3A_514, %multiple_of3A_495] : memref<8x1000000xf32, #tpu.memory_space<hbm>> -> memref<8x128xf32, #tpu.memory_space<hbm>>
      tpu.enqueue_dma source(%dma_start3A_515 : memref<8x128xf32, #tpu.memory_space<hbm>>) target(%dma_start3A_513 : memref<8x128xf32, #tpu.memory_space<vmem>>) target_semaphore(%arg12 : memref<!tpu.dma_semaphore, #tpu.memory_space<semaphore_mem>>)
      %dma_start3A_516 = arith.constant 12 : i32
      %dma_start3A_517 = arith.constant 0 : i32
      %dma_start3A_518 = arith.constant 0 : i32
      %dma_start3A_519 = tpu.memref_slice %arg11[%dma_start3A_516, %dma_start3A_517, %dma_start3A_518] : memref<16x8x128xf32, #tpu.memory_space<vmem>> -> memref<1x8x128xf32, #tpu.memory_space<vmem>>
      %dma_start3A_520 = tpu.memref_squeeze %dma_start3A_519 : memref<1x8x128xf32, #tpu.memory_space<vmem>> -> memref<8x128xf32, #tpu.memory_space<vmem>>
      %dma_start3A_521 = arith.constant 0 : i32
      %dma_start3A_522 = tpu.memref_slice %arg5[%dma_start3A_521, %multiple_of3A_502] : memref<8x1000000xf32, #tpu.memory_space<hbm>> -> memref<8x128xf32, #tpu.memory_space<hbm>>
      %dma_start3A_523 = arith.constant 0 : i32
      %dma_start3A_524 = arith.constant 0 : i32
      %dma_start3A_525 = tpu.memref_slice %arg11[%dma_start3A_516, %dma_start3A_523, %dma_start3A_524] : memref<16x8x128xf32, #tpu.memory_space<vmem>> -> memref<1x8x128xf32, #tpu.memory_space<vmem>>
      %dma_start3A_526 = tpu.memref_squeeze %dma_start3A_525 : memref<1x8x128xf32, #tpu.memory_space<vmem>> -> memref<8x128xf32, #tpu.memory_space<vmem>>
      %dma_start3A_527 = arith.constant 0 : i32
      %dma_start3A_528 = tpu.memref_slice %arg5[%dma_start3A_527, %multiple_of3A_502] : memref<8x1000000xf32, #tpu.memory_space<hbm>> -> memref<8x128xf32, #tpu.memory_space<hbm>>
      tpu.enqueue_dma source(%dma_start3A_528 : memref<8x128xf32, #tpu.memory_space<hbm>>) target(%dma_start3A_526 : memref<8x128xf32, #tpu.memory_space<vmem>>) target_semaphore(%arg13 : memref<!tpu.dma_semaphore, #tpu.memory_space<semaphore_mem>>)
      %slice3A_529 = vector.extract_strided_slice %get3A_11 {offsets = [13], sizes = [1], strides = [1]} : vector<16xi32> to vector<1xi32>
      %squeeze3A_530 = vector.extract %slice3A_529[0] : i32 from vector<1xi32>
      %shift_right_arithmetic3A_531 = arith.constant 7 : i32
      %shift_right_arithmetic3A_532 = arith.shrsi %squeeze3A_530, %shift_right_arithmetic3A_531 : i32
      %mul3A_533 = arith.constant 128 : i32
      %mul3A_534 = arith.muli %shift_right_arithmetic3A_532, %mul3A_533 : i32
      %multiple_of3A_535 = tpu.assume_multiple %mul3A_534, 128 : i32
      %slice3A_536 = vector.extract_strided_slice %get3A_13 {offsets = [13], sizes = [1], strides = [1]} : vector<16xi32> to vector<1xi32>
      %squeeze3A_537 = vector.extract %slice3A_536[0] : i32 from vector<1xi32>
      %shift_right_arithmetic3A_538 = arith.constant 7 : i32
      %shift_right_arithmetic3A_539 = arith.shrsi %squeeze3A_537, %shift_right_arithmetic3A_538 : i32
      %mul3A_540 = arith.constant 128 : i32
      %mul3A_541 = arith.muli %shift_right_arithmetic3A_539, %mul3A_540 : i32
      %multiple_of3A_542 = tpu.assume_multiple %mul3A_541, 128 : i32
      %dma_start3A_543 = arith.constant 13 : i32
      %dma_start3A_544 = arith.constant 0 : i32
      %dma_start3A_545 = arith.constant 0 : i32
      %dma_start3A_546 = tpu.memref_slice %arg10[%dma_start3A_543, %dma_start3A_544, %dma_start3A_545] : memref<16x8x128xf32, #tpu.memory_space<vmem>> -> memref<1x8x128xf32, #tpu.memory_space<vmem>>
      %dma_start3A_547 = tpu.memref_squeeze %dma_start3A_546 : memref<1x8x128xf32, #tpu.memory_space<vmem>> -> memref<8x128xf32, #tpu.memory_space<vmem>>
      %dma_start3A_548 = arith.constant 0 : i32
      %dma_start3A_549 = tpu.memref_slice %arg4[%dma_start3A_548, %multiple_of3A_535] : memref<8x1000000xf32, #tpu.memory_space<hbm>> -> memref<8x128xf32, #tpu.memory_space<hbm>>
      %dma_start3A_550 = arith.constant 0 : i32
      %dma_start3A_551 = arith.constant 0 : i32
      %dma_start3A_552 = tpu.memref_slice %arg10[%dma_start3A_543, %dma_start3A_550, %dma_start3A_551] : memref<16x8x128xf32, #tpu.memory_space<vmem>> -> memref<1x8x128xf32, #tpu.memory_space<vmem>>
      %dma_start3A_553 = tpu.memref_squeeze %dma_start3A_552 : memref<1x8x128xf32, #tpu.memory_space<vmem>> -> memref<8x128xf32, #tpu.memory_space<vmem>>
      %dma_start3A_554 = arith.constant 0 : i32
      %dma_start3A_555 = tpu.memref_slice %arg4[%dma_start3A_554, %multiple_of3A_535] : memref<8x1000000xf32, #tpu.memory_space<hbm>> -> memref<8x128xf32, #tpu.memory_space<hbm>>
      tpu.enqueue_dma source(%dma_start3A_555 : memref<8x128xf32, #tpu.memory_space<hbm>>) target(%dma_start3A_553 : memref<8x128xf32, #tpu.memory_space<vmem>>) target_semaphore(%arg12 : memref<!tpu.dma_semaphore, #tpu.memory_space<semaphore_mem>>)
      %dma_start3A_556 = arith.constant 13 : i32
      %dma_start3A_557 = arith.constant 0 : i32
      %dma_start3A_558 = arith.constant 0 : i32
      %dma_start3A_559 = tpu.memref_slice %arg11[%dma_start3A_556, %dma_start3A_557, %dma_start3A_558] : memref<16x8x128xf32, #tpu.memory_space<vmem>> -> memref<1x8x128xf32, #tpu.memory_space<vmem>>
      %dma_start3A_560 = tpu.memref_squeeze %dma_start3A_559 : memref<1x8x128xf32, #tpu.memory_space<vmem>> -> memref<8x128xf32, #tpu.memory_space<vmem>>
      %dma_start3A_561 = arith.constant 0 : i32
      %dma_start3A_562 = tpu.memref_slice %arg5[%dma_start3A_561, %multiple_of3A_542] : memref<8x1000000xf32, #tpu.memory_space<hbm>> -> memref<8x128xf32, #tpu.memory_space<hbm>>
      %dma_start3A_563 = arith.constant 0 : i32
      %dma_start3A_564 = arith.constant 0 : i32
      %dma_start3A_565 = tpu.memref_slice %arg11[%dma_start3A_556, %dma_start3A_563, %dma_start3A_564] : memref<16x8x128xf32, #tpu.memory_space<vmem>> -> memref<1x8x128xf32, #tpu.memory_space<vmem>>
      %dma_start3A_566 = tpu.memref_squeeze %dma_start3A_565 : memref<1x8x128xf32, #tpu.memory_space<vmem>> -> memref<8x128xf32, #tpu.memory_space<vmem>>
      %dma_start3A_567 = arith.constant 0 : i32
      %dma_start3A_568 = tpu.memref_slice %arg5[%dma_start3A_567, %multiple_of3A_542] : memref<8x1000000xf32, #tpu.memory_space<hbm>> -> memref<8x128xf32, #tpu.memory_space<hbm>>
      tpu.enqueue_dma source(%dma_start3A_568 : memref<8x128xf32, #tpu.memory_space<hbm>>) target(%dma_start3A_566 : memref<8x128xf32, #tpu.memory_space<vmem>>) target_semaphore(%arg13 : memref<!tpu.dma_semaphore, #tpu.memory_space<semaphore_mem>>)
      %slice3A_569 = vector.extract_strided_slice %get3A_11 {offsets = [14], sizes = [1], strides = [1]} : vector<16xi32> to vector<1xi32>
      %squeeze3A_570 = vector.extract %slice3A_569[0] : i32 from vector<1xi32>
      %shift_right_arithmetic3A_571 = arith.constant 7 : i32
      %shift_right_arithmetic3A_572 = arith.shrsi %squeeze3A_570, %shift_right_arithmetic3A_571 : i32
      %mul3A_573 = arith.constant 128 : i32
      %mul3A_574 = arith.muli %shift_right_arithmetic3A_572, %mul3A_573 : i32
      %multiple_of3A_575 = tpu.assume_multiple %mul3A_574, 128 : i32
      %slice3A_576 = vector.extract_strided_slice %get3A_13 {offsets = [14], sizes = [1], strides = [1]} : vector<16xi32> to vector<1xi32>
      %squeeze3A_577 = vector.extract %slice3A_576[0] : i32 from vector<1xi32>
      %shift_right_arithmetic3A_578 = arith.constant 7 : i32
      %shift_right_arithmetic3A_579 = arith.shrsi %squeeze3A_577, %shift_right_arithmetic3A_578 : i32
      %mul3A_580 = arith.constant 128 : i32
      %mul3A_581 = arith.muli %shift_right_arithmetic3A_579, %mul3A_580 : i32
      %multiple_of3A_582 = tpu.assume_multiple %mul3A_581, 128 : i32
      %dma_start3A_583 = arith.constant 14 : i32
      %dma_start3A_584 = arith.constant 0 : i32
      %dma_start3A_585 = arith.constant 0 : i32
      %dma_start3A_586 = tpu.memref_slice %arg10[%dma_start3A_583, %dma_start3A_584, %dma_start3A_585] : memref<16x8x128xf32, #tpu.memory_space<vmem>> -> memref<1x8x128xf32, #tpu.memory_space<vmem>>
      %dma_start3A_587 = tpu.memref_squeeze %dma_start3A_586 : memref<1x8x128xf32, #tpu.memory_space<vmem>> -> memref<8x128xf32, #tpu.memory_space<vmem>>
      %dma_start3A_588 = arith.constant 0 : i32
      %dma_start3A_589 = tpu.memref_slice %arg4[%dma_start3A_588, %multiple_of3A_575] : memref<8x1000000xf32, #tpu.memory_space<hbm>> -> memref<8x128xf32, #tpu.memory_space<hbm>>
      %dma_start3A_590 = arith.constant 0 : i32
      %dma_start3A_591 = arith.constant 0 : i32
      %dma_start3A_592 = tpu.memref_slice %arg10[%dma_start3A_583, %dma_start3A_590, %dma_start3A_591] : memref<16x8x128xf32, #tpu.memory_space<vmem>> -> memref<1x8x128xf32, #tpu.memory_space<vmem>>
      %dma_start3A_593 = tpu.memref_squeeze %dma_start3A_592 : memref<1x8x128xf32, #tpu.memory_space<vmem>> -> memref<8x128xf32, #tpu.memory_space<vmem>>
      %dma_start3A_594 = arith.constant 0 : i32
      %dma_start3A_595 = tpu.memref_slice %arg4[%dma_start3A_594, %multiple_of3A_575] : memref<8x1000000xf32, #tpu.memory_space<hbm>> -> memref<8x128xf32, #tpu.memory_space<hbm>>
      tpu.enqueue_dma source(%dma_start3A_595 : memref<8x128xf32, #tpu.memory_space<hbm>>) target(%dma_start3A_593 : memref<8x128xf32, #tpu.memory_space<vmem>>) target_semaphore(%arg12 : memref<!tpu.dma_semaphore, #tpu.memory_space<semaphore_mem>>)
      %dma_start3A_596 = arith.constant 14 : i32
      %dma_start3A_597 = arith.constant 0 : i32
      %dma_start3A_598 = arith.constant 0 : i32
      %dma_start3A_599 = tpu.memref_slice %arg11[%dma_start3A_596, %dma_start3A_597, %dma_start3A_598] : memref<16x8x128xf32, #tpu.memory_space<vmem>> -> memref<1x8x128xf32, #tpu.memory_space<vmem>>
      %dma_start3A_600 = tpu.memref_squeeze %dma_start3A_599 : memref<1x8x128xf32, #tpu.memory_space<vmem>> -> memref<8x128xf32, #tpu.memory_space<vmem>>
      %dma_start3A_601 = arith.constant 0 : i32
      %dma_start3A_602 = tpu.memref_slice %arg5[%dma_start3A_601, %multiple_of3A_582] : memref<8x1000000xf32, #tpu.memory_space<hbm>> -> memref<8x128xf32, #tpu.memory_space<hbm>>
      %dma_start3A_603 = arith.constant 0 : i32
      %dma_start3A_604 = arith.constant 0 : i32
      %dma_start3A_605 = tpu.memref_slice %arg11[%dma_start3A_596, %dma_start3A_603, %dma_start3A_604] : memref<16x8x128xf32, #tpu.memory_space<vmem>> -> memref<1x8x128xf32, #tpu.memory_space<vmem>>
      %dma_start3A_606 = tpu.memref_squeeze %dma_start3A_605 : memref<1x8x128xf32, #tpu.memory_space<vmem>> -> memref<8x128xf32, #tpu.memory_space<vmem>>
      %dma_start3A_607 = arith.constant 0 : i32
      %dma_start3A_608 = tpu.memref_slice %arg5[%dma_start3A_607, %multiple_of3A_582] : memref<8x1000000xf32, #tpu.memory_space<hbm>> -> memref<8x128xf32, #tpu.memory_space<hbm>>
      tpu.enqueue_dma source(%dma_start3A_608 : memref<8x128xf32, #tpu.memory_space<hbm>>) target(%dma_start3A_606 : memref<8x128xf32, #tpu.memory_space<vmem>>) target_semaphore(%arg13 : memref<!tpu.dma_semaphore, #tpu.memory_space<semaphore_mem>>)
      %slice3A_609 = vector.extract_strided_slice %get3A_11 {offsets = [15], sizes = [1], strides = [1]} : vector<16xi32> to vector<1xi32>
      %squeeze3A_610 = vector.extract %slice3A_609[0] : i32 from vector<1xi32>
      %shift_right_arithmetic3A_611 = arith.constant 7 : i32
      %shift_right_arithmetic3A_612 = arith.shrsi %squeeze3A_610, %shift_right_arithmetic3A_611 : i32
      %mul3A_613 = arith.constant 128 : i32
      %mul3A_614 = arith.muli %shift_right_arithmetic3A_612, %mul3A_613 : i32
      %multiple_of3A_615 = tpu.assume_multiple %mul3A_614, 128 : i32
      %slice3A_616 = vector.extract_strided_slice %get3A_13 {offsets = [15], sizes = [1], strides = [1]} : vector<16xi32> to vector<1xi32>
      %squeeze3A_617 = vector.extract %slice3A_616[0] : i32 from vector<1xi32>
      %shift_right_arithmetic3A_618 = arith.constant 7 : i32
      %shift_right_arithmetic3A_619 = arith.shrsi %squeeze3A_617, %shift_right_arithmetic3A_618 : i32
      %mul3A_620 = arith.constant 128 : i32
      %mul3A_621 = arith.muli %shift_right_arithmetic3A_619, %mul3A_620 : i32
      %multiple_of3A_622 = tpu.assume_multiple %mul3A_621, 128 : i32
      %dma_start3A_623 = arith.constant 15 : i32
      %dma_start3A_624 = arith.constant 0 : i32
      %dma_start3A_625 = arith.constant 0 : i32
      %dma_start3A_626 = tpu.memref_slice %arg10[%dma_start3A_623, %dma_start3A_624, %dma_start3A_625] : memref<16x8x128xf32, #tpu.memory_space<vmem>> -> memref<1x8x128xf32, #tpu.memory_space<vmem>>
      %dma_start3A_627 = tpu.memref_squeeze %dma_start3A_626 : memref<1x8x128xf32, #tpu.memory_space<vmem>> -> memref<8x128xf32, #tpu.memory_space<vmem>>
      %dma_start3A_628 = arith.constant 0 : i32
      %dma_start3A_629 = tpu.memref_slice %arg4[%dma_start3A_628, %multiple_of3A_615] : memref<8x1000000xf32, #tpu.memory_space<hbm>> -> memref<8x128xf32, #tpu.memory_space<hbm>>
      %dma_start3A_630 = arith.constant 0 : i32
      %dma_start3A_631 = arith.constant 0 : i32
      %dma_start3A_632 = tpu.memref_slice %arg10[%dma_start3A_623, %dma_start3A_630, %dma_start3A_631] : memref<16x8x128xf32, #tpu.memory_space<vmem>> -> memref<1x8x128xf32, #tpu.memory_space<vmem>>
      %dma_start3A_633 = tpu.memref_squeeze %dma_start3A_632 : memref<1x8x128xf32, #tpu.memory_space<vmem>> -> memref<8x128xf32, #tpu.memory_space<vmem>>
      %dma_start3A_634 = arith.constant 0 : i32
      %dma_start3A_635 = tpu.memref_slice %arg4[%dma_start3A_634, %multiple_of3A_615] : memref<8x1000000xf32, #tpu.memory_space<hbm>> -> memref<8x128xf32, #tpu.memory_space<hbm>>
      tpu.enqueue_dma source(%dma_start3A_635 : memref<8x128xf32, #tpu.memory_space<hbm>>) target(%dma_start3A_633 : memref<8x128xf32, #tpu.memory_space<vmem>>) target_semaphore(%arg12 : memref<!tpu.dma_semaphore, #tpu.memory_space<semaphore_mem>>)
      %dma_start3A_636 = arith.constant 15 : i32
      %dma_start3A_637 = arith.constant 0 : i32
      %dma_start3A_638 = arith.constant 0 : i32
      %dma_start3A_639 = tpu.memref_slice %arg11[%dma_start3A_636, %dma_start3A_637, %dma_start3A_638] : memref<16x8x128xf32, #tpu.memory_space<vmem>> -> memref<1x8x128xf32, #tpu.memory_space<vmem>>
      %dma_start3A_640 = tpu.memref_squeeze %dma_start3A_639 : memref<1x8x128xf32, #tpu.memory_space<vmem>> -> memref<8x128xf32, #tpu.memory_space<vmem>>
      %dma_start3A_641 = arith.constant 0 : i32
      %dma_start3A_642 = tpu.memref_slice %arg5[%dma_start3A_641, %multiple_of3A_622] : memref<8x1000000xf32, #tpu.memory_space<hbm>> -> memref<8x128xf32, #tpu.memory_space<hbm>>
      %dma_start3A_643 = arith.constant 0 : i32
      %dma_start3A_644 = arith.constant 0 : i32
      %dma_start3A_645 = tpu.memref_slice %arg11[%dma_start3A_636, %dma_start3A_643, %dma_start3A_644] : memref<16x8x128xf32, #tpu.memory_space<vmem>> -> memref<1x8x128xf32, #tpu.memory_space<vmem>>
      %dma_start3A_646 = tpu.memref_squeeze %dma_start3A_645 : memref<1x8x128xf32, #tpu.memory_space<vmem>> -> memref<8x128xf32, #tpu.memory_space<vmem>>
      %dma_start3A_647 = arith.constant 0 : i32
      %dma_start3A_648 = tpu.memref_slice %arg5[%dma_start3A_647, %multiple_of3A_622] : memref<8x1000000xf32, #tpu.memory_space<hbm>> -> memref<8x128xf32, #tpu.memory_space<hbm>>
      tpu.enqueue_dma source(%dma_start3A_648 : memref<8x128xf32, #tpu.memory_space<hbm>>) target(%dma_start3A_646 : memref<8x128xf32, #tpu.memory_space<vmem>>) target_semaphore(%arg13 : memref<!tpu.dma_semaphore, #tpu.memory_space<semaphore_mem>>)
      %dma_wait3A = arith.constant 0 : i32
      %dma_wait3A_649 = arith.constant 0 : i32
      %dma_wait3A_650 = arith.constant 0 : i32
      %dma_wait3A_651 = tpu.memref_slice %arg10[%dma_wait3A, %dma_wait3A_649, %dma_wait3A_650] : memref<16x8x128xf32, #tpu.memory_space<vmem>> -> memref<1x8x128xf32, #tpu.memory_space<vmem>>
      %dma_wait3A_652 = tpu.memref_squeeze %dma_wait3A_651 : memref<1x8x128xf32, #tpu.memory_space<vmem>> -> memref<8x128xf32, #tpu.memory_space<vmem>>
      %dma_wait3A_653 = arith.constant 0 : i32
      %dma_wait3A_654 = tpu.memref_slice %arg4[%dma_wait3A_653, %multiple_of3A] : memref<8x1000000xf32, #tpu.memory_space<hbm>> -> memref<8x128xf32, #tpu.memory_space<hbm>>
      %dma_wait3A_655 = arith.constant 0 : i32
      %dma_wait3A_656 = arith.constant 0 : i32
      %dma_wait3A_657 = tpu.memref_slice %arg10[%dma_wait3A, %dma_wait3A_655, %dma_wait3A_656] : memref<16x8x128xf32, #tpu.memory_space<vmem>> -> memref<1x8x128xf32, #tpu.memory_space<vmem>>
      %dma_wait3A_658 = tpu.memref_squeeze %dma_wait3A_657 : memref<1x8x128xf32, #tpu.memory_space<vmem>> -> memref<8x128xf32, #tpu.memory_space<vmem>>
      %dma_wait3A_659 = arith.constant 0 : i32
      %dma_wait3A_660 = tpu.memref_slice %arg4[%dma_wait3A_659, %multiple_of3A] : memref<8x1000000xf32, #tpu.memory_space<hbm>> -> memref<8x128xf32, #tpu.memory_space<hbm>>
      tpu.wait_dma2 semaphore(%arg12 : memref<!tpu.dma_semaphore, #tpu.memory_space<semaphore_mem>>) src(%dma_wait3A_660 : memref<8x128xf32, #tpu.memory_space<hbm>>) dst(%dma_wait3A_658 : memref<8x128xf32, #tpu.memory_space<vmem>>)
      %dma_wait3A_661 = arith.constant 0 : i32
      %dma_wait3A_662 = arith.constant 0 : i32
      %dma_wait3A_663 = arith.constant 0 : i32
      %dma_wait3A_664 = tpu.memref_slice %arg11[%dma_wait3A_661, %dma_wait3A_662, %dma_wait3A_663] : memref<16x8x128xf32, #tpu.memory_space<vmem>> -> memref<1x8x128xf32, #tpu.memory_space<vmem>>
      %dma_wait3A_665 = tpu.memref_squeeze %dma_wait3A_664 : memref<1x8x128xf32, #tpu.memory_space<vmem>> -> memref<8x128xf32, #tpu.memory_space<vmem>>
      %dma_wait3A_666 = arith.constant 0 : i32
      %dma_wait3A_667 = tpu.memref_slice %arg5[%dma_wait3A_666, %multiple_of3A_23] : memref<8x1000000xf32, #tpu.memory_space<hbm>> -> memref<8x128xf32, #tpu.memory_space<hbm>>
      %dma_wait3A_668 = arith.constant 0 : i32
      %dma_wait3A_669 = arith.constant 0 : i32
      %dma_wait3A_670 = tpu.memref_slice %arg11[%dma_wait3A_661, %dma_wait3A_668, %dma_wait3A_669] : memref<16x8x128xf32, #tpu.memory_space<vmem>> -> memref<1x8x128xf32, #tpu.memory_space<vmem>>
      %dma_wait3A_671 = tpu.memref_squeeze %dma_wait3A_670 : memref<1x8x128xf32, #tpu.memory_space<vmem>> -> memref<8x128xf32, #tpu.memory_space<vmem>>
      %dma_wait3A_672 = arith.constant 0 : i32
      %dma_wait3A_673 = tpu.memref_slice %arg5[%dma_wait3A_672, %multiple_of3A_23] : memref<8x1000000xf32, #tpu.memory_space<hbm>> -> memref<8x128xf32, #tpu.memory_space<hbm>>
      tpu.wait_dma2 semaphore(%arg13 : memref<!tpu.dma_semaphore, #tpu.memory_space<semaphore_mem>>) src(%dma_wait3A_673 : memref<8x128xf32, #tpu.memory_space<hbm>>) dst(%dma_wait3A_671 : memref<8x128xf32, #tpu.memory_space<vmem>>)
      %dma_wait3A_674 = arith.constant 1 : i32
      %dma_wait3A_675 = arith.constant 0 : i32
      %dma_wait3A_676 = arith.constant 0 : i32
      %dma_wait3A_677 = tpu.memref_slice %arg10[%dma_wait3A_674, %dma_wait3A_675, %dma_wait3A_676] : memref<16x8x128xf32, #tpu.memory_space<vmem>> -> memref<1x8x128xf32, #tpu.memory_space<vmem>>
      %dma_wait3A_678 = tpu.memref_squeeze %dma_wait3A_677 : memref<1x8x128xf32, #tpu.memory_space<vmem>> -> memref<8x128xf32, #tpu.memory_space<vmem>>
      %dma_wait3A_679 = arith.constant 0 : i32
      %dma_wait3A_680 = tpu.memref_slice %arg4[%dma_wait3A_679, %multiple_of3A_55] : memref<8x1000000xf32, #tpu.memory_space<hbm>> -> memref<8x128xf32, #tpu.memory_space<hbm>>
      %dma_wait3A_681 = arith.constant 0 : i32
      %dma_wait3A_682 = arith.constant 0 : i32
      %dma_wait3A_683 = tpu.memref_slice %arg10[%dma_wait3A_674, %dma_wait3A_681, %dma_wait3A_682] : memref<16x8x128xf32, #tpu.memory_space<vmem>> -> memref<1x8x128xf32, #tpu.memory_space<vmem>>
      %dma_wait3A_684 = tpu.memref_squeeze %dma_wait3A_683 : memref<1x8x128xf32, #tpu.memory_space<vmem>> -> memref<8x128xf32, #tpu.memory_space<vmem>>
      %dma_wait3A_685 = arith.constant 0 : i32
      %dma_wait3A_686 = tpu.memref_slice %arg4[%dma_wait3A_685, %multiple_of3A_55] : memref<8x1000000xf32, #tpu.memory_space<hbm>> -> memref<8x128xf32, #tpu.memory_space<hbm>>
      tpu.wait_dma2 semaphore(%arg12 : memref<!tpu.dma_semaphore, #tpu.memory_space<semaphore_mem>>) src(%dma_wait3A_686 : memref<8x128xf32, #tpu.memory_space<hbm>>) dst(%dma_wait3A_684 : memref<8x128xf32, #tpu.memory_space<vmem>>)
      %dma_wait3A_687 = arith.constant 1 : i32
      %dma_wait3A_688 = arith.constant 0 : i32
      %dma_wait3A_689 = arith.constant 0 : i32
      %dma_wait3A_690 = tpu.memref_slice %arg11[%dma_wait3A_687, %dma_wait3A_688, %dma_wait3A_689] : memref<16x8x128xf32, #tpu.memory_space<vmem>> -> memref<1x8x128xf32, #tpu.memory_space<vmem>>
      %dma_wait3A_691 = tpu.memref_squeeze %dma_wait3A_690 : memref<1x8x128xf32, #tpu.memory_space<vmem>> -> memref<8x128xf32, #tpu.memory_space<vmem>>
      %dma_wait3A_692 = arith.constant 0 : i32
      %dma_wait3A_693 = tpu.memref_slice %arg5[%dma_wait3A_692, %multiple_of3A_62] : memref<8x1000000xf32, #tpu.memory_space<hbm>> -> memref<8x128xf32, #tpu.memory_space<hbm>>
      %dma_wait3A_694 = arith.constant 0 : i32
      %dma_wait3A_695 = arith.constant 0 : i32
      %dma_wait3A_696 = tpu.memref_slice %arg11[%dma_wait3A_687, %dma_wait3A_694, %dma_wait3A_695] : memref<16x8x128xf32, #tpu.memory_space<vmem>> -> memref<1x8x128xf32, #tpu.memory_space<vmem>>
      %dma_wait3A_697 = tpu.memref_squeeze %dma_wait3A_696 : memref<1x8x128xf32, #tpu.memory_space<vmem>> -> memref<8x128xf32, #tpu.memory_space<vmem>>
      %dma_wait3A_698 = arith.constant 0 : i32
      %dma_wait3A_699 = tpu.memref_slice %arg5[%dma_wait3A_698, %multiple_of3A_62] : memref<8x1000000xf32, #tpu.memory_space<hbm>> -> memref<8x128xf32, #tpu.memory_space<hbm>>
      tpu.wait_dma2 semaphore(%arg13 : memref<!tpu.dma_semaphore, #tpu.memory_space<semaphore_mem>>) src(%dma_wait3A_699 : memref<8x128xf32, #tpu.memory_space<hbm>>) dst(%dma_wait3A_697 : memref<8x128xf32, #tpu.memory_space<vmem>>)
      %dma_wait3A_700 = arith.constant 2 : i32
      %dma_wait3A_701 = arith.constant 0 : i32
      %dma_wait3A_702 = arith.constant 0 : i32
      %dma_wait3A_703 = tpu.memref_slice %arg10[%dma_wait3A_700, %dma_wait3A_701, %dma_wait3A_702] : memref<16x8x128xf32, #tpu.memory_space<vmem>> -> memref<1x8x128xf32, #tpu.memory_space<vmem>>
      %dma_wait3A_704 = tpu.memref_squeeze %dma_wait3A_703 : memref<1x8x128xf32, #tpu.memory_space<vmem>> -> memref<8x128xf32, #tpu.memory_space<vmem>>
      %dma_wait3A_705 = arith.constant 0 : i32
      %dma_wait3A_706 = tpu.memref_slice %arg4[%dma_wait3A_705, %multiple_of3A_95] : memref<8x1000000xf32, #tpu.memory_space<hbm>> -> memref<8x128xf32, #tpu.memory_space<hbm>>
      %dma_wait3A_707 = arith.constant 0 : i32
      %dma_wait3A_708 = arith.constant 0 : i32
      %dma_wait3A_709 = tpu.memref_slice %arg10[%dma_wait3A_700, %dma_wait3A_707, %dma_wait3A_708] : memref<16x8x128xf32, #tpu.memory_space<vmem>> -> memref<1x8x128xf32, #tpu.memory_space<vmem>>
      %dma_wait3A_710 = tpu.memref_squeeze %dma_wait3A_709 : memref<1x8x128xf32, #tpu.memory_space<vmem>> -> memref<8x128xf32, #tpu.memory_space<vmem>>
      %dma_wait3A_711 = arith.constant 0 : i32
      %dma_wait3A_712 = tpu.memref_slice %arg4[%dma_wait3A_711, %multiple_of3A_95] : memref<8x1000000xf32, #tpu.memory_space<hbm>> -> memref<8x128xf32, #tpu.memory_space<hbm>>
      tpu.wait_dma2 semaphore(%arg12 : memref<!tpu.dma_semaphore, #tpu.memory_space<semaphore_mem>>) src(%dma_wait3A_712 : memref<8x128xf32, #tpu.memory_space<hbm>>) dst(%dma_wait3A_710 : memref<8x128xf32, #tpu.memory_space<vmem>>)
      %dma_wait3A_713 = arith.constant 2 : i32
      %dma_wait3A_714 = arith.constant 0 : i32
      %dma_wait3A_715 = arith.constant 0 : i32
      %dma_wait3A_716 = tpu.memref_slice %arg11[%dma_wait3A_713, %dma_wait3A_714, %dma_wait3A_715] : memref<16x8x128xf32, #tpu.memory_space<vmem>> -> memref<1x8x128xf32, #tpu.memory_space<vmem>>
      %dma_wait3A_717 = tpu.memref_squeeze %dma_wait3A_716 : memref<1x8x128xf32, #tpu.memory_space<vmem>> -> memref<8x128xf32, #tpu.memory_space<vmem>>
      %dma_wait3A_718 = arith.constant 0 : i32
      %dma_wait3A_719 = tpu.memref_slice %arg5[%dma_wait3A_718, %multiple_of3A_102] : memref<8x1000000xf32, #tpu.memory_space<hbm>> -> memref<8x128xf32, #tpu.memory_space<hbm>>
      %dma_wait3A_720 = arith.constant 0 : i32
      %dma_wait3A_721 = arith.constant 0 : i32
      %dma_wait3A_722 = tpu.memref_slice %arg11[%dma_wait3A_713, %dma_wait3A_720, %dma_wait3A_721] : memref<16x8x128xf32, #tpu.memory_space<vmem>> -> memref<1x8x128xf32, #tpu.memory_space<vmem>>
      %dma_wait3A_723 = tpu.memref_squeeze %dma_wait3A_722 : memref<1x8x128xf32, #tpu.memory_space<vmem>> -> memref<8x128xf32, #tpu.memory_space<vmem>>
      %dma_wait3A_724 = arith.constant 0 : i32
      %dma_wait3A_725 = tpu.memref_slice %arg5[%dma_wait3A_724, %multiple_of3A_102] : memref<8x1000000xf32, #tpu.memory_space<hbm>> -> memref<8x128xf32, #tpu.memory_space<hbm>>
      tpu.wait_dma2 semaphore(%arg13 : memref<!tpu.dma_semaphore, #tpu.memory_space<semaphore_mem>>) src(%dma_wait3A_725 : memref<8x128xf32, #tpu.memory_space<hbm>>) dst(%dma_wait3A_723 : memref<8x128xf32, #tpu.memory_space<vmem>>)
      %dma_wait3A_726 = arith.constant 3 : i32
      %dma_wait3A_727 = arith.constant 0 : i32
      %dma_wait3A_728 = arith.constant 0 : i32
      %dma_wait3A_729 = tpu.memref_slice %arg10[%dma_wait3A_726, %dma_wait3A_727, %dma_wait3A_728] : memref<16x8x128xf32, #tpu.memory_space<vmem>> -> memref<1x8x128xf32, #tpu.memory_space<vmem>>
      %dma_wait3A_730 = tpu.memref_squeeze %dma_wait3A_729 : memref<1x8x128xf32, #tpu.memory_space<vmem>> -> memref<8x128xf32, #tpu.memory_space<vmem>>
      %dma_wait3A_731 = arith.constant 0 : i32
      %dma_wait3A_732 = tpu.memref_slice %arg4[%dma_wait3A_731, %multiple_of3A_135] : memref<8x1000000xf32, #tpu.memory_space<hbm>> -> memref<8x128xf32, #tpu.memory_space<hbm>>
      %dma_wait3A_733 = arith.constant 0 : i32
      %dma_wait3A_734 = arith.constant 0 : i32
      %dma_wait3A_735 = tpu.memref_slice %arg10[%dma_wait3A_726, %dma_wait3A_733, %dma_wait3A_734] : memref<16x8x128xf32, #tpu.memory_space<vmem>> -> memref<1x8x128xf32, #tpu.memory_space<vmem>>
      %dma_wait3A_736 = tpu.memref_squeeze %dma_wait3A_735 : memref<1x8x128xf32, #tpu.memory_space<vmem>> -> memref<8x128xf32, #tpu.memory_space<vmem>>
      %dma_wait3A_737 = arith.constant 0 : i32
      %dma_wait3A_738 = tpu.memref_slice %arg4[%dma_wait3A_737, %multiple_of3A_135] : memref<8x1000000xf32, #tpu.memory_space<hbm>> -> memref<8x128xf32, #tpu.memory_space<hbm>>
      tpu.wait_dma2 semaphore(%arg12 : memref<!tpu.dma_semaphore, #tpu.memory_space<semaphore_mem>>) src(%dma_wait3A_738 : memref<8x128xf32, #tpu.memory_space<hbm>>) dst(%dma_wait3A_736 : memref<8x128xf32, #tpu.memory_space<vmem>>)
      %dma_wait3A_739 = arith.constant 3 : i32
      %dma_wait3A_740 = arith.constant 0 : i32
      %dma_wait3A_741 = arith.constant 0 : i32
      %dma_wait3A_742 = tpu.memref_slice %arg11[%dma_wait3A_739, %dma_wait3A_740, %dma_wait3A_741] : memref<16x8x128xf32, #tpu.memory_space<vmem>> -> memref<1x8x128xf32, #tpu.memory_space<vmem>>
      %dma_wait3A_743 = tpu.memref_squeeze %dma_wait3A_742 : memref<1x8x128xf32, #tpu.memory_space<vmem>> -> memref<8x128xf32, #tpu.memory_space<vmem>>
      %dma_wait3A_744 = arith.constant 0 : i32
      %dma_wait3A_745 = tpu.memref_slice %arg5[%dma_wait3A_744, %multiple_of3A_142] : memref<8x1000000xf32, #tpu.memory_space<hbm>> -> memref<8x128xf32, #tpu.memory_space<hbm>>
      %dma_wait3A_746 = arith.constant 0 : i32
      %dma_wait3A_747 = arith.constant 0 : i32
      %dma_wait3A_748 = tpu.memref_slice %arg11[%dma_wait3A_739, %dma_wait3A_746, %dma_wait3A_747] : memref<16x8x128xf32, #tpu.memory_space<vmem>> -> memref<1x8x128xf32, #tpu.memory_space<vmem>>
      %dma_wait3A_749 = tpu.memref_squeeze %dma_wait3A_748 : memref<1x8x128xf32, #tpu.memory_space<vmem>> -> memref<8x128xf32, #tpu.memory_space<vmem>>
      %dma_wait3A_750 = arith.constant 0 : i32
      %dma_wait3A_751 = tpu.memref_slice %arg5[%dma_wait3A_750, %multiple_of3A_142] : memref<8x1000000xf32, #tpu.memory_space<hbm>> -> memref<8x128xf32, #tpu.memory_space<hbm>>
      tpu.wait_dma2 semaphore(%arg13 : memref<!tpu.dma_semaphore, #tpu.memory_space<semaphore_mem>>) src(%dma_wait3A_751 : memref<8x128xf32, #tpu.memory_space<hbm>>) dst(%dma_wait3A_749 : memref<8x128xf32, #tpu.memory_space<vmem>>)
      %dma_wait3A_752 = arith.constant 4 : i32
      %dma_wait3A_753 = arith.constant 0 : i32
      %dma_wait3A_754 = arith.constant 0 : i32
      %dma_wait3A_755 = tpu.memref_slice %arg10[%dma_wait3A_752, %dma_wait3A_753, %dma_wait3A_754] : memref<16x8x128xf32, #tpu.memory_space<vmem>> -> memref<1x8x128xf32, #tpu.memory_space<vmem>>
      %dma_wait3A_756 = tpu.memref_squeeze %dma_wait3A_755 : memref<1x8x128xf32, #tpu.memory_space<vmem>> -> memref<8x128xf32, #tpu.memory_space<vmem>>
      %dma_wait3A_757 = arith.constant 0 : i32
      %dma_wait3A_758 = tpu.memref_slice %arg4[%dma_wait3A_757, %multiple_of3A_175] : memref<8x1000000xf32, #tpu.memory_space<hbm>> -> memref<8x128xf32, #tpu.memory_space<hbm>>
      %dma_wait3A_759 = arith.constant 0 : i32
      %dma_wait3A_760 = arith.constant 0 : i32
      %dma_wait3A_761 = tpu.memref_slice %arg10[%dma_wait3A_752, %dma_wait3A_759, %dma_wait3A_760] : memref<16x8x128xf32, #tpu.memory_space<vmem>> -> memref<1x8x128xf32, #tpu.memory_space<vmem>>
      %dma_wait3A_762 = tpu.memref_squeeze %dma_wait3A_761 : memref<1x8x128xf32, #tpu.memory_space<vmem>> -> memref<8x128xf32, #tpu.memory_space<vmem>>
      %dma_wait3A_763 = arith.constant 0 : i32
      %dma_wait3A_764 = tpu.memref_slice %arg4[%dma_wait3A_763, %multiple_of3A_175] : memref<8x1000000xf32, #tpu.memory_space<hbm>> -> memref<8x128xf32, #tpu.memory_space<hbm>>
      tpu.wait_dma2 semaphore(%arg12 : memref<!tpu.dma_semaphore, #tpu.memory_space<semaphore_mem>>) src(%dma_wait3A_764 : memref<8x128xf32, #tpu.memory_space<hbm>>) dst(%dma_wait3A_762 : memref<8x128xf32, #tpu.memory_space<vmem>>)
      %dma_wait3A_765 = arith.constant 4 : i32
      %dma_wait3A_766 = arith.constant 0 : i32
      %dma_wait3A_767 = arith.constant 0 : i32
      %dma_wait3A_768 = tpu.memref_slice %arg11[%dma_wait3A_765, %dma_wait3A_766, %dma_wait3A_767] : memref<16x8x128xf32, #tpu.memory_space<vmem>> -> memref<1x8x128xf32, #tpu.memory_space<vmem>>
      %dma_wait3A_769 = tpu.memref_squeeze %dma_wait3A_768 : memref<1x8x128xf32, #tpu.memory_space<vmem>> -> memref<8x128xf32, #tpu.memory_space<vmem>>
      %dma_wait3A_770 = arith.constant 0 : i32
      %dma_wait3A_771 = tpu.memref_slice %arg5[%dma_wait3A_770, %multiple_of3A_182] : memref<8x1000000xf32, #tpu.memory_space<hbm>> -> memref<8x128xf32, #tpu.memory_space<hbm>>
      %dma_wait3A_772 = arith.constant 0 : i32
      %dma_wait3A_773 = arith.constant 0 : i32
      %dma_wait3A_774 = tpu.memref_slice %arg11[%dma_wait3A_765, %dma_wait3A_772, %dma_wait3A_773] : memref<16x8x128xf32, #tpu.memory_space<vmem>> -> memref<1x8x128xf32, #tpu.memory_space<vmem>>
      %dma_wait3A_775 = tpu.memref_squeeze %dma_wait3A_774 : memref<1x8x128xf32, #tpu.memory_space<vmem>> -> memref<8x128xf32, #tpu.memory_space<vmem>>
      %dma_wait3A_776 = arith.constant 0 : i32
      %dma_wait3A_777 = tpu.memref_slice %arg5[%dma_wait3A_776, %multiple_of3A_182] : memref<8x1000000xf32, #tpu.memory_space<hbm>> -> memref<8x128xf32, #tpu.memory_space<hbm>>
      tpu.wait_dma2 semaphore(%arg13 : memref<!tpu.dma_semaphore, #tpu.memory_space<semaphore_mem>>) src(%dma_wait3A_777 : memref<8x128xf32, #tpu.memory_space<hbm>>) dst(%dma_wait3A_775 : memref<8x128xf32, #tpu.memory_space<vmem>>)
      %dma_wait3A_778 = arith.constant 5 : i32
      %dma_wait3A_779 = arith.constant 0 : i32
      %dma_wait3A_780 = arith.constant 0 : i32
      %dma_wait3A_781 = tpu.memref_slice %arg10[%dma_wait3A_778, %dma_wait3A_779, %dma_wait3A_780] : memref<16x8x128xf32, #tpu.memory_space<vmem>> -> memref<1x8x128xf32, #tpu.memory_space<vmem>>
      %dma_wait3A_782 = tpu.memref_squeeze %dma_wait3A_781 : memref<1x8x128xf32, #tpu.memory_space<vmem>> -> memref<8x128xf32, #tpu.memory_space<vmem>>
      %dma_wait3A_783 = arith.constant 0 : i32
      %dma_wait3A_784 = tpu.memref_slice %arg4[%dma_wait3A_783, %multiple_of3A_215] : memref<8x1000000xf32, #tpu.memory_space<hbm>> -> memref<8x128xf32, #tpu.memory_space<hbm>>
      %dma_wait3A_785 = arith.constant 0 : i32
      %dma_wait3A_786 = arith.constant 0 : i32
      %dma_wait3A_787 = tpu.memref_slice %arg10[%dma_wait3A_778, %dma_wait3A_785, %dma_wait3A_786] : memref<16x8x128xf32, #tpu.memory_space<vmem>> -> memref<1x8x128xf32, #tpu.memory_space<vmem>>
      %dma_wait3A_788 = tpu.memref_squeeze %dma_wait3A_787 : memref<1x8x128xf32, #tpu.memory_space<vmem>> -> memref<8x128xf32, #tpu.memory_space<vmem>>
      %dma_wait3A_789 = arith.constant 0 : i32
      %dma_wait3A_790 = tpu.memref_slice %arg4[%dma_wait3A_789, %multiple_of3A_215] : memref<8x1000000xf32, #tpu.memory_space<hbm>> -> memref<8x128xf32, #tpu.memory_space<hbm>>
      tpu.wait_dma2 semaphore(%arg12 : memref<!tpu.dma_semaphore, #tpu.memory_space<semaphore_mem>>) src(%dma_wait3A_790 : memref<8x128xf32, #tpu.memory_space<hbm>>) dst(%dma_wait3A_788 : memref<8x128xf32, #tpu.memory_space<vmem>>)
      %dma_wait3A_791 = arith.constant 5 : i32
      %dma_wait3A_792 = arith.constant 0 : i32
      %dma_wait3A_793 = arith.constant 0 : i32
      %dma_wait3A_794 = tpu.memref_slice %arg11[%dma_wait3A_791, %dma_wait3A_792, %dma_wait3A_793] : memref<16x8x128xf32, #tpu.memory_space<vmem>> -> memref<1x8x128xf32, #tpu.memory_space<vmem>>
      %dma_wait3A_795 = tpu.memref_squeeze %dma_wait3A_794 : memref<1x8x128xf32, #tpu.memory_space<vmem>> -> memref<8x128xf32, #tpu.memory_space<vmem>>
      %dma_wait3A_796 = arith.constant 0 : i32
      %dma_wait3A_797 = tpu.memref_slice %arg5[%dma_wait3A_796, %multiple_of3A_222] : memref<8x1000000xf32, #tpu.memory_space<hbm>> -> memref<8x128xf32, #tpu.memory_space<hbm>>
      %dma_wait3A_798 = arith.constant 0 : i32
      %dma_wait3A_799 = arith.constant 0 : i32
      %dma_wait3A_800 = tpu.memref_slice %arg11[%dma_wait3A_791, %dma_wait3A_798, %dma_wait3A_799] : memref<16x8x128xf32, #tpu.memory_space<vmem>> -> memref<1x8x128xf32, #tpu.memory_space<vmem>>
      %dma_wait3A_801 = tpu.memref_squeeze %dma_wait3A_800 : memref<1x8x128xf32, #tpu.memory_space<vmem>> -> memref<8x128xf32, #tpu.memory_space<vmem>>
      %dma_wait3A_802 = arith.constant 0 : i32
      %dma_wait3A_803 = tpu.memref_slice %arg5[%dma_wait3A_802, %multiple_of3A_222] : memref<8x1000000xf32, #tpu.memory_space<hbm>> -> memref<8x128xf32, #tpu.memory_space<hbm>>
      tpu.wait_dma2 semaphore(%arg13 : memref<!tpu.dma_semaphore, #tpu.memory_space<semaphore_mem>>) src(%dma_wait3A_803 : memref<8x128xf32, #tpu.memory_space<hbm>>) dst(%dma_wait3A_801 : memref<8x128xf32, #tpu.memory_space<vmem>>)
      %dma_wait3A_804 = arith.constant 6 : i32
      %dma_wait3A_805 = arith.constant 0 : i32
      %dma_wait3A_806 = arith.constant 0 : i32
      %dma_wait3A_807 = tpu.memref_slice %arg10[%dma_wait3A_804, %dma_wait3A_805, %dma_wait3A_806] : memref<16x8x128xf32, #tpu.memory_space<vmem>> -> memref<1x8x128xf32, #tpu.memory_space<vmem>>
      %dma_wait3A_808 = tpu.memref_squeeze %dma_wait3A_807 : memref<1x8x128xf32, #tpu.memory_space<vmem>> -> memref<8x128xf32, #tpu.memory_space<vmem>>
      %dma_wait3A_809 = arith.constant 0 : i32
      %dma_wait3A_810 = tpu.memref_slice %arg4[%dma_wait3A_809, %multiple_of3A_255] : memref<8x1000000xf32, #tpu.memory_space<hbm>> -> memref<8x128xf32, #tpu.memory_space<hbm>>
      %dma_wait3A_811 = arith.constant 0 : i32
      %dma_wait3A_812 = arith.constant 0 : i32
      %dma_wait3A_813 = tpu.memref_slice %arg10[%dma_wait3A_804, %dma_wait3A_811, %dma_wait3A_812] : memref<16x8x128xf32, #tpu.memory_space<vmem>> -> memref<1x8x128xf32, #tpu.memory_space<vmem>>
      %dma_wait3A_814 = tpu.memref_squeeze %dma_wait3A_813 : memref<1x8x128xf32, #tpu.memory_space<vmem>> -> memref<8x128xf32, #tpu.memory_space<vmem>>
      %dma_wait3A_815 = arith.constant 0 : i32
      %dma_wait3A_816 = tpu.memref_slice %arg4[%dma_wait3A_815, %multiple_of3A_255] : memref<8x1000000xf32, #tpu.memory_space<hbm>> -> memref<8x128xf32, #tpu.memory_space<hbm>>
      tpu.wait_dma2 semaphore(%arg12 : memref<!tpu.dma_semaphore, #tpu.memory_space<semaphore_mem>>) src(%dma_wait3A_816 : memref<8x128xf32, #tpu.memory_space<hbm>>) dst(%dma_wait3A_814 : memref<8x128xf32, #tpu.memory_space<vmem>>)
      %dma_wait3A_817 = arith.constant 6 : i32
      %dma_wait3A_818 = arith.constant 0 : i32
      %dma_wait3A_819 = arith.constant 0 : i32
      %dma_wait3A_820 = tpu.memref_slice %arg11[%dma_wait3A_817, %dma_wait3A_818, %dma_wait3A_819] : memref<16x8x128xf32, #tpu.memory_space<vmem>> -> memref<1x8x128xf32, #tpu.memory_space<vmem>>
      %dma_wait3A_821 = tpu.memref_squeeze %dma_wait3A_820 : memref<1x8x128xf32, #tpu.memory_space<vmem>> -> memref<8x128xf32, #tpu.memory_space<vmem>>
      %dma_wait3A_822 = arith.constant 0 : i32
      %dma_wait3A_823 = tpu.memref_slice %arg5[%dma_wait3A_822, %multiple_of3A_262] : memref<8x1000000xf32, #tpu.memory_space<hbm>> -> memref<8x128xf32, #tpu.memory_space<hbm>>
      %dma_wait3A_824 = arith.constant 0 : i32
      %dma_wait3A_825 = arith.constant 0 : i32
      %dma_wait3A_826 = tpu.memref_slice %arg11[%dma_wait3A_817, %dma_wait3A_824, %dma_wait3A_825] : memref<16x8x128xf32, #tpu.memory_space<vmem>> -> memref<1x8x128xf32, #tpu.memory_space<vmem>>
      %dma_wait3A_827 = tpu.memref_squeeze %dma_wait3A_826 : memref<1x8x128xf32, #tpu.memory_space<vmem>> -> memref<8x128xf32, #tpu.memory_space<vmem>>
      %dma_wait3A_828 = arith.constant 0 : i32
      %dma_wait3A_829 = tpu.memref_slice %arg5[%dma_wait3A_828, %multiple_of3A_262] : memref<8x1000000xf32, #tpu.memory_space<hbm>> -> memref<8x128xf32, #tpu.memory_space<hbm>>
      tpu.wait_dma2 semaphore(%arg13 : memref<!tpu.dma_semaphore, #tpu.memory_space<semaphore_mem>>) src(%dma_wait3A_829 : memref<8x128xf32, #tpu.memory_space<hbm>>) dst(%dma_wait3A_827 : memref<8x128xf32, #tpu.memory_space<vmem>>)
      %dma_wait3A_830 = arith.constant 7 : i32
      %dma_wait3A_831 = arith.constant 0 : i32
      %dma_wait3A_832 = arith.constant 0 : i32
      %dma_wait3A_833 = tpu.memref_slice %arg10[%dma_wait3A_830, %dma_wait3A_831, %dma_wait3A_832] : memref<16x8x128xf32, #tpu.memory_space<vmem>> -> memref<1x8x128xf32, #tpu.memory_space<vmem>>
      %dma_wait3A_834 = tpu.memref_squeeze %dma_wait3A_833 : memref<1x8x128xf32, #tpu.memory_space<vmem>> -> memref<8x128xf32, #tpu.memory_space<vmem>>
      %dma_wait3A_835 = arith.constant 0 : i32
      %dma_wait3A_836 = tpu.memref_slice %arg4[%dma_wait3A_835, %multiple_of3A_295] : memref<8x1000000xf32, #tpu.memory_space<hbm>> -> memref<8x128xf32, #tpu.memory_space<hbm>>
      %dma_wait3A_837 = arith.constant 0 : i32
      %dma_wait3A_838 = arith.constant 0 : i32
      %dma_wait3A_839 = tpu.memref_slice %arg10[%dma_wait3A_830, %dma_wait3A_837, %dma_wait3A_838] : memref<16x8x128xf32, #tpu.memory_space<vmem>> -> memref<1x8x128xf32, #tpu.memory_space<vmem>>
      %dma_wait3A_840 = tpu.memref_squeeze %dma_wait3A_839 : memref<1x8x128xf32, #tpu.memory_space<vmem>> -> memref<8x128xf32, #tpu.memory_space<vmem>>
      %dma_wait3A_841 = arith.constant 0 : i32
      %dma_wait3A_842 = tpu.memref_slice %arg4[%dma_wait3A_841, %multiple_of3A_295] : memref<8x1000000xf32, #tpu.memory_space<hbm>> -> memref<8x128xf32, #tpu.memory_space<hbm>>
      tpu.wait_dma2 semaphore(%arg12 : memref<!tpu.dma_semaphore, #tpu.memory_space<semaphore_mem>>) src(%dma_wait3A_842 : memref<8x128xf32, #tpu.memory_space<hbm>>) dst(%dma_wait3A_840 : memref<8x128xf32, #tpu.memory_space<vmem>>)
      %dma_wait3A_843 = arith.constant 7 : i32
      %dma_wait3A_844 = arith.constant 0 : i32
      %dma_wait3A_845 = arith.constant 0 : i32
      %dma_wait3A_846 = tpu.memref_slice %arg11[%dma_wait3A_843, %dma_wait3A_844, %dma_wait3A_845] : memref<16x8x128xf32, #tpu.memory_space<vmem>> -> memref<1x8x128xf32, #tpu.memory_space<vmem>>
      %dma_wait3A_847 = tpu.memref_squeeze %dma_wait3A_846 : memref<1x8x128xf32, #tpu.memory_space<vmem>> -> memref<8x128xf32, #tpu.memory_space<vmem>>
      %dma_wait3A_848 = arith.constant 0 : i32
      %dma_wait3A_849 = tpu.memref_slice %arg5[%dma_wait3A_848, %multiple_of3A_302] : memref<8x1000000xf32, #tpu.memory_space<hbm>> -> memref<8x128xf32, #tpu.memory_space<hbm>>
      %dma_wait3A_850 = arith.constant 0 : i32
      %dma_wait3A_851 = arith.constant 0 : i32
      %dma_wait3A_852 = tpu.memref_slice %arg11[%dma_wait3A_843, %dma_wait3A_850, %dma_wait3A_851] : memref<16x8x128xf32, #tpu.memory_space<vmem>> -> memref<1x8x128xf32, #tpu.memory_space<vmem>>
      %dma_wait3A_853 = tpu.memref_squeeze %dma_wait3A_852 : memref<1x8x128xf32, #tpu.memory_space<vmem>> -> memref<8x128xf32, #tpu.memory_space<vmem>>
      %dma_wait3A_854 = arith.constant 0 : i32
      %dma_wait3A_855 = tpu.memref_slice %arg5[%dma_wait3A_854, %multiple_of3A_302] : memref<8x1000000xf32, #tpu.memory_space<hbm>> -> memref<8x128xf32, #tpu.memory_space<hbm>>
      tpu.wait_dma2 semaphore(%arg13 : memref<!tpu.dma_semaphore, #tpu.memory_space<semaphore_mem>>) src(%dma_wait3A_855 : memref<8x128xf32, #tpu.memory_space<hbm>>) dst(%dma_wait3A_853 : memref<8x128xf32, #tpu.memory_space<vmem>>)
      %dma_wait3A_856 = arith.constant 8 : i32
      %dma_wait3A_857 = arith.constant 0 : i32
      %dma_wait3A_858 = arith.constant 0 : i32
      %dma_wait3A_859 = tpu.memref_slice %arg10[%dma_wait3A_856, %dma_wait3A_857, %dma_wait3A_858] : memref<16x8x128xf32, #tpu.memory_space<vmem>> -> memref<1x8x128xf32, #tpu.memory_space<vmem>>
      %dma_wait3A_860 = tpu.memref_squeeze %dma_wait3A_859 : memref<1x8x128xf32, #tpu.memory_space<vmem>> -> memref<8x128xf32, #tpu.memory_space<vmem>>
      %dma_wait3A_861 = arith.constant 0 : i32
      %dma_wait3A_862 = tpu.memref_slice %arg4[%dma_wait3A_861, %multiple_of3A_335] : memref<8x1000000xf32, #tpu.memory_space<hbm>> -> memref<8x128xf32, #tpu.memory_space<hbm>>
      %dma_wait3A_863 = arith.constant 0 : i32
      %dma_wait3A_864 = arith.constant 0 : i32
      %dma_wait3A_865 = tpu.memref_slice %arg10[%dma_wait3A_856, %dma_wait3A_863, %dma_wait3A_864] : memref<16x8x128xf32, #tpu.memory_space<vmem>> -> memref<1x8x128xf32, #tpu.memory_space<vmem>>
      %dma_wait3A_866 = tpu.memref_squeeze %dma_wait3A_865 : memref<1x8x128xf32, #tpu.memory_space<vmem>> -> memref<8x128xf32, #tpu.memory_space<vmem>>
      %dma_wait3A_867 = arith.constant 0 : i32
      %dma_wait3A_868 = tpu.memref_slice %arg4[%dma_wait3A_867, %multiple_of3A_335] : memref<8x1000000xf32, #tpu.memory_space<hbm>> -> memref<8x128xf32, #tpu.memory_space<hbm>>
      tpu.wait_dma2 semaphore(%arg12 : memref<!tpu.dma_semaphore, #tpu.memory_space<semaphore_mem>>) src(%dma_wait3A_868 : memref<8x128xf32, #tpu.memory_space<hbm>>) dst(%dma_wait3A_866 : memref<8x128xf32, #tpu.memory_space<vmem>>)
      %dma_wait3A_869 = arith.constant 8 : i32
      %dma_wait3A_870 = arith.constant 0 : i32
      %dma_wait3A_871 = arith.constant 0 : i32
      %dma_wait3A_872 = tpu.memref_slice %arg11[%dma_wait3A_869, %dma_wait3A_870, %dma_wait3A_871] : memref<16x8x128xf32, #tpu.memory_space<vmem>> -> memref<1x8x128xf32, #tpu.memory_space<vmem>>
      %dma_wait3A_873 = tpu.memref_squeeze %dma_wait3A_872 : memref<1x8x128xf32, #tpu.memory_space<vmem>> -> memref<8x128xf32, #tpu.memory_space<vmem>>
      %dma_wait3A_874 = arith.constant 0 : i32
      %dma_wait3A_875 = tpu.memref_slice %arg5[%dma_wait3A_874, %multiple_of3A_342] : memref<8x1000000xf32, #tpu.memory_space<hbm>> -> memref<8x128xf32, #tpu.memory_space<hbm>>
      %dma_wait3A_876 = arith.constant 0 : i32
      %dma_wait3A_877 = arith.constant 0 : i32
      %dma_wait3A_878 = tpu.memref_slice %arg11[%dma_wait3A_869, %dma_wait3A_876, %dma_wait3A_877] : memref<16x8x128xf32, #tpu.memory_space<vmem>> -> memref<1x8x128xf32, #tpu.memory_space<vmem>>
      %dma_wait3A_879 = tpu.memref_squeeze %dma_wait3A_878 : memref<1x8x128xf32, #tpu.memory_space<vmem>> -> memref<8x128xf32, #tpu.memory_space<vmem>>
      %dma_wait3A_880 = arith.constant 0 : i32
      %dma_wait3A_881 = tpu.memref_slice %arg5[%dma_wait3A_880, %multiple_of3A_342] : memref<8x1000000xf32, #tpu.memory_space<hbm>> -> memref<8x128xf32, #tpu.memory_space<hbm>>
      tpu.wait_dma2 semaphore(%arg13 : memref<!tpu.dma_semaphore, #tpu.memory_space<semaphore_mem>>) src(%dma_wait3A_881 : memref<8x128xf32, #tpu.memory_space<hbm>>) dst(%dma_wait3A_879 : memref<8x128xf32, #tpu.memory_space<vmem>>)
      %dma_wait3A_882 = arith.constant 9 : i32
      %dma_wait3A_883 = arith.constant 0 : i32
      %dma_wait3A_884 = arith.constant 0 : i32
      %dma_wait3A_885 = tpu.memref_slice %arg10[%dma_wait3A_882, %dma_wait3A_883, %dma_wait3A_884] : memref<16x8x128xf32, #tpu.memory_space<vmem>> -> memref<1x8x128xf32, #tpu.memory_space<vmem>>
      %dma_wait3A_886 = tpu.memref_squeeze %dma_wait3A_885 : memref<1x8x128xf32, #tpu.memory_space<vmem>> -> memref<8x128xf32, #tpu.memory_space<vmem>>
      %dma_wait3A_887 = arith.constant 0 : i32
      %dma_wait3A_888 = tpu.memref_slice %arg4[%dma_wait3A_887, %multiple_of3A_375] : memref<8x1000000xf32, #tpu.memory_space<hbm>> -> memref<8x128xf32, #tpu.memory_space<hbm>>
      %dma_wait3A_889 = arith.constant 0 : i32
      %dma_wait3A_890 = arith.constant 0 : i32
      %dma_wait3A_891 = tpu.memref_slice %arg10[%dma_wait3A_882, %dma_wait3A_889, %dma_wait3A_890] : memref<16x8x128xf32, #tpu.memory_space<vmem>> -> memref<1x8x128xf32, #tpu.memory_space<vmem>>
      %dma_wait3A_892 = tpu.memref_squeeze %dma_wait3A_891 : memref<1x8x128xf32, #tpu.memory_space<vmem>> -> memref<8x128xf32, #tpu.memory_space<vmem>>
      %dma_wait3A_893 = arith.constant 0 : i32
      %dma_wait3A_894 = tpu.memref_slice %arg4[%dma_wait3A_893, %multiple_of3A_375] : memref<8x1000000xf32, #tpu.memory_space<hbm>> -> memref<8x128xf32, #tpu.memory_space<hbm>>
      tpu.wait_dma2 semaphore(%arg12 : memref<!tpu.dma_semaphore, #tpu.memory_space<semaphore_mem>>) src(%dma_wait3A_894 : memref<8x128xf32, #tpu.memory_space<hbm>>) dst(%dma_wait3A_892 : memref<8x128xf32, #tpu.memory_space<vmem>>)
      %dma_wait3A_895 = arith.constant 9 : i32
      %dma_wait3A_896 = arith.constant 0 : i32
      %dma_wait3A_897 = arith.constant 0 : i32
      %dma_wait3A_898 = tpu.memref_slice %arg11[%dma_wait3A_895, %dma_wait3A_896, %dma_wait3A_897] : memref<16x8x128xf32, #tpu.memory_space<vmem>> -> memref<1x8x128xf32, #tpu.memory_space<vmem>>
      %dma_wait3A_899 = tpu.memref_squeeze %dma_wait3A_898 : memref<1x8x128xf32, #tpu.memory_space<vmem>> -> memref<8x128xf32, #tpu.memory_space<vmem>>
      %dma_wait3A_900 = arith.constant 0 : i32
      %dma_wait3A_901 = tpu.memref_slice %arg5[%dma_wait3A_900, %multiple_of3A_382] : memref<8x1000000xf32, #tpu.memory_space<hbm>> -> memref<8x128xf32, #tpu.memory_space<hbm>>
      %dma_wait3A_902 = arith.constant 0 : i32
      %dma_wait3A_903 = arith.constant 0 : i32
      %dma_wait3A_904 = tpu.memref_slice %arg11[%dma_wait3A_895, %dma_wait3A_902, %dma_wait3A_903] : memref<16x8x128xf32, #tpu.memory_space<vmem>> -> memref<1x8x128xf32, #tpu.memory_space<vmem>>
      %dma_wait3A_905 = tpu.memref_squeeze %dma_wait3A_904 : memref<1x8x128xf32, #tpu.memory_space<vmem>> -> memref<8x128xf32, #tpu.memory_space<vmem>>
      %dma_wait3A_906 = arith.constant 0 : i32
      %dma_wait3A_907 = tpu.memref_slice %arg5[%dma_wait3A_906, %multiple_of3A_382] : memref<8x1000000xf32, #tpu.memory_space<hbm>> -> memref<8x128xf32, #tpu.memory_space<hbm>>
      tpu.wait_dma2 semaphore(%arg13 : memref<!tpu.dma_semaphore, #tpu.memory_space<semaphore_mem>>) src(%dma_wait3A_907 : memref<8x128xf32, #tpu.memory_space<hbm>>) dst(%dma_wait3A_905 : memref<8x128xf32, #tpu.memory_space<vmem>>)
      %dma_wait3A_908 = arith.constant 10 : i32
      %dma_wait3A_909 = arith.constant 0 : i32
      %dma_wait3A_910 = arith.constant 0 : i32
      %dma_wait3A_911 = tpu.memref_slice %arg10[%dma_wait3A_908, %dma_wait3A_909, %dma_wait3A_910] : memref<16x8x128xf32, #tpu.memory_space<vmem>> -> memref<1x8x128xf32, #tpu.memory_space<vmem>>
      %dma_wait3A_912 = tpu.memref_squeeze %dma_wait3A_911 : memref<1x8x128xf32, #tpu.memory_space<vmem>> -> memref<8x128xf32, #tpu.memory_space<vmem>>
      %dma_wait3A_913 = arith.constant 0 : i32
      %dma_wait3A_914 = tpu.memref_slice %arg4[%dma_wait3A_913, %multiple_of3A_415] : memref<8x1000000xf32, #tpu.memory_space<hbm>> -> memref<8x128xf32, #tpu.memory_space<hbm>>
      %dma_wait3A_915 = arith.constant 0 : i32
      %dma_wait3A_916 = arith.constant 0 : i32
      %dma_wait3A_917 = tpu.memref_slice %arg10[%dma_wait3A_908, %dma_wait3A_915, %dma_wait3A_916] : memref<16x8x128xf32, #tpu.memory_space<vmem>> -> memref<1x8x128xf32, #tpu.memory_space<vmem>>
      %dma_wait3A_918 = tpu.memref_squeeze %dma_wait3A_917 : memref<1x8x128xf32, #tpu.memory_space<vmem>> -> memref<8x128xf32, #tpu.memory_space<vmem>>
      %dma_wait3A_919 = arith.constant 0 : i32
      %dma_wait3A_920 = tpu.memref_slice %arg4[%dma_wait3A_919, %multiple_of3A_415] : memref<8x1000000xf32, #tpu.memory_space<hbm>> -> memref<8x128xf32, #tpu.memory_space<hbm>>
      tpu.wait_dma2 semaphore(%arg12 : memref<!tpu.dma_semaphore, #tpu.memory_space<semaphore_mem>>) src(%dma_wait3A_920 : memref<8x128xf32, #tpu.memory_space<hbm>>) dst(%dma_wait3A_918 : memref<8x128xf32, #tpu.memory_space<vmem>>)
      %dma_wait3A_921 = arith.constant 10 : i32
      %dma_wait3A_922 = arith.constant 0 : i32
      %dma_wait3A_923 = arith.constant 0 : i32
      %dma_wait3A_924 = tpu.memref_slice %arg11[%dma_wait3A_921, %dma_wait3A_922, %dma_wait3A_923] : memref<16x8x128xf32, #tpu.memory_space<vmem>> -> memref<1x8x128xf32, #tpu.memory_space<vmem>>
      %dma_wait3A_925 = tpu.memref_squeeze %dma_wait3A_924 : memref<1x8x128xf32, #tpu.memory_space<vmem>> -> memref<8x128xf32, #tpu.memory_space<vmem>>
      %dma_wait3A_926 = arith.constant 0 : i32
      %dma_wait3A_927 = tpu.memref_slice %arg5[%dma_wait3A_926, %multiple_of3A_422] : memref<8x1000000xf32, #tpu.memory_space<hbm>> -> memref<8x128xf32, #tpu.memory_space<hbm>>
      %dma_wait3A_928 = arith.constant 0 : i32
      %dma_wait3A_929 = arith.constant 0 : i32
      %dma_wait3A_930 = tpu.memref_slice %arg11[%dma_wait3A_921, %dma_wait3A_928, %dma_wait3A_929] : memref<16x8x128xf32, #tpu.memory_space<vmem>> -> memref<1x8x128xf32, #tpu.memory_space<vmem>>
      %dma_wait3A_931 = tpu.memref_squeeze %dma_wait3A_930 : memref<1x8x128xf32, #tpu.memory_space<vmem>> -> memref<8x128xf32, #tpu.memory_space<vmem>>
      %dma_wait3A_932 = arith.constant 0 : i32
      %dma_wait3A_933 = tpu.memref_slice %arg5[%dma_wait3A_932, %multiple_of3A_422] : memref<8x1000000xf32, #tpu.memory_space<hbm>> -> memref<8x128xf32, #tpu.memory_space<hbm>>
      tpu.wait_dma2 semaphore(%arg13 : memref<!tpu.dma_semaphore, #tpu.memory_space<semaphore_mem>>) src(%dma_wait3A_933 : memref<8x128xf32, #tpu.memory_space<hbm>>) dst(%dma_wait3A_931 : memref<8x128xf32, #tpu.memory_space<vmem>>)
      %dma_wait3A_934 = arith.constant 11 : i32
      %dma_wait3A_935 = arith.constant 0 : i32
      %dma_wait3A_936 = arith.constant 0 : i32
      %dma_wait3A_937 = tpu.memref_slice %arg10[%dma_wait3A_934, %dma_wait3A_935, %dma_wait3A_936] : memref<16x8x128xf32, #tpu.memory_space<vmem>> -> memref<1x8x128xf32, #tpu.memory_space<vmem>>
      %dma_wait3A_938 = tpu.memref_squeeze %dma_wait3A_937 : memref<1x8x128xf32, #tpu.memory_space<vmem>> -> memref<8x128xf32, #tpu.memory_space<vmem>>
      %dma_wait3A_939 = arith.constant 0 : i32
      %dma_wait3A_940 = tpu.memref_slice %arg4[%dma_wait3A_939, %multiple_of3A_455] : memref<8x1000000xf32, #tpu.memory_space<hbm>> -> memref<8x128xf32, #tpu.memory_space<hbm>>
      %dma_wait3A_941 = arith.constant 0 : i32
      %dma_wait3A_942 = arith.constant 0 : i32
      %dma_wait3A_943 = tpu.memref_slice %arg10[%dma_wait3A_934, %dma_wait3A_941, %dma_wait3A_942] : memref<16x8x128xf32, #tpu.memory_space<vmem>> -> memref<1x8x128xf32, #tpu.memory_space<vmem>>
      %dma_wait3A_944 = tpu.memref_squeeze %dma_wait3A_943 : memref<1x8x128xf32, #tpu.memory_space<vmem>> -> memref<8x128xf32, #tpu.memory_space<vmem>>
      %dma_wait3A_945 = arith.constant 0 : i32
      %dma_wait3A_946 = tpu.memref_slice %arg4[%dma_wait3A_945, %multiple_of3A_455] : memref<8x1000000xf32, #tpu.memory_space<hbm>> -> memref<8x128xf32, #tpu.memory_space<hbm>>
      tpu.wait_dma2 semaphore(%arg12 : memref<!tpu.dma_semaphore, #tpu.memory_space<semaphore_mem>>) src(%dma_wait3A_946 : memref<8x128xf32, #tpu.memory_space<hbm>>) dst(%dma_wait3A_944 : memref<8x128xf32, #tpu.memory_space<vmem>>)
      %dma_wait3A_947 = arith.constant 11 : i32
      %dma_wait3A_948 = arith.constant 0 : i32
      %dma_wait3A_949 = arith.constant 0 : i32
      %dma_wait3A_950 = tpu.memref_slice %arg11[%dma_wait3A_947, %dma_wait3A_948, %dma_wait3A_949] : memref<16x8x128xf32, #tpu.memory_space<vmem>> -> memref<1x8x128xf32, #tpu.memory_space<vmem>>
      %dma_wait3A_951 = tpu.memref_squeeze %dma_wait3A_950 : memref<1x8x128xf32, #tpu.memory_space<vmem>> -> memref<8x128xf32, #tpu.memory_space<vmem>>
      %dma_wait3A_952 = arith.constant 0 : i32
      %dma_wait3A_953 = tpu.memref_slice %arg5[%dma_wait3A_952, %multiple_of3A_462] : memref<8x1000000xf32, #tpu.memory_space<hbm>> -> memref<8x128xf32, #tpu.memory_space<hbm>>
      %dma_wait3A_954 = arith.constant 0 : i32
      %dma_wait3A_955 = arith.constant 0 : i32
      %dma_wait3A_956 = tpu.memref_slice %arg11[%dma_wait3A_947, %dma_wait3A_954, %dma_wait3A_955] : memref<16x8x128xf32, #tpu.memory_space<vmem>> -> memref<1x8x128xf32, #tpu.memory_space<vmem>>
      %dma_wait3A_957 = tpu.memref_squeeze %dma_wait3A_956 : memref<1x8x128xf32, #tpu.memory_space<vmem>> -> memref<8x128xf32, #tpu.memory_space<vmem>>
      %dma_wait3A_958 = arith.constant 0 : i32
      %dma_wait3A_959 = tpu.memref_slice %arg5[%dma_wait3A_958, %multiple_of3A_462] : memref<8x1000000xf32, #tpu.memory_space<hbm>> -> memref<8x128xf32, #tpu.memory_space<hbm>>
      tpu.wait_dma2 semaphore(%arg13 : memref<!tpu.dma_semaphore, #tpu.memory_space<semaphore_mem>>) src(%dma_wait3A_959 : memref<8x128xf32, #tpu.memory_space<hbm>>) dst(%dma_wait3A_957 : memref<8x128xf32, #tpu.memory_space<vmem>>)
      %dma_wait3A_960 = arith.constant 12 : i32
      %dma_wait3A_961 = arith.constant 0 : i32
      %dma_wait3A_962 = arith.constant 0 : i32
      %dma_wait3A_963 = tpu.memref_slice %arg10[%dma_wait3A_960, %dma_wait3A_961, %dma_wait3A_962] : memref<16x8x128xf32, #tpu.memory_space<vmem>> -> memref<1x8x128xf32, #tpu.memory_space<vmem>>
      %dma_wait3A_964 = tpu.memref_squeeze %dma_wait3A_963 : memref<1x8x128xf32, #tpu.memory_space<vmem>> -> memref<8x128xf32, #tpu.memory_space<vmem>>
      %dma_wait3A_965 = arith.constant 0 : i32
      %dma_wait3A_966 = tpu.memref_slice %arg4[%dma_wait3A_965, %multiple_of3A_495] : memref<8x1000000xf32, #tpu.memory_space<hbm>> -> memref<8x128xf32, #tpu.memory_space<hbm>>
      %dma_wait3A_967 = arith.constant 0 : i32
      %dma_wait3A_968 = arith.constant 0 : i32
      %dma_wait3A_969 = tpu.memref_slice %arg10[%dma_wait3A_960, %dma_wait3A_967, %dma_wait3A_968] : memref<16x8x128xf32, #tpu.memory_space<vmem>> -> memref<1x8x128xf32, #tpu.memory_space<vmem>>
      %dma_wait3A_970 = tpu.memref_squeeze %dma_wait3A_969 : memref<1x8x128xf32, #tpu.memory_space<vmem>> -> memref<8x128xf32, #tpu.memory_space<vmem>>
      %dma_wait3A_971 = arith.constant 0 : i32
      %dma_wait3A_972 = tpu.memref_slice %arg4[%dma_wait3A_971, %multiple_of3A_495] : memref<8x1000000xf32, #tpu.memory_space<hbm>> -> memref<8x128xf32, #tpu.memory_space<hbm>>
      tpu.wait_dma2 semaphore(%arg12 : memref<!tpu.dma_semaphore, #tpu.memory_space<semaphore_mem>>) src(%dma_wait3A_972 : memref<8x128xf32, #tpu.memory_space<hbm>>) dst(%dma_wait3A_970 : memref<8x128xf32, #tpu.memory_space<vmem>>)
      %dma_wait3A_973 = arith.constant 12 : i32
      %dma_wait3A_974 = arith.constant 0 : i32
      %dma_wait3A_975 = arith.constant 0 : i32
      %dma_wait3A_976 = tpu.memref_slice %arg11[%dma_wait3A_973, %dma_wait3A_974, %dma_wait3A_975] : memref<16x8x128xf32, #tpu.memory_space<vmem>> -> memref<1x8x128xf32, #tpu.memory_space<vmem>>
      %dma_wait3A_977 = tpu.memref_squeeze %dma_wait3A_976 : memref<1x8x128xf32, #tpu.memory_space<vmem>> -> memref<8x128xf32, #tpu.memory_space<vmem>>
      %dma_wait3A_978 = arith.constant 0 : i32
      %dma_wait3A_979 = tpu.memref_slice %arg5[%dma_wait3A_978, %multiple_of3A_502] : memref<8x1000000xf32, #tpu.memory_space<hbm>> -> memref<8x128xf32, #tpu.memory_space<hbm>>
      %dma_wait3A_980 = arith.constant 0 : i32
      %dma_wait3A_981 = arith.constant 0 : i32
      %dma_wait3A_982 = tpu.memref_slice %arg11[%dma_wait3A_973, %dma_wait3A_980, %dma_wait3A_981] : memref<16x8x128xf32, #tpu.memory_space<vmem>> -> memref<1x8x128xf32, #tpu.memory_space<vmem>>
      %dma_wait3A_983 = tpu.memref_squeeze %dma_wait3A_982 : memref<1x8x128xf32, #tpu.memory_space<vmem>> -> memref<8x128xf32, #tpu.memory_space<vmem>>
      %dma_wait3A_984 = arith.constant 0 : i32
      %dma_wait3A_985 = tpu.memref_slice %arg5[%dma_wait3A_984, %multiple_of3A_502] : memref<8x1000000xf32, #tpu.memory_space<hbm>> -> memref<8x128xf32, #tpu.memory_space<hbm>>
      tpu.wait_dma2 semaphore(%arg13 : memref<!tpu.dma_semaphore, #tpu.memory_space<semaphore_mem>>) src(%dma_wait3A_985 : memref<8x128xf32, #tpu.memory_space<hbm>>) dst(%dma_wait3A_983 : memref<8x128xf32, #tpu.memory_space<vmem>>)
      %dma_wait3A_986 = arith.constant 13 : i32
      %dma_wait3A_987 = arith.constant 0 : i32
      %dma_wait3A_988 = arith.constant 0 : i32
      %dma_wait3A_989 = tpu.memref_slice %arg10[%dma_wait3A_986, %dma_wait3A_987, %dma_wait3A_988] : memref<16x8x128xf32, #tpu.memory_space<vmem>> -> memref<1x8x128xf32, #tpu.memory_space<vmem>>
      %dma_wait3A_990 = tpu.memref_squeeze %dma_wait3A_989 : memref<1x8x128xf32, #tpu.memory_space<vmem>> -> memref<8x128xf32, #tpu.memory_space<vmem>>
      %dma_wait3A_991 = arith.constant 0 : i32
      %dma_wait3A_992 = tpu.memref_slice %arg4[%dma_wait3A_991, %multiple_of3A_535] : memref<8x1000000xf32, #tpu.memory_space<hbm>> -> memref<8x128xf32, #tpu.memory_space<hbm>>
      %dma_wait3A_993 = arith.constant 0 : i32
      %dma_wait3A_994 = arith.constant 0 : i32
      %dma_wait3A_995 = tpu.memref_slice %arg10[%dma_wait3A_986, %dma_wait3A_993, %dma_wait3A_994] : memref<16x8x128xf32, #tpu.memory_space<vmem>> -> memref<1x8x128xf32, #tpu.memory_space<vmem>>
      %dma_wait3A_996 = tpu.memref_squeeze %dma_wait3A_995 : memref<1x8x128xf32, #tpu.memory_space<vmem>> -> memref<8x128xf32, #tpu.memory_space<vmem>>
      %dma_wait3A_997 = arith.constant 0 : i32
      %dma_wait3A_998 = tpu.memref_slice %arg4[%dma_wait3A_997, %multiple_of3A_535] : memref<8x1000000xf32, #tpu.memory_space<hbm>> -> memref<8x128xf32, #tpu.memory_space<hbm>>
      tpu.wait_dma2 semaphore(%arg12 : memref<!tpu.dma_semaphore, #tpu.memory_space<semaphore_mem>>) src(%dma_wait3A_998 : memref<8x128xf32, #tpu.memory_space<hbm>>) dst(%dma_wait3A_996 : memref<8x128xf32, #tpu.memory_space<vmem>>)
      %dma_wait3A_999 = arith.constant 13 : i32
      %dma_wait3A_1000 = arith.constant 0 : i32
      %dma_wait3A_1001 = arith.constant 0 : i32
      %dma_wait3A_1002 = tpu.memref_slice %arg11[%dma_wait3A_999, %dma_wait3A_1000, %dma_wait3A_1001] : memref<16x8x128xf32, #tpu.memory_space<vmem>> -> memref<1x8x128xf32, #tpu.memory_space<vmem>>
      %dma_wait3A_1003 = tpu.memref_squeeze %dma_wait3A_1002 : memref<1x8x128xf32, #tpu.memory_space<vmem>> -> memref<8x128xf32, #tpu.memory_space<vmem>>
      %dma_wait3A_1004 = arith.constant 0 : i32
      %dma_wait3A_1005 = tpu.memref_slice %arg5[%dma_wait3A_1004, %multiple_of3A_542] : memref<8x1000000xf32, #tpu.memory_space<hbm>> -> memref<8x128xf32, #tpu.memory_space<hbm>>
      %dma_wait3A_1006 = arith.constant 0 : i32
      %dma_wait3A_1007 = arith.constant 0 : i32
      %dma_wait3A_1008 = tpu.memref_slice %arg11[%dma_wait3A_999, %dma_wait3A_1006, %dma_wait3A_1007] : memref<16x8x128xf32, #tpu.memory_space<vmem>> -> memref<1x8x128xf32, #tpu.memory_space<vmem>>
      %dma_wait3A_1009 = tpu.memref_squeeze %dma_wait3A_1008 : memref<1x8x128xf32, #tpu.memory_space<vmem>> -> memref<8x128xf32, #tpu.memory_space<vmem>>
      %dma_wait3A_1010 = arith.constant 0 : i32
      %dma_wait3A_1011 = tpu.memref_slice %arg5[%dma_wait3A_1010, %multiple_of3A_542] : memref<8x1000000xf32, #tpu.memory_space<hbm>> -> memref<8x128xf32, #tpu.memory_space<hbm>>
      tpu.wait_dma2 semaphore(%arg13 : memref<!tpu.dma_semaphore, #tpu.memory_space<semaphore_mem>>) src(%dma_wait3A_1011 : memref<8x128xf32, #tpu.memory_space<hbm>>) dst(%dma_wait3A_1009 : memref<8x128xf32, #tpu.memory_space<vmem>>)
      %dma_wait3A_1012 = arith.constant 14 : i32
      %dma_wait3A_1013 = arith.constant 0 : i32
      %dma_wait3A_1014 = arith.constant 0 : i32
      %dma_wait3A_1015 = tpu.memref_slice %arg10[%dma_wait3A_1012, %dma_wait3A_1013, %dma_wait3A_1014] : memref<16x8x128xf32, #tpu.memory_space<vmem>> -> memref<1x8x128xf32, #tpu.memory_space<vmem>>
      %dma_wait3A_1016 = tpu.memref_squeeze %dma_wait3A_1015 : memref<1x8x128xf32, #tpu.memory_space<vmem>> -> memref<8x128xf32, #tpu.memory_space<vmem>>
      %dma_wait3A_1017 = arith.constant 0 : i32
      %dma_wait3A_1018 = tpu.memref_slice %arg4[%dma_wait3A_1017, %multiple_of3A_575] : memref<8x1000000xf32, #tpu.memory_space<hbm>> -> memref<8x128xf32, #tpu.memory_space<hbm>>
      %dma_wait3A_1019 = arith.constant 0 : i32
      %dma_wait3A_1020 = arith.constant 0 : i32
      %dma_wait3A_1021 = tpu.memref_slice %arg10[%dma_wait3A_1012, %dma_wait3A_1019, %dma_wait3A_1020] : memref<16x8x128xf32, #tpu.memory_space<vmem>> -> memref<1x8x128xf32, #tpu.memory_space<vmem>>
      %dma_wait3A_1022 = tpu.memref_squeeze %dma_wait3A_1021 : memref<1x8x128xf32, #tpu.memory_space<vmem>> -> memref<8x128xf32, #tpu.memory_space<vmem>>
      %dma_wait3A_1023 = arith.constant 0 : i32
      %dma_wait3A_1024 = tpu.memref_slice %arg4[%dma_wait3A_1023, %multiple_of3A_575] : memref<8x1000000xf32, #tpu.memory_space<hbm>> -> memref<8x128xf32, #tpu.memory_space<hbm>>
      tpu.wait_dma2 semaphore(%arg12 : memref<!tpu.dma_semaphore, #tpu.memory_space<semaphore_mem>>) src(%dma_wait3A_1024 : memref<8x128xf32, #tpu.memory_space<hbm>>) dst(%dma_wait3A_1022 : memref<8x128xf32, #tpu.memory_space<vmem>>)
      %dma_wait3A_1025 = arith.constant 14 : i32
      %dma_wait3A_1026 = arith.constant 0 : i32
      %dma_wait3A_1027 = arith.constant 0 : i32
      %dma_wait3A_1028 = tpu.memref_slice %arg11[%dma_wait3A_1025, %dma_wait3A_1026, %dma_wait3A_1027] : memref<16x8x128xf32, #tpu.memory_space<vmem>> -> memref<1x8x128xf32, #tpu.memory_space<vmem>>
      %dma_wait3A_1029 = tpu.memref_squeeze %dma_wait3A_1028 : memref<1x8x128xf32, #tpu.memory_space<vmem>> -> memref<8x128xf32, #tpu.memory_space<vmem>>
      %dma_wait3A_1030 = arith.constant 0 : i32
      %dma_wait3A_1031 = tpu.memref_slice %arg5[%dma_wait3A_1030, %multiple_of3A_582] : memref<8x1000000xf32, #tpu.memory_space<hbm>> -> memref<8x128xf32, #tpu.memory_space<hbm>>
      %dma_wait3A_1032 = arith.constant 0 : i32
      %dma_wait3A_1033 = arith.constant 0 : i32
      %dma_wait3A_1034 = tpu.memref_slice %arg11[%dma_wait3A_1025, %dma_wait3A_1032, %dma_wait3A_1033] : memref<16x8x128xf32, #tpu.memory_space<vmem>> -> memref<1x8x128xf32, #tpu.memory_space<vmem>>
      %dma_wait3A_1035 = tpu.memref_squeeze %dma_wait3A_1034 : memref<1x8x128xf32, #tpu.memory_space<vmem>> -> memref<8x128xf32, #tpu.memory_space<vmem>>
      %dma_wait3A_1036 = arith.constant 0 : i32
      %dma_wait3A_1037 = tpu.memref_slice %arg5[%dma_wait3A_1036, %multiple_of3A_582] : memref<8x1000000xf32, #tpu.memory_space<hbm>> -> memref<8x128xf32, #tpu.memory_space<hbm>>
      tpu.wait_dma2 semaphore(%arg13 : memref<!tpu.dma_semaphore, #tpu.memory_space<semaphore_mem>>) src(%dma_wait3A_1037 : memref<8x128xf32, #tpu.memory_space<hbm>>) dst(%dma_wait3A_1035 : memref<8x128xf32, #tpu.memory_space<vmem>>)
      %dma_wait3A_1038 = arith.constant 15 : i32
      %dma_wait3A_1039 = arith.constant 0 : i32
      %dma_wait3A_1040 = arith.constant 0 : i32
      %dma_wait3A_1041 = tpu.memref_slice %arg10[%dma_wait3A_1038, %dma_wait3A_1039, %dma_wait3A_1040] : memref<16x8x128xf32, #tpu.memory_space<vmem>> -> memref<1x8x128xf32, #tpu.memory_space<vmem>>
      %dma_wait3A_1042 = tpu.memref_squeeze %dma_wait3A_1041 : memref<1x8x128xf32, #tpu.memory_space<vmem>> -> memref<8x128xf32, #tpu.memory_space<vmem>>
      %dma_wait3A_1043 = arith.constant 0 : i32
      %dma_wait3A_1044 = tpu.memref_slice %arg4[%dma_wait3A_1043, %multiple_of3A_615] : memref<8x1000000xf32, #tpu.memory_space<hbm>> -> memref<8x128xf32, #tpu.memory_space<hbm>>
      %dma_wait3A_1045 = arith.constant 0 : i32
      %dma_wait3A_1046 = arith.constant 0 : i32
      %dma_wait3A_1047 = tpu.memref_slice %arg10[%dma_wait3A_1038, %dma_wait3A_1045, %dma_wait3A_1046] : memref<16x8x128xf32, #tpu.memory_space<vmem>> -> memref<1x8x128xf32, #tpu.memory_space<vmem>>
      %dma_wait3A_1048 = tpu.memref_squeeze %dma_wait3A_1047 : memref<1x8x128xf32, #tpu.memory_space<vmem>> -> memref<8x128xf32, #tpu.memory_space<vmem>>
      %dma_wait3A_1049 = arith.constant 0 : i32
      %dma_wait3A_1050 = tpu.memref_slice %arg4[%dma_wait3A_1049, %multiple_of3A_615] : memref<8x1000000xf32, #tpu.memory_space<hbm>> -> memref<8x128xf32, #tpu.memory_space<hbm>>
      tpu.wait_dma2 semaphore(%arg12 : memref<!tpu.dma_semaphore, #tpu.memory_space<semaphore_mem>>) src(%dma_wait3A_1050 : memref<8x128xf32, #tpu.memory_space<hbm>>) dst(%dma_wait3A_1048 : memref<8x128xf32, #tpu.memory_space<vmem>>)
      %dma_wait3A_1051 = arith.constant 15 : i32
      %dma_wait3A_1052 = arith.constant 0 : i32
      %dma_wait3A_1053 = arith.constant 0 : i32
      %dma_wait3A_1054 = tpu.memref_slice %arg11[%dma_wait3A_1051, %dma_wait3A_1052, %dma_wait3A_1053] : memref<16x8x128xf32, #tpu.memory_space<vmem>> -> memref<1x8x128xf32, #tpu.memory_space<vmem>>
      %dma_wait3A_1055 = tpu.memref_squeeze %dma_wait3A_1054 : memref<1x8x128xf32, #tpu.memory_space<vmem>> -> memref<8x128xf32, #tpu.memory_space<vmem>>
      %dma_wait3A_1056 = arith.constant 0 : i32
      %dma_wait3A_1057 = tpu.memref_slice %arg5[%dma_wait3A_1056, %multiple_of3A_622] : memref<8x1000000xf32, #tpu.memory_space<hbm>> -> memref<8x128xf32, #tpu.memory_space<hbm>>
      %dma_wait3A_1058 = arith.constant 0 : i32
      %dma_wait3A_1059 = arith.constant 0 : i32
      %dma_wait3A_1060 = tpu.memref_slice %arg11[%dma_wait3A_1051, %dma_wait3A_1058, %dma_wait3A_1059] : memref<16x8x128xf32, #tpu.memory_space<vmem>> -> memref<1x8x128xf32, #tpu.memory_space<vmem>>
      %dma_wait3A_1061 = tpu.memref_squeeze %dma_wait3A_1060 : memref<1x8x128xf32, #tpu.memory_space<vmem>> -> memref<8x128xf32, #tpu.memory_space<vmem>>
      %dma_wait3A_1062 = arith.constant 0 : i32
      %dma_wait3A_1063 = tpu.memref_slice %arg5[%dma_wait3A_1062, %multiple_of3A_622] : memref<8x1000000xf32, #tpu.memory_space<hbm>> -> memref<8x128xf32, #tpu.memory_space<hbm>>
      tpu.wait_dma2 semaphore(%arg13 : memref<!tpu.dma_semaphore, #tpu.memory_space<semaphore_mem>>) src(%dma_wait3A_1063 : memref<8x128xf32, #tpu.memory_space<hbm>>) dst(%dma_wait3A_1061 : memref<8x128xf32, #tpu.memory_space<vmem>>)
      %and3A = arith.constant 127 : i32
      %and3A_1064 = vector.broadcast %and3A : i32 to vector<16xi32>
      %and3A_1065 = arith.andi %get3A_11, %and3A_1064 : vector<16xi32>
      %and3A_1066 = arith.constant 127 : i32
      %and3A_1067 = vector.broadcast %and3A_1066 : i32 to vector<16xi32>
      %and3A_1068 = arith.andi %get3A_13, %and3A_1067 : vector<16xi32>
      %broadcast_in_dim3A = arith.constant 0 : i32
      %broadcast_in_dim3A_1069 = vector.broadcast %broadcast_in_dim3A : i32 to vector<16xi32>
      %gather3A = tpu.vector_load_idx %arg10[%iota3A, %broadcast_in_dim3A_1069, %and3A_1065] : memref<16x8x128xf32, #tpu.memory_space<vmem>>[vector<16xi32>, vector<16xi32>, vector<16xi32>], vector<16xf32>,
      %gather3A_1070 = tpu.vector_load_idx %arg11[%iota3A, %broadcast_in_dim3A_1069, %and3A_1068] : memref<16x8x128xf32, #tpu.memory_space<vmem>>[vector<16xi32>, vector<16xi32>, vector<16xi32>], vector<16xf32>,
      %mul3A_1071 = arith.mulf %gather3A, %gather3A_1070 : vector<16xf32>
      %broadcast_in_dim3A_1072 = arith.constant 1 : i32
      %broadcast_in_dim3A_1073 = vector.broadcast %broadcast_in_dim3A_1072 : i32 to vector<16xi32>
      %gather3A_1074 = tpu.vector_load_idx %arg10[%iota3A, %broadcast_in_dim3A_1073, %and3A_1065] : memref<16x8x128xf32, #tpu.memory_space<vmem>>[vector<16xi32>, vector<16xi32>, vector<16xi32>], vector<16xf32>,
      %gather3A_1075 = tpu.vector_load_idx %arg11[%iota3A, %broadcast_in_dim3A_1073, %and3A_1068] : memref<16x8x128xf32, #tpu.memory_space<vmem>>[vector<16xi32>, vector<16xi32>, vector<16xi32>], vector<16xf32>,
      %mul3A_1076 = arith.mulf %gather3A_1074, %gather3A_1075 : vector<16xf32>
      %add3A_1077 = arith.addf %mul3A_1071, %mul3A_1076 : vector<16xf32>
      %broadcast_in_dim3A_1078 = arith.constant 2 : i32
      %broadcast_in_dim3A_1079 = vector.broadcast %broadcast_in_dim3A_1078 : i32 to vector<16xi32>
      %gather3A_1080 = tpu.vector_load_idx %arg10[%iota3A, %broadcast_in_dim3A_1079, %and3A_1065] : memref<16x8x128xf32, #tpu.memory_space<vmem>>[vector<16xi32>, vector<16xi32>, vector<16xi32>], vector<16xf32>,
      %gather3A_1081 = tpu.vector_load_idx %arg11[%iota3A, %broadcast_in_dim3A_1079, %and3A_1068] : memref<16x8x128xf32, #tpu.memory_space<vmem>>[vector<16xi32>, vector<16xi32>, vector<16xi32>], vector<16xf32>,
      %mul3A_1082 = arith.mulf %gather3A_1080, %gather3A_1081 : vector<16xf32>
      %add3A_1083 = arith.addf %add3A_1077, %mul3A_1082 : vector<16xf32>
      %broadcast_in_dim3A_1084 = arith.constant 3 : i32
      %broadcast_in_dim3A_1085 = vector.broadcast %broadcast_in_dim3A_1084 : i32 to vector<16xi32>
      %gather3A_1086 = tpu.vector_load_idx %arg10[%iota3A, %broadcast_in_dim3A_1085, %and3A_1065] : memref<16x8x128xf32, #tpu.memory_space<vmem>>[vector<16xi32>, vector<16xi32>, vector<16xi32>], vector<16xf32>,
      %gather3A_1087 = tpu.vector_load_idx %arg11[%iota3A, %broadcast_in_dim3A_1085, %and3A_1068] : memref<16x8x128xf32, #tpu.memory_space<vmem>>[vector<16xi32>, vector<16xi32>, vector<16xi32>], vector<16xf32>,
      %mul3A_1088 = arith.mulf %gather3A_1086, %gather3A_1087 : vector<16xf32>
      %add3A_1089 = arith.addf %add3A_1083, %mul3A_1088 : vector<16xf32>
      %broadcast_in_dim3A_1090 = arith.constant 4 : i32
      %broadcast_in_dim3A_1091 = vector.broadcast %broadcast_in_dim3A_1090 : i32 to vector<16xi32>
      %gather3A_1092 = tpu.vector_load_idx %arg10[%iota3A, %broadcast_in_dim3A_1091, %and3A_1065] : memref<16x8x128xf32, #tpu.memory_space<vmem>>[vector<16xi32>, vector<16xi32>, vector<16xi32>], vector<16xf32>,
      %gather3A_1093 = tpu.vector_load_idx %arg11[%iota3A, %broadcast_in_dim3A_1091, %and3A_1068] : memref<16x8x128xf32, #tpu.memory_space<vmem>>[vector<16xi32>, vector<16xi32>, vector<16xi32>], vector<16xf32>,
      %mul3A_1094 = arith.mulf %gather3A_1092, %gather3A_1093 : vector<16xf32>
      %add3A_1095 = arith.addf %add3A_1089, %mul3A_1094 : vector<16xf32>
      %broadcast_in_dim3A_1096 = arith.constant 5 : i32
      %broadcast_in_dim3A_1097 = vector.broadcast %broadcast_in_dim3A_1096 : i32 to vector<16xi32>
      %gather3A_1098 = tpu.vector_load_idx %arg10[%iota3A, %broadcast_in_dim3A_1097, %and3A_1065] : memref<16x8x128xf32, #tpu.memory_space<vmem>>[vector<16xi32>, vector<16xi32>, vector<16xi32>], vector<16xf32>,
      %gather3A_1099 = tpu.vector_load_idx %arg11[%iota3A, %broadcast_in_dim3A_1097, %and3A_1068] : memref<16x8x128xf32, #tpu.memory_space<vmem>>[vector<16xi32>, vector<16xi32>, vector<16xi32>], vector<16xf32>,
      %mul3A_1100 = arith.mulf %gather3A_1098, %gather3A_1099 : vector<16xf32>
      %add3A_1101 = arith.addf %add3A_1095, %mul3A_1100 : vector<16xf32>
      %broadcast_in_dim3A_1102 = arith.constant 6 : i32
      %broadcast_in_dim3A_1103 = vector.broadcast %broadcast_in_dim3A_1102 : i32 to vector<16xi32>
      %gather3A_1104 = tpu.vector_load_idx %arg10[%iota3A, %broadcast_in_dim3A_1103, %and3A_1065] : memref<16x8x128xf32, #tpu.memory_space<vmem>>[vector<16xi32>, vector<16xi32>, vector<16xi32>], vector<16xf32>,
      %gather3A_1105 = tpu.vector_load_idx %arg11[%iota3A, %broadcast_in_dim3A_1103, %and3A_1068] : memref<16x8x128xf32, #tpu.memory_space<vmem>>[vector<16xi32>, vector<16xi32>, vector<16xi32>], vector<16xf32>,
      %mul3A_1106 = arith.mulf %gather3A_1104, %gather3A_1105 : vector<16xf32>
      %add3A_1107 = arith.addf %add3A_1101, %mul3A_1106 : vector<16xf32>
      %broadcast_in_dim3A_1108 = arith.constant 7 : i32
      %broadcast_in_dim3A_1109 = vector.broadcast %broadcast_in_dim3A_1108 : i32 to vector<16xi32>
      %gather3A_1110 = tpu.vector_load_idx %arg10[%iota3A, %broadcast_in_dim3A_1109, %and3A_1065] : memref<16x8x128xf32, #tpu.memory_space<vmem>>[vector<16xi32>, vector<16xi32>, vector<16xi32>], vector<16xf32>,
      %gather3A_1111 = tpu.vector_load_idx %arg11[%iota3A, %broadcast_in_dim3A_1109, %and3A_1068] : memref<16x8x128xf32, #tpu.memory_space<vmem>>[vector<16xi32>, vector<16xi32>, vector<16xi32>], vector<16xf32>,
      %mul3A_1112 = arith.mulf %gather3A_1110, %gather3A_1111 : vector<16xf32>
      %add3A_1113 = arith.addf %add3A_1107, %mul3A_1112 : vector<16xf32>
      %swap3A = arith.index_cast %mul3A_10 : i32 to index
      %swap3A_1114 = tpu.vector_load %arg9[%swap3A] {strides = array<i32>} : memref<512xf32, #tpu.memory_space<vmem>>, vector<16xf32>,
      tpu.vector_store %arg9[%swap3A], %add3A_1113 {strides = array<i32>} : memref<512xf32, #tpu.memory_space<vmem>>, vector<16xf32>,
    }
    %scan3A_7 = arith.constant 32 : i32
    "tpu.region"() ({
      %run_scoped3A = tpu.sem_alloc : memref<!tpu.dma_semaphore, #tpu.memory_space<semaphore_mem>>
      %dma_start3A = tpu.memref_slice %arg6[%mul3A_2] : memref<16384xf32, #tpu.memory_space<hbm>> -> memref<512xf32, #tpu.memory_space<hbm>>
      %dma_start3A_8 = tpu.memref_slice %arg6[%mul3A_2] : memref<16384xf32, #tpu.memory_space<hbm>> -> memref<512xf32, #tpu.memory_space<hbm>>
      tpu.enqueue_dma source(%arg9 : memref<512xf32, #tpu.memory_space<vmem>>) target(%dma_start3A_8 : memref<512xf32, #tpu.memory_space<hbm>>) target_semaphore(%run_scoped3A : memref<!tpu.dma_semaphore, #tpu.memory_space<semaphore_mem>>)
      %dma_wait3A = tpu.memref_slice %arg6[%mul3A_2] : memref<16384xf32, #tpu.memory_space<hbm>> -> memref<512xf32, #tpu.memory_space<hbm>>
      %dma_wait3A_9 = tpu.memref_slice %arg6[%mul3A_2] : memref<16384xf32, #tpu.memory_space<hbm>> -> memref<512xf32, #tpu.memory_space<hbm>>
      tpu.wait_dma2 semaphore(%run_scoped3A : memref<!tpu.dma_semaphore, #tpu.memory_space<semaphore_mem>>) src(%arg9 : memref<512xf32, #tpu.memory_space<vmem>>) dst(%dma_wait3A_9 : memref<512xf32, #tpu.memory_space<hbm>>)
      tpu.yield
    }) : () -> ()
    return
  }
}

</mosaic_0001>

<sc_bundles>
// kernel: kernel.3.cloned.1.call-start
scs
__scs_entry_jumppad:
0x0: {  	(pc) =	sbr.rel $0x88, $3  }
0x1: {  	(tag) =	ssettag $0x0;
	lr =	simm.s32 $0x1  }
0x2: {  	[smem:$0x3F9D] =	sst lr;
	_ =	strace $0xD0000000  }
0x3: {  	_ = 	snop  }
0x4: {  	_ = 	snop  }
0x5: {  	_ = 	snop  }
0x6: {  	_ = 	snop  }
0x7: {  	_ = 	snop  }
__scs_overlays_trampoline_lowered:
0x8: {  	[smem:$0x3FAC] =	sst s0  }
0x9: {  	[smem:$0x3FAD] =	sst s1  }
0xa: {  	[smem:$0x3FAE] =	sst s2  }
0xb: {  	[smem:$0x3FAF] =	sst s3  }
0xc: {  	[smem:$0x3FB0] =	sst s4  }
0xd: {  	[smem:$0x3FB1] =	sst s5  }
0xe: {  	[smem:$0x3FB2] =	sst s6  }
0xf: {  	[smem:$0x3FB3] =	sst s7  }
0x10: {  	[smem:$0x3FB4] =	sst s8  }
0x11: {  	[smem:$0x3FB5] =	sst s9;
	s0 =	simm.s32 @!p0 $0x0  }
0x12: {  	s1 =	sld [smem:$0x3F9B];
	s0 =	simm.s32 @p0 $0x1  }
0x13: {  	[smem:$0x3FB6] =	sst s0;
	s0 =	simm.s32 @!p1 $0x0  }
0x14: {  	s2 =	sld [smem:$0x3F9A];
	s0 =	simm.s32 @p1 $0x1  }
0x15: {  	[smem:$0x3FB7] =	sst s0;
	s0 =	simm.s32 @!p2 $0x0  }
0x16: {  	s3 =	sld [smem:$0x3FDB];
	s0 =	simm.s32 @p2 $0x1  }
0x17: {  	s4 =	simm.s32 $0x1BF5;
	[smem:$0x3FB9] =	sst s0  }
0x18: {  	s0 =	sld [smem:$0x3F9C];
	_ =	swait.ge [sflag:s4], $0x0  }
0x19: {  	s7 =	sld [smem:$0x3F9D]  }
0x1a: {  	s8 =	sadd.s32 $0xFFFFE003, lr  }
0x1b: {  	s9 =	sadd.s32 $0xFFFFFEF7, lr;
	s5 =	simm.s32 $0xFFFFFFFF;
	p2 =	slt.u32 s8, $0xFFFFF086  }
0x1c: {  	p1 =	slt.u32 s9, $0xF7A;
	s5 =	simm.s32 @!p2 $0x0  }
0x1d: {  	s5 =	simm.s32 @p1 $0x1;
	p0 =	seq.s32 s7, s2  }
0x1e: {  	s7 =	smul.u32 @!p0 $0xF7A, s2;
	p2 =	seq.s32 @!p0 s5, $0x0  }
0x1f: {  	s9 =	smul.u32 $0xF7A, s1;
	s8 =	simm.s32 @!p0 $0x1BF5;
	p2 =	por !p2, p0  }
0x20: {  	[sflag:s8] =	ssyncset.s32 @!p0 $0xFFFFF086;
	s6 =	sadd.s32 @!p0 s3, s7;
	s7 =	simm.s32 @!p0 $0x108  }
0x21: {  	s3 =	sadd.s32 s3, s9;
	s6 =	sadd.s32 @!p0 $0x88, s6;
	s7 =	simm.s32 @p2 $0x1082  }
0x22: {  	[simem:s7], [sflag:s8] =	dma.local @!p0 [hbm:s6], $0xF7A  }
0x23: {  	s9 =	sor.u32 $0xD0000000, s2;
	s6 =	simm.s32 $0x108;
	_ =	swait.ge @!p0 [sflag:s8], $0x0  }
0x24: {  	s3 =	sadd.s32 $0x88, s3;
	s6 =	simm.s32 @!p1 $0x1082;
	[sflag:s4] =	ssyncset.s32 $0xFFFFF086  }
0x25: {  	[simem:s6], [sflag:s4] =	dma.local [hbm:s3], $0xF7A  }
0x26: {  	[smem:$0x3F9D] =	sst s1;
	(tag) =	ssettag s2;
	_ =	strace s9  }
0x27: {  	s1 =	sld [smem:$0x3FAD]  }
0x28: {  	s2 =	sld [smem:$0x3FAE]  }
0x29: {  	s4 =	sld [smem:$0x3FB0]  }
0x2a: {  	p0 =	seq.s32 s5, $0x0;
	s5 =	sld [smem:$0x3FB1]  }
0x2b: {  	s6 =	sld [smem:$0x3FB2]  }
0x2c: {  	s7 =	sld [smem:$0x3FB3]  }
0x2d: {  	s3 =	simm.s32 $0x108;
	s8 =	sld [smem:$0x3FB4]  }
0x2e: {  	s3 =	simm.s32 @!p0 $0x1082;
	s9 =	sld [smem:$0x3FB5]  }
0x2f: {  	lr =	sadd.s32 s0, s3;
	s0 =	sld [smem:$0x3FAC]  }
0x30: {  	s3 =	sld [smem:$0x3FAF]  }
0x31: {  	[smem:$0x3FB8] =	sst s10  }
0x32: {  	s10 =	sld [smem:$0x3FB6];
	_ =	sdelay $0x3  }
0x33: {  	p0 =	seq.s32 s10, $0x1;
	s10 =	sld [smem:$0x3FB8];
	_ =	sdelay $0x3  }
0x34: {  	[smem:$0x3FB8] =	sst s10  }
0x35: {  	s10 =	sld [smem:$0x3FB7];
	_ =	sdelay $0x3  }
0x36: {  	p1 =	seq.s32 s10, $0x1;
	s10 =	sld [smem:$0x3FB8];
	_ =	sdelay $0x3  }
0x37: {  	[smem:$0x3FB8] =	sst s10  }
0x38: {  	s10 =	sld [smem:$0x3FB9]  }
0x39: {  	_ = 	snop;
	(pc) =	sbr.ind lr, $3  }
0x3a: {  	_ = 	snop  }
0x3b: {  	_ = 	snop  }
0x3c: {  	p2 =	seq.s32 s10, $0x1;
	s10 =	sld [smem:$0x3FB8]  }
0x3d: {  	_ =	shalt  }
0x3e: {  	_ =	shalt  }
0x3f: {  	_ =	shalt  }
0x40: {  	_ =	shalt  }
0x41: {  	_ =	shalt  }
0x42: {  	_ =	shalt  }
0x43: {  	_ =	shalt  }
0x44: {  	_ =	shalt  }
0x45: {  	_ =	shalt  }
0x46: {  	_ =	shalt  }
0x47: {  	_ =	shalt  }
0x48: {  	_ =	shalt  }
0x49: {  	_ =	shalt  }
0x4a: {  	_ =	shalt  }
0x4b: {  	_ =	shalt  }
0x4c: {  	_ =	shalt  }
0x4d: {  	_ =	shalt  }
0x4e: {  	_ =	shalt  }
0x4f: {  	_ =	shalt  }
0x50: {  	_ =	shalt  }
0x51: {  	_ =	shalt  }
0x52: {  	_ =	shalt  }
0x53: {  	_ =	shalt  }
0x54: {  	_ =	shalt  }
0x55: {  	_ =	shalt  }
0x56: {  	_ =	shalt  }
0x57: {  	_ =	shalt  }
0x58: {  	_ =	shalt  }
0x59: {  	_ =	shalt  }
0x5a: {  	_ =	shalt  }
0x5b: {  	_ =	shalt  }
0x5c: {  	_ =	shalt  }
0x5d: {  	_ =	shalt  }
0x5e: {  	_ =	shalt  }
0x5f: {  	_ =	shalt  }
0x60: {  	_ =	shalt  }
0x61: {  	_ =	shalt  }
0x62: {  	_ =	shalt  }
0x63: {  	_ =	shalt  }
0x64: {  	_ =	shalt  }
0x65: {  	_ =	shalt  }
0x66: {  	_ =	shalt  }
0x67: {  	_ =	shalt  }
0x68: {  	_ =	shalt  }
0x69: {  	_ =	shalt  }
0x6a: {  	_ =	shalt  }
0x6b: {  	_ =	shalt  }
0x6c: {  	_ =	shalt  }
0x6d: {  	_ =	shalt  }
0x6e: {  	_ =	shalt  }
0x6f: {  	_ =	shalt  }
0x70: {  	_ =	shalt  }
0x71: {  	_ =	shalt  }
0x72: {  	_ =	shalt  }
0x73: {  	_ =	shalt  }
0x74: {  	_ =	shalt  }
0x75: {  	_ =	shalt  }
0x76: {  	_ =	shalt  }
0x77: {  	_ =	shalt  }
0x78: {  	_ =	shalt  }
0x79: {  	_ =	shalt  }
0x7a: {  	_ =	shalt  }
0x7b: {  	_ =	shalt  }
0x7c: {  	_ =	shalt  }
0x7d: {  	_ =	shalt  }
0x7e: {  	_ =	shalt  }
0x7f: {  	_ =	shalt  }
0x80: {  	_ =	shalt  }
0x81: {  	_ =	shalt  }
0x82: {  	_ =	shalt  }
0x83: {  	_ =	shalt  }
0x84: {  	_ =	shalt  }
0x85: {  	_ =	shalt  }
0x86: {  	_ =	shalt  }
0x87: {  	_ =	shalt  }
.Lfunc_end0:
.L_simem_size_0:
called_computation_lowered:
.L_overlay_start_0:
0x88: {  	s2 =	sld [smem:$0x3FD9]  }
0x89: {  	s3 =	sld [smem:$0x3FFE];
	_ =	sdelay $0x1  }
0x8a: {  	s1 =	srdreg.scid  }
0x8b: {  	s0 =	sand.u32 $0x1, s1  }
0x8c: {  	s18 =	sshll.u32 s0, $0xA;
	s2 =	sadd.s32 s3, s2  }
0x8d: {  	s2 =	sadd.s32 s2, s18  }
0x8e: {  	[smem:$0x3FC4] =	sst s2  }
0x8f: {  	_ = 	snop  }
0x90: {  	s2 =	sld [smem:$0x3FC9]  }
0x91: {  	s19 =	sld [smem:$0x3FC8]  }
0x92: {  	s4 =	sld [smem:$0x3FC7]  }
0x93: {  	s5 =	sld [smem:$0x3FC6]  }
0x94: {  	s6 =	sld [smem:$0x3FD0];
	(tm) =	ssettm $0x1  }
0x95: {  	s7 =	sld [smem:$0x3FFB];
	_ =	sdelay $0x3  }
0x96: {  	_ =	strace s7  }
0x97: {  	s7 =	sld [smem:$0x3FFC];
	_ =	sdelay $0x3  }
0x98: {  	_ =	strace s7  }
0x99: {  	s7 =	sld [smem:$0x3FFD];
	_ =	sdelay $0x3  }
0x9a: {  	_ =	strace s7  }
0x9b: {  	_ =	strace $0x8FFFFFFF  }
0x9c: {  	s20 =	sld [smem:$0x3FDB];
	_ =	sdelay $0x1  }
0x9d: {  	s8 =	simm.s32 $_scs_section_size  }
0x9e: {  	s9 =	simm.s32 $_size__tile_overlayer_lowered;
	s10 =	simm.s32 $_tile_overlayer_lowered  }
0x9f: {  	s23 =	simm.s32 $0x1BFF;
	s22 =	sshll.u32 s10, $0x1;
	s7 =	sadd.s32 s8, s20  }
0xa0: {  	s11 =	simm.s32 $0x0;
	s21 =	sshll.u32 s9, $0x1;
	s9 =	sadd.s32 s22, s7  }
0xa1: {  	[timem:s11], [sflag:s23] =	dma.local [hbm:s9], s21  }
0xa2: {  	_ =	swait.ge [sflag:s23], s21  }
0xa3: {  	s8 =	ssub.s32 $0x0, s21;
	[sflag:s23] =	ssyncset.done $0x0  }
0xa4: {  	[sflag:s23] =	ssyncadd.s32 s8;
	_ =	sdelay $0x1  }
0xa5: {  	s24 =	simm.s32 $0x1B8B  }
0xa6: {  	_ =	swait.ge [sflag:s24], $0x1  }
0xa7: {  	[sflag:s24] =	ssyncset.done $0x0  }
0xa8: {  	s25 =	simm.s32 $0x1B8E;
	[sflag:s24] =	ssyncadd.s32 $0xFFFFFFFF  }
0xa9: {  	s26 =	simm.s32 $execute0_lowered;
	[smem:$0x3FD2] =	sst s25  }
0xaa: {  	s8 =	sshll.u32 s26, $0x1;
	_ =	strace $0x80000046;
	[dreg:$0x1] =	wrdreg $0xFFFFFFFF  }
0xab: {  	s28 =	simm.s32 $_size_execute0_lowered;
	s7 =	sadd.s32 s7, s8;
	[dreg:$0x0] =	wrdreg $0x0  }
0xac: {  	s8 =	sshll.u32 s28, $0x1;
	[dreg:$0x2] =	wrdreg s7  }
0xad: {  	[dreg:$0x3] =	wrdreg s8  }
0xae: {  	[dreg:$0x4] =	wrdreg $0xC0  }
0xaf: {  	_ =	task [dreg:s11], $0x5FFFF  }
0xb0: {  	[dreg:$0x1] =	wrdreg $0xFFFFFFFF  }
0xb1: {  	[dreg:$0x0] =	wrdreg $0x60  }
0xb2: {  	[dreg:$0x2] =	wrdreg s2  }
0xb3: {  	[dreg:$0x3] =	wrdreg s19  }
0xb4: {  	[dreg:$0x4] =	wrdreg s4  }
0xb5: {  	[dreg:$0x5] =	wrdreg s5  }
0xb6: {  	[dreg:$0x6] =	wrdreg s6  }
0xb7: {  	[dreg:$0x7] =	wrdreg $0x9  }
0xb8: {  	_ =	task.clear_ibuf [dreg:s11], $0x8FFFF;
	_ =	strace $0x90000046  }
0xb9: {  	s29 =	simm.s32 $0x9;
	_ =	strace $0x80000048  }
0xba: {  	_ =	swait.ge [sflag:s29], $0x1  }
0xbb: {  	[sflag:s29] =	ssyncadd.s32 $0xFFFFFFFF  }
0xbc: {  	_ =	strace $0x90000048  }
0xbd: {  	_ =	sfence  }
0xbe: {  	s30 =	sld [smem:$0x0];
	_ =	sdelay $0x2  }
0xbf: {  	s31 =	sshll.u32 s1, $0xD;
	s1 =	sshrl.u32 s1, $0x2  }
0xc0: {  	s3 =	sand.u32 $0x4000, s31;
	s1 =	sadd.s32 s1, s30  }
0xc1: {  	s0 =	sor.u32 s3, s0;
	s1 =	sshll.u32 s1, $0x11  }
0xc2: {  	s0 =	sor.u32 s1, s0  }
0xc3: {  	s0 =	sadd.s32 $0x8F2B, s0  }
0xc4: {  	[sflag:s0] =	ssyncadd.remote.s32 $0x1  }
0xc5: {  	_ =	sfence.sel $0xFFFF  }
0xc6: {  	[dreg:$0x0] =	wrdreg $0xFFFFFFFF;
	(pc) =	sbr.abs _section_cstart, $3  }
0xc7: {  	[dreg:$0x1] =	wrdreg $0xFFFFFFFF  }
0xc8: {  	_ =	task.clear_ibuf [dreg:s11], $0x2FFFF;
	_ =	strace $0x9FFFFFFF  }
0xc9: {  	(tm) =	ssettm $0x7FFFFFFF  }
tec
execute0_lowered:
.L_overlay_start_1:
0x0: {  	(tag) =	ssettag $0x1  }
0x1: {  	s1 =	rddreg [dreg:$0x0]  }
0x2: {  	s0 =	rddreg [dreg:$0x1]  }
0x3: {  	s4 =	rddreg [dreg:$0x4];
	s3 =	simm.s32 $0x0  }
0x4: {  	s5 =	simm.s32 $0xA00;
	[smem:$0x7FF] =	sst s3  }
0x5: {  	s25 =	simm.s32 $0x4A00;
	_ =	strace $0x80000047;
	[dreg:$0x6] =	wrdreg s5  }
0x6: {  	s26 =	simm.s32 $0xE00;
	[dreg:$0x7] =	wrdreg s25  }
0x7: {  	s28 =	simm.s32 $0x4E00;
	[dreg:$0x8] =	wrdreg s26  }
0x8: {  	s29 =	simm.s32 $0x1200;
	[dreg:$0x9] =	wrdreg s28  }
0x9: {  	s30 =	simm.s32 $0x5200;
	[dreg:$0xa] =	wrdreg s29  }
0xa: {  	s31 =	simm.s32 $0x1600;
	[dreg:$0xb] =	wrdreg s30  }
0xb: {  	s2 =	simm.s32 $0x5600;
	[dreg:$0xc] =	wrdreg s31  }
0xc: {  	s6 =	simm.s32 $0x1A00;
	[dreg:$0xd] =	wrdreg s2  }
0xd: {  	s7 =	simm.s32 $0x5A00;
	[dreg:$0xe] =	wrdreg s6  }
0xe: {  	s8 =	simm.s32 $0x1E00;
	[dreg:$0xf] =	wrdreg s7  }
0xf: {  	s9 =	simm.s32 $0x5E00;
	[dreg:$0x10] =	wrdreg s8  }
0x10: {  	s10 =	simm.s32 $0x2200;
	[dreg:$0x11] =	wrdreg s9  }
0x11: {  	s11 =	simm.s32 $0x6200;
	[dreg:$0x12] =	wrdreg s10  }
0x12: {  	s12 =	simm.s32 $0x2600;
	[dreg:$0x13] =	wrdreg s11  }
0x13: {  	s13 =	simm.s32 $0x6600;
	[dreg:$0x14] =	wrdreg s12  }
0x14: {  	s14 =	simm.s32 $0x2A00;
	[dreg:$0x15] =	wrdreg s13  }
0x15: {  	s15 =	simm.s32 $0x6A00;
	[dreg:$0x16] =	wrdreg s14  }
0x16: {  	s16 =	simm.s32 $0x2E00;
	[dreg:$0x17] =	wrdreg s15  }
0x17: {  	s17 =	simm.s32 $0x6E00;
	[dreg:$0x18] =	wrdreg s16  }
0x18: {  	s19 =	simm.s32 $0x3200;
	[dreg:$0x19] =	wrdreg s17  }
0x19: {  	s20 =	simm.s32 $0x7200;
	[dreg:$0x1a] =	wrdreg s19  }
0x1a: {  	s21 =	simm.s32 $0x3600;
	[dreg:$0x1b] =	wrdreg s20  }
0x1b: {  	s22 =	simm.s32 $0x7600;
	s6 =	srdreg.scid;
	[dreg:$0x1c] =	wrdreg s21  }
0x1c: {  	s23 =	simm.s32 $0x3A00;
	s2 =	stileid.u32;
	[dreg:$0x1d] =	wrdreg s22  }
0x1d: {  	[dreg:$0x1e] =	wrdreg s23;
	s25 =	simm.s32 $0x7A00;
	s28 =	simm.s32 $0x3E00  }
0x1e: {  	s29 =	simm.s32 $0x7E00;
	s30 =	simm.s32 $0x4200;
	[dreg:$0x1f] =	wrdreg s25  }
0x1f: {  	s6 =	sand.u32 $0x1, s6;
	s18 =	sshll.u32 s2, $0x7;
	[smem:$0x7FA] =	sst s28  }
0x20: {  	[smem:$0x7FB] =	sst s29;
	s7 =	ssub.s32 $0x2, s6;
	s6 =	sshll.u32 s6, $0x6  }
0x21: {  	v0 =	vlaneseq.u32;
	s31 =	simm.s32 $0x8200;
	[smem:$0x7FC] =	sst s30;
	s6 =	sor.u32 s6, s18  }
0x22: {  	v0 =	vmul.u32 $0x400, v0;
	s13 =	simm.s32 $0x1;
	[smem:$0x7FD] =	sst s31;
	s1 =	sadd.s32 s1, s6  }
0x23: {  	s8 =	sshrl.u32 s7, $0x1;
	s0 =	sadd.s32 s0, s6;
	[smem:$0x7F6] =	sst s1  }
0x24: {  	v1 =	vor.u32 $0x80, v0;
	s7 =	ssub.s32 s7, s8;
	s24 =	sadd.s32 s4, s6;
	[smem:$0x7F7] =	sst s0  }
0x25: {  	s14 =	simm.s32 $0x2;
	v2 =	vor.u32 $0x100, v0;
	v3 =	vor.u32 $0x180, v0;
	v4 =	vor.u32 $0x200, v0;
	[smem:$0x7F8] =	sst s24;
	s26 =	smax.u32 s7, $0x1  }
0x26: {  	v5 =	vor.u32 $0x280, v0;
	v6 =	vor.u32 $0x300, v0;
	v7 =	vor.u32 $0x380, v0;
	s2 =	simm.s32 $0x0;
	s1 =	simm.s32 $0x3;
	[smem:$0x7F9] =	sst s26  }
.LBB2_1:
0x27: {  	s0 =	sld [smem:$0x7F6];
	_ =	sdelay $0x1  }
0x28: {  	[smem:$0x7F3] =	sst s2  }
0x29: {  	[tilespmem:s3], [sflag:$0x3] =	stream.linear.gather [hbm4b:s0+s3], $0x200, $0x38;
	[tilespmem:$0x8600] =	vst v63  }
0x2a: {  	_ =	swait.ge [sflag:s1], $0x200  }
0x2b: {  	s21 =	sld [smem:$0x7F7]  }
0x2c: {  	[sflag:s1] =	ssyncset.done $0x0  }
0x2d: {  	s22 =	simm.s32 $0x200;
	[sflag:s1] =	ssyncadd.s32 $0xFFFFFE00  }
0x2e: {  	[tilespmem:s22], [sflag:$0x3] =	stream.linear.gather [hbm4b:s21+s3], $0x200, $0x38;
	[tilespmem:$0x8600] =	vst v63  }
0x2f: {  	_ =	swait.ge [sflag:s1], $0x200  }
0x30: {  	[sflag:s1] =	ssyncset.done $0x0  }
0x31: {  	s23 =	simm.s32 $0x0;
	[sflag:s1] =	ssyncadd.s32 $0xFFFFFE00  }
0x32: {  	v9 =	vld [tilespmem:s23+$0x0];
	_ =	sdelay $0x1  }
0x33: {  	v8 =	vld [tilespmem:s23+$0x200];
	_ =	sdelay $0x1  }
0x34: {  	s0 =	sld [smem:$0x7FC]  }
0x35: {  	s4 =	sld [smem:$0x7FB];
	(v2sf) =	vpush v9, $0x1  }
0x36: {  	s5 =	sld [smem:$0x7FA];
	(v2sf) =	vpush v9, $0x0  }
0x37: {  	s6 =	rddreg [dreg:$0x1f];
	(v2sf) =	vpush v8, $0x0  }
0x38: {  	s7 =	rddreg [dreg:$0x1e]  }
0x39: {  	s8 =	rddreg [dreg:$0x1d]  }
0x3a: {  	s9 =	rddreg [dreg:$0x1c];
	(v2sf) =	vpush v8, $0x1  }
0x3b: {  	s10 =	rddreg [dreg:$0x1b]  }
0x3c: {  	s15 =	rddreg [dreg:$0x1a];
	(v2sf) =	vpush v9, $0x2  }
0x3d: {  	s16 =	rddreg [dreg:$0x19]  }
0x3e: {  	s17 =	rddreg [dreg:$0x18]  }
0x3f: {  	s19 =	rddreg [dreg:$0x17];
	(v2sf) =	vpush v8, $0x2  }
0x40: {  	s20 =	rddreg [dreg:$0x16]  }
0x41: {  	s21 =	rddreg [dreg:$0x15];
	(v2sf) =	vpush v9, $0x3  }
0x42: {  	s11 =	rddreg [dreg:$0x14]  }
0x43: {  	s12 =	rddreg [dreg:$0x13]  }
0x44: {  	s28 =	simm.s32 $0x600;
	s22 =	rddreg [dreg:$0x12];
	s24 =	spop (v2sf)  }
0x45: {  	s29 =	simm.s32 $0x4600;
	s2 =	rddreg [dreg:$0x2];
	(v2sf) =	vpush v8, $0x3;
	s18 =	spop (v2sf)  }
0x46: {  	s26 =	rddreg [dreg:$0x3];
	s18 =	sand.u32 $0xFFFFF80, s18;
	s23 =	spop (v2sf)  }
0x47: {  	(v2sf) =	vpush v9, $0x4;
	s1 =	sand.u32 $0xFFFFF80, s24;
	s18 =	sadd.s32 s2, s18;
	s23 =	sand.u32 $0xFFFFF80, s23  }
0x48: {  	(v2sf) =	vpush v8, $0x4;
	[tilespmem:s28], [sflag:$0x1] =	stream.linear.gather [hbm4b:s18+s3], $0x400, $0x38;
	[tilespmem:$0x8600] =	vst v63  }
0x49: {  	s24 =	rddreg [dreg:$0x7];
	s25 =	spop (v2sf);
	s23 =	sadd.s32 s26, s23  }
0x4a: {  	[tilespmem:s29], [sflag:$0x2] =	stream.linear.gather [hbm4b:s23+s3], $0x400, $0x38;
	[tilespmem:$0x8600] =	vst v63  }
0x4b: {  	s1 =	sadd.s32 s2, s1;
	(v2sf) =	vpush v9, $0x5;
	s18 =	rddreg [dreg:$0x6];
	s23 =	spop (v2sf)  }
0x4c: {  	[tilespmem:s18], [sflag:$0x1] =	stream.linear.gather [hbm4b:s1+s3], $0x400, $0x38;
	[tilespmem:$0x8600] =	vst v63  }
0x4d: {  	(v2sf) =	vpush v8, $0x5;
	s23 =	sand.u32 $0xFFFFF80, s23;
	s1 =	rddreg [dreg:$0x8];
	s18 =	sand.u32 $0xFFFFF80, s25  }
0x4e: {  	s25 =	spop (v2sf);
	s23 =	sadd.s32 s2, s23;
	s18 =	sadd.s32 s26, s18  }
0x4f: {  	(v2sf) =	vpush v9, $0x6;
	[tilespmem:s24], [sflag:$0x2] =	stream.linear.gather [hbm4b:s18+s3], $0x400, $0x38;
	[tilespmem:$0x8600] =	vst v63  }
0x50: {  	s18 =	sand.u32 $0xFFFFF80, s25;
	s24 =	rddreg [dreg:$0x9];
	s25 =	spop (v2sf)  }
0x51: {  	[tilespmem:s1], [sflag:$0x1] =	stream.linear.gather [hbm4b:s23+s3], $0x400, $0x38;
	[tilespmem:$0x8600] =	vst v63  }
0x52: {  	(v2sf) =	vpush v8, $0x6;
	s18 =	sadd.s32 s26, s18;
	s1 =	rddreg [dreg:$0xa];
	s23 =	sand.u32 $0xFFFFF80, s25  }
0x53: {  	[tilespmem:s24], [sflag:$0x2] =	stream.linear.gather [hbm4b:s18+s3], $0x400, $0x38;
	[tilespmem:$0x8600] =	vst v63  }
0x54: {  	(v2sf) =	vpush v9, $0x7;
	s23 =	sadd.s32 s2, s23;
	s18 =	rddreg [dreg:$0xb];
	s25 =	spop (v2sf)  }
0x55: {  	[tilespmem:s1], [sflag:$0x1] =	stream.linear.gather [hbm4b:s23+s3], $0x400, $0x38;
	[tilespmem:$0x8600] =	vst v63  }
0x56: {  	(v2sf) =	vpush v8, $0x7;
	s24 =	sand.u32 $0xFFFFF80, s25;
	s25 =	spop (v2sf);
	s1 =	rddreg [dreg:$0xc]  }
0x57: {  	s23 =	sadd.s32 s26, s24;
	s24 =	sand.u32 $0xFFFFF80, s25;
	s25 =	spop (v2sf)  }
0x58: {  	(v2sf) =	vpush v9, $0x8;
	[tilespmem:s18], [sflag:$0x2] =	stream.linear.gather [hbm4b:s23+s3], $0x400, $0x38;
	[tilespmem:$0x8600] =	vst v63  }
0x59: {  	s18 =	rddreg [dreg:$0xd];
	s23 =	sand.u32 $0xFFFFF80, s25  }
0x5a: {  	(v2sf) =	vpush v8, $0x8;
	s24 =	sadd.s32 s2, s24;
	s25 =	spop (v2sf);
	s23 =	sadd.s32 s26, s23  }
0x5b: {  	[tilespmem:s1], [sflag:$0x1] =	stream.linear.gather [hbm4b:s24+s3], $0x400, $0x38;
	[tilespmem:$0x8600] =	vst v63  }
0x5c: {  	(v2sf) =	vpush v9, $0x9;
	s1 =	rddreg [dreg:$0xe];
	s24 =	sand.u32 $0xFFFFF80, s25;
	s25 =	spop (v2sf)  }
0x5d: {  	[tilespmem:s18], [sflag:$0x2] =	stream.linear.gather [hbm4b:s23+s3], $0x400, $0x38;
	[tilespmem:$0x8600] =	vst v63  }
0x5e: {  	(v2sf) =	vpush v8, $0x9;
	s23 =	sadd.s32 s2, s24;
	s24 =	sand.u32 $0xFFFFF80, s25;
	s25 =	spop (v2sf)  }
0x5f: {  	[tilespmem:s1], [sflag:$0x1] =	stream.linear.gather [hbm4b:s23+s3], $0x400, $0x38;
	[tilespmem:$0x8600] =	vst v63  }
0x60: {  	s18 =	rddreg [dreg:$0xf];
	(v2sf) =	vpush v9, $0xA;
	s24 =	sadd.s32 s26, s24;
	s23 =	sand.u32 $0xFFFFF80, s25  }
0x61: {  	s1 =	rddreg [dreg:$0x10];
	s25 =	spop (v2sf);
	s23 =	sadd.s32 s2, s23  }
0x62: {  	(v2sf) =	vpush v8, $0xA;
	[tilespmem:s18], [sflag:$0x2] =	stream.linear.gather [hbm4b:s24+s3], $0x400, $0x38;
	[tilespmem:$0x8600] =	vst v63  }
0x63: {  	s18 =	rddreg [dreg:$0x11];
	s24 =	sand.u32 $0xFFFFF80, s25;
	s25 =	spop (v2sf)  }
0x64: {  	(v2sf) =	vpush v9, $0xB;
	[tilespmem:s1], [sflag:$0x1] =	stream.linear.gather [hbm4b:s23+s3], $0x400, $0x38;
	[tilespmem:$0x8600] =	vst v63  }
0x65: {  	s23 =	sadd.s32 s26, s24;
	s24 =	sand.u32 $0xFFFFF80, s25;
	s25 =	spop (v2sf)  }
0x66: {  	[tilespmem:s18], [sflag:$0x2] =	stream.linear.gather [hbm4b:s23+s3], $0x400, $0x38;
	(v2sf) =	vpush v8, $0xB;
	[tilespmem:$0x8600] =	vst v63  }
0x67: {  	s23 =	sadd.s32 s2, s24;
	s24 =	sand.u32 $0xFFFFF80, s25;
	s25 =	spop (v2sf)  }
0x68: {  	(v2sf) =	vpush v9, $0xC;
	[tilespmem:s22], [sflag:$0x1] =	stream.linear.gather [hbm4b:s23+s3], $0x400, $0x38;
	[tilespmem:$0x8600] =	vst v63  }
0x69: {  	s22 =	sadd.s32 s26, s24;
	s24 =	sand.u32 $0xFFFFF80, s25;
	s25 =	spop (v2sf)  }
0x6a: {  	(v2sf) =	vpush v8, $0xC;
	[tilespmem:s12], [sflag:$0x2] =	stream.linear.gather [hbm4b:s22+s3], $0x400, $0x38;
	[tilespmem:$0x8600] =	vst v63  }
0x6b: {  	s23 =	sadd.s32 s2, s24;
	s24 =	sand.u32 $0xFFFFF80, s25;
	s25 =	spop (v2sf)  }
0x6c: {  	(v2sf) =	vpush v9, $0xD;
	[tilespmem:s11], [sflag:$0x1] =	stream.linear.gather [hbm4b:s23+s3], $0x400, $0x38;
	[tilespmem:$0x8600] =	vst v63  }
0x6d: {  	s12 =	sadd.s32 s26, s24;
	s18 =	sand.u32 $0xFFFFF80, s25;
	s22 =	spop (v2sf)  }
0x6e: {  	(v2sf) =	vpush v8, $0xD;
	[tilespmem:s21], [sflag:$0x2] =	stream.linear.gather [hbm4b:s12+s3], $0x400, $0x38;
	[tilespmem:$0x8600] =	vst v63  }
0x6f: {  	s23 =	sadd.s32 s2, s18;
	s24 =	sand.u32 $0xFFFFF80, s22;
	s25 =	spop (v2sf)  }
0x70: {  	(v2sf) =	vpush v9, $0xE;
	[tilespmem:s20], [sflag:$0x1] =	stream.linear.gather [hbm4b:s23+s3], $0x400, $0x38;
	[tilespmem:$0x8600] =	vst v63  }
0x71: {  	s11 =	sadd.s32 s26, s24;
	s12 =	sand.u32 $0xFFFFF80, s25;
	s18 =	spop (v2sf)  }
0x72: {  	(v2sf) =	vpush v8, $0xE;
	[tilespmem:s19], [sflag:$0x2] =	stream.linear.gather [hbm4b:s11+s3], $0x400, $0x38;
	[tilespmem:$0x8600] =	vst v63  }
0x73: {  	s20 =	sadd.s32 s2, s12;
	s21 =	sand.u32 $0xFFFFF80, s18;
	s22 =	spop (v2sf)  }
0x74: {  	(v2sf) =	vpush v9, $0xF;
	[tilespmem:s17], [sflag:$0x1] =	stream.linear.gather [hbm4b:s20+s3], $0x400, $0x38;
	[tilespmem:$0x8600] =	vst v63  }
0x75: {  	s23 =	sadd.s32 s26, s21;
	s24 =	sand.u32 $0xFFFFF80, s22;
	s25 =	spop (v2sf)  }
0x76: {  	(v2sf) =	vpush v8, $0xF;
	[tilespmem:s16], [sflag:$0x2] =	stream.linear.gather [hbm4b:s23+s3], $0x400, $0x38;
	[tilespmem:$0x8600] =	vst v63  }
0x77: {  	s16 =	sadd.s32 s2, s24;
	s18 =	sand.u32 $0xFFFFF80, s25;
	s19 =	spop (v2sf)  }
0x78: {  	[tilespmem:s15], [sflag:$0x1] =	stream.linear.gather [hbm4b:s16+s3], $0x400, $0x38;
	[tilespmem:$0x8600] =	vst v63  }
0x79: {  	s20 =	sadd.s32 s26, s18;
	s21 =	sand.u32 $0xFFFFF80, s19;
	s22 =	spop (v2sf)  }
0x7a: {  	[tilespmem:s10], [sflag:$0x2] =	stream.linear.gather [hbm4b:s20+s3], $0x400, $0x38;
	[tilespmem:$0x8600] =	vst v63  }
0x7b: {  	s23 =	sadd.s32 s2, s21;
	s24 =	sand.u32 $0xFFFFF80, s22;
	s25 =	spop (v2sf)  }
0x7c: {  	[tilespmem:s9], [sflag:$0x1] =	stream.linear.gather [hbm4b:s23+s3], $0x400, $0x38;
	[tilespmem:$0x8600] =	vst v63  }
0x7d: {  	s12 =	sand.u32 $0xFFFFF80, s25;
	s10 =	sadd.s32 s26, s24;
	s15 =	spop (v2sf)  }
0x7e: {  	[tilespmem:s8], [sflag:$0x2] =	stream.linear.gather [hbm4b:s10+s3], $0x400, $0x38;
	[tilespmem:$0x8600] =	vst v63  }
0x7f: {  	s16 =	sadd.s32 s2, s12;
	s18 =	sand.u32 $0xFFFFF80, s15;
	s19 =	spop (v2sf)  }
0x80: {  	[tilespmem:s7], [sflag:$0x1] =	stream.linear.gather [hbm4b:s16+s3], $0x400, $0x38;
	[tilespmem:$0x8600] =	vst v63  }
0x81: {  	s20 =	sadd.s32 s26, s18;
	s21 =	sand.u32 $0xFFFFF80, s19;
	s22 =	spop (v2sf)  }
0x82: {  	[tilespmem:s6], [sflag:$0x2] =	stream.linear.gather [hbm4b:s20+s3], $0x400, $0x38;
	[tilespmem:$0x8600] =	vst v63  }
0x83: {  	s23 =	sadd.s32 s2, s21;
	s24 =	sand.u32 $0xFFFFF80, s22;
	s25 =	spop (v2sf)  }
0x84: {  	[tilespmem:s5], [sflag:$0x1] =	stream.linear.gather [hbm4b:s23+s3], $0x400, $0x38;
	[tilespmem:$0x8600] =	vst v63  }
0x85: {  	s8 =	sadd.s32 s26, s24;
	s9 =	sand.u32 $0xFFFFF80, s25;
	s10 =	spop (v2sf)  }
0x86: {  	[tilespmem:s4], [sflag:$0x2] =	stream.linear.gather [hbm4b:s8+s3], $0x400, $0x38;
	[tilespmem:$0x8600] =	vst v63  }
0x87: {  	s15 =	sld [smem:$0x7FD];
	s11 =	sadd.s32 s2, s9;
	s12 =	sand.u32 $0xFFFFF80, s10  }
0x88: {  	[tilespmem:s0], [sflag:$0x1] =	stream.linear.gather [hbm4b:s11+s3], $0x400, $0x38;
	[tilespmem:$0x8600] =	vst v63  }
0x89: {  	s16 =	sadd.s32 s26, s12  }
0x8a: {  	[tilespmem:s15], [sflag:$0x2] =	stream.linear.gather [hbm4b:s16+s3], $0x400, $0x38;
	[tilespmem:$0x8600] =	vst v63  }
0x8b: {  	_ =	swait.ge [sflag:s13], $0x400  }
0x8c: {  	[sflag:s13] =	ssyncset.done $0x0  }
0x8d: {  	[sflag:s13] =	ssyncadd.s32 $0xFFFFFC00  }
0x8e: {  	_ =	swait.ge [sflag:s14], $0x400  }
0x8f: {  	[sflag:s14] =	ssyncset.done $0x0  }
0x90: {  	[sflag:s14] =	ssyncadd.s32 $0xFFFFFC00  }
0x91: {  	_ =	swait.ge [sflag:s13], $0x400  }
0x92: {  	[sflag:s13] =	ssyncset.done $0x0  }
0x93: {  	[sflag:s13] =	ssyncadd.s32 $0xFFFFFC00  }
0x94: {  	_ =	swait.ge [sflag:s14], $0x400  }
0x95: {  	[sflag:s14] =	ssyncset.done $0x0  }
0x96: {  	[sflag:s14] =	ssyncadd.s32 $0xFFFFFC00  }
0x97: {  	_ =	swait.ge [sflag:s13], $0x400  }
0x98: {  	[sflag:s13] =	ssyncset.done $0x0  }
0x99: {  	[sflag:s13] =	ssyncadd.s32 $0xFFFFFC00  }
0x9a: {  	_ =	swait.ge [sflag:s14], $0x400  }
0x9b: {  	[sflag:s14] =	ssyncset.done $0x0  }
0x9c: {  	[sflag:s14] =	ssyncadd.s32 $0xFFFFFC00  }
0x9d: {  	_ =	swait.ge [sflag:s13], $0x400  }
0x9e: {  	[sflag:s13] =	ssyncset.done $0x0  }
0x9f: {  	[sflag:s13] =	ssyncadd.s32 $0xFFFFFC00  }
0xa0: {  	_ =	swait.ge [sflag:s14], $0x400  }
0xa1: {  	[sflag:s14] =	ssyncset.done $0x0  }
0xa2: {  	[sflag:s14] =	ssyncadd.s32 $0xFFFFFC00  }
0xa3: {  	_ =	swait.ge [sflag:s13], $0x400  }
0xa4: {  	[sflag:s13] =	ssyncset.done $0x0  }
0xa5: {  	[sflag:s13] =	ssyncadd.s32 $0xFFFFFC00  }
0xa6: {  	_ =	swait.ge [sflag:s14], $0x400  }
0xa7: {  	[sflag:s14] =	ssyncset.done $0x0  }
0xa8: {  	[sflag:s14] =	ssyncadd.s32 $0xFFFFFC00  }
0xa9: {  	_ =	swait.ge [sflag:s13], $0x400  }
0xaa: {  	[sflag:s13] =	ssyncset.done $0x0  }
0xab: {  	[sflag:s13] =	ssyncadd.s32 $0xFFFFFC00  }
0xac: {  	_ =	swait.ge [sflag:s14], $0x400  }
0xad: {  	[sflag:s14] =	ssyncset.done $0x0  }
0xae: {  	[sflag:s14] =	ssyncadd.s32 $0xFFFFFC00  }
0xaf: {  	_ =	swait.ge [sflag:s13], $0x400  }
0xb0: {  	[sflag:s13] =	ssyncset.done $0x0  }
0xb1: {  	[sflag:s13] =	ssyncadd.s32 $0xFFFFFC00  }
0xb2: {  	_ =	swait.ge [sflag:s14], $0x400  }
0xb3: {  	[sflag:s14] =	ssyncset.done $0x0  }
0xb4: {  	[sflag:s14] =	ssyncadd.s32 $0xFFFFFC00  }
0xb5: {  	_ =	swait.ge [sflag:s13], $0x400  }
0xb6: {  	[sflag:s13] =	ssyncset.done $0x0  }
0xb7: {  	[sflag:s13] =	ssyncadd.s32 $0xFFFFFC00  }
0xb8: {  	_ =	swait.ge [sflag:s14], $0x400  }
0xb9: {  	[sflag:s14] =	ssyncset.done $0x0  }
0xba: {  	[sflag:s14] =	ssyncadd.s32 $0xFFFFFC00  }
0xbb: {  	_ =	swait.ge [sflag:s13], $0x400  }
0xbc: {  	[sflag:s13] =	ssyncset.done $0x0  }
0xbd: {  	[sflag:s13] =	ssyncadd.s32 $0xFFFFFC00  }
0xbe: {  	_ =	swait.ge [sflag:s14], $0x400  }
0xbf: {  	[sflag:s14] =	ssyncset.done $0x0  }
0xc0: {  	[sflag:s14] =	ssyncadd.s32 $0xFFFFFC00  }
0xc1: {  	_ =	swait.ge [sflag:s13], $0x400  }
0xc2: {  	[sflag:s13] =	ssyncset.done $0x0  }
0xc3: {  	[sflag:s13] =	ssyncadd.s32 $0xFFFFFC00  }
0xc4: {  	_ =	swait.ge [sflag:s14], $0x400  }
0xc5: {  	[sflag:s14] =	ssyncset.done $0x0  }
0xc6: {  	[sflag:s14] =	ssyncadd.s32 $0xFFFFFC00  }
0xc7: {  	_ =	swait.ge [sflag:s13], $0x400  }
0xc8: {  	[sflag:s13] =	ssyncset.done $0x0  }
0xc9: {  	[sflag:s13] =	ssyncadd.s32 $0xFFFFFC00  }
0xca: {  	_ =	swait.ge [sflag:s14], $0x400  }
0xcb: {  	[sflag:s14] =	ssyncset.done $0x0  }
0xcc: {  	[sflag:s14] =	ssyncadd.s32 $0xFFFFFC00  }
0xcd: {  	_ =	swait.ge [sflag:s13], $0x400  }
0xce: {  	[sflag:s13] =	ssyncset.done $0x0  }
0xcf: {  	[sflag:s13] =	ssyncadd.s32 $0xFFFFFC00  }
0xd0: {  	_ =	swait.ge [sflag:s14], $0x400  }
0xd1: {  	[sflag:s14] =	ssyncset.done $0x0  }
0xd2: {  	[sflag:s14] =	ssyncadd.s32 $0xFFFFFC00  }
0xd3: {  	_ =	swait.ge [sflag:s13], $0x400  }
0xd4: {  	[sflag:s13] =	ssyncset.done $0x0  }
0xd5: {  	[sflag:s13] =	ssyncadd.s32 $0xFFFFFC00  }
0xd6: {  	_ =	swait.ge [sflag:s14], $0x400  }
0xd7: {  	[sflag:s14] =	ssyncset.done $0x0  }
0xd8: {  	[sflag:s14] =	ssyncadd.s32 $0xFFFFFC00  }
0xd9: {  	_ =	swait.ge [sflag:s13], $0x400  }
0xda: {  	[sflag:s13] =	ssyncset.done $0x0  }
0xdb: {  	[sflag:s13] =	ssyncadd.s32 $0xFFFFFC00  }
0xdc: {  	_ =	swait.ge [sflag:s14], $0x400  }
0xdd: {  	[sflag:s14] =	ssyncset.done $0x0  }
0xde: {  	[sflag:s14] =	ssyncadd.s32 $0xFFFFFC00  }
0xdf: {  	_ =	swait.ge [sflag:s13], $0x400  }
0xe0: {  	[sflag:s13] =	ssyncset.done $0x0  }
0xe1: {  	[sflag:s13] =	ssyncadd.s32 $0xFFFFFC00  }
0xe2: {  	_ =	swait.ge [sflag:s14], $0x400  }
0xe3: {  	[sflag:s14] =	ssyncset.done $0x0  }
0xe4: {  	[sflag:s14] =	ssyncadd.s32 $0xFFFFFC00  }
0xe5: {  	_ =	swait.ge [sflag:s13], $0x400  }
0xe6: {  	[sflag:s13] =	ssyncset.done $0x0  }
0xe7: {  	v9 =	vand.u32 $0x7F, v9;
	[sflag:s13] =	ssyncadd.s32 $0xFFFFFC00  }
0xe8: {  	v10 =	vor.u32 v0, v9;
	v8 =	vand.u32 $0x7F, v8;
	_ =	swait.ge [sflag:s14], $0x400  }
0xe9: {  	v11 =	vor.u32 v0, v8;
	s20 =	sld [smem:$0x7FC]  }
0xea: {  	v12 =	vor.u32 v1, v9;
	s22 =	sld [smem:$0x7FB]  }
0xeb: {  	v13 =	vor.u32 v2, v9;
	[sflag:s14] =	ssyncset.done $0x0;
	s23 =	sld [smem:$0x7FA]  }
0xec: {  	s24 =	rddreg [dreg:$0x1f];
	[sflag:s14] =	ssyncadd.s32 $0xFFFFFC00  }
0xed: {  	v15 =	vor.u32 v1, v8;
	s25 =	rddreg [dreg:$0x1e];
	v14 =	vld.idx.msk [tilespmem:v10+s28+$0x0], $0xffff  }
0xee: {  	s26 =	rddreg [dreg:$0x1d];
	v16 =	vld.idx.msk [tilespmem:v11+s29+$0x0], $0xffff  }
0xef: {  	v17 =	vor.u32 v2, v8;
	s30 =	rddreg [dreg:$0x1c];
	v12 =	vld.idx.msk [tilespmem:v12+s28+$0x0], $0xffff  }
0xf0: {  	v18 =	vor.u32 v3, v9;
	s19 =	simm.s32 $0x10;
	s31 =	rddreg [dreg:$0x1b];
	v13 =	vld.idx.msk [tilespmem:v13+s28+$0x0], $0xffff  }
0xf1: {  	v19 =	vor.u32 v3, v8;
	s18 =	rddreg [dreg:$0x1a];
	v10 =	vld [tilespmem:s19+$0x0]  }
0xf2: {  	v20 =	vor.u32 v4, v9;
	s21 =	rddreg [dreg:$0x19];
	v15 =	vld.idx.msk [tilespmem:v15+s29+$0x0], $0xffff  }
0xf3: {  	v21 =	vor.u32 v4, v8;
	s0 =	rddreg [dreg:$0x18];
	v11 =	vld [tilespmem:s19+$0x200]  }
0xf4: {  	v22 =	vor.u32 v5, v9;
	s4 =	rddreg [dreg:$0x17];
	v17 =	vld.idx.msk [tilespmem:v17+s29+$0x0], $0xffff  }
0xf5: {  	v25 =	vor.u32 v6, v8;
	s10 =	rddreg [dreg:$0x16];
	v18 =	vld.idx.msk [tilespmem:v18+s28+$0x0], $0xffff  }
0xf6: {  	v23 =	vor.u32 v5, v8;
	s15 =	rddreg [dreg:$0x15];
	v19 =	vld.idx.msk [tilespmem:v19+s29+$0x0], $0xffff  }
0xf7: {  	v24 =	vor.u32 v6, v9;
	s5 =	rddreg [dreg:$0x14];
	v20 =	vld.idx.msk [tilespmem:v20+s28+$0x0], $0xffff  }
0xf8: {  	s6 =	rddreg [dreg:$0x13];
	v21 =	vld.idx.msk [tilespmem:v21+s29+$0x0], $0xffff;
	v14 =	vmul.f32 v16, v14;
	v16 =	vor.u32 v7, v9;
	v9 =	vmul.f32 v15, v12  }
0xf9: {  	v63 =	vor.u32 v7, v8;
	s7 =	rddreg [dreg:$0x12];
	(v2sf) =	vpush v10, $0x1;
	v12 =	vld.idx.msk [tilespmem:v22+s28+$0x0], $0xffff  }
0xfa: {  	s8 =	rddreg [dreg:$0x11];
	v15 =	vld.idx.msk [tilespmem:v25+s29+$0x0], $0xffff;
	(v2sf) =	vpush v10, $0x0;
	v8 =	vadd.f32 v9, v14;
	v9 =	vmul.f32 v17, v13  }
0xfb: {  	s9 =	rddreg [dreg:$0x10];
	v14 =	vld.idx.msk [tilespmem:v23+s29+$0x0], $0xffff;
	(v2sf) =	vpush v11, $0x0  }
0xfc: {  	s16 =	rddreg [dreg:$0xf];
	v18 =	vmul.f32 v19, v18;
	v13 =	vld.idx.msk [tilespmem:v24+s28+$0x0], $0xffff;
	(v2sf) =	vpush v11, $0x1;
	v17 =	vadd.f32 v9, v8  }
0xfd: {  	[smem:$0x7F4] =	sst s18;
	v19 =	vmul.f32 v21, v20;
	v9 =	vand.u32 $0x7F, v10;
	(v2sf) =	vpush v10, $0x2;
	v16 =	vld.idx.msk [tilespmem:v16+s28+$0x0], $0xffff  }
0xfe: {  	s17 =	simm.s32 $0x0;
	[smem:$0x7F5] =	sst s21;
	s21 =	simm.s32 $0x80;
	v8 =	vand.u32 $0x7F, v11;
	(v2sf) =	vpush v11, $0x2;
	v18 =	vadd.f32 v18, v17;
	v17 =	vld.idx.msk [tilespmem:v63+s29+$0x0], $0xffff  }
.LBB2_2:
0xff: {  	[smem:$0x7EC] =	sst s26  }
0x100: {  	[smem:$0x7ED] =	sst s24  }
0x101: {  	[smem:$0x7F1] =	sst s19  }
0x102: {  	s11 =	rddreg [dreg:$0xe]  }
0x103: {  	s12 =	rddreg [dreg:$0xd]  }
0x104: {  	s18 =	rddreg [dreg:$0xc]  }
0x105: {  	s29 =	rddreg [dreg:$0xb]  }
0x106: {  	s2 =	rddreg [dreg:$0x8]  }
0x107: {  	s1 =	smov.u32 s21;
	s26 =	rddreg [dreg:$0x2];
	v18 =	vadd.f32 v19, v18;
	v12 =	vmul.f32 v14, v12  }
0x108: {  	[smem:$0x7F2] =	sst s1  }
0x109: {  	(v2sf) =	vpush v10, $0x3;
	s1 =	rddreg [dreg:$0xa];
	v13 =	vmul.f32 v15, v13;
	v12 =	vadd.f32 v12, v18  }
0x10a: {  	[smem:$0x7EE] =	sst s23  }
0x10b: {  	(v2sf) =	vpush v11, $0x3;
	[smem:$0x7EF] =	sst s22;
	v12 =	vadd.f32 v13, v12;
	v13 =	vmul.f32 v17, v16  }
0x10c: {  	[smem:$0x7F0] =	sst s20;
	s28 =	spop (v2sf)  }
0x10d: {  	s20 =	rddreg [dreg:$0x6];
	(v2sf) =	vpush v10, $0x4;
	s23 =	spop (v2sf);
	v12 =	vadd.f32 v13, v12;
	s19 =	sand.u32 $0xFFFFF80, s28  }
0x10e: {  	s28 =	simm.s32 $0x600;
	s22 =	sand.u32 $0xFFFFF80, s23;
	s24 =	spop (v2sf)  }
0x10f: {  	(v2sf) =	vpush v11, $0x4;
	s22 =	sadd.s32 s26, s22;
	s23 =	sand.u32 $0xFFFFF80, s24;
	[tilespmem:s17+$0x400] =	vst v12;
	s17 =	rddreg [dreg:$0x3]  }
0x110: {  	[tilespmem:s28], [sflag:$0x1] =	stream.linear.gather [hbm4b:s22+s3], $0x400, $0x38;
	[tilespmem:$0x8600] =	vst v63  }
0x111: {  	s19 =	sadd.s32 s26, s19;
	s24 =	spop (v2sf);
	(v2sf) =	vpush v10, $0x5;
	s22 =	sadd.s32 s17, s23  }
0x112: {  	s23 =	sand.u32 $0xFFFFF80, s24;
	s24 =	spop (v2sf);
	s28 =	simm.s32 $0x4600  }
0x113: {  	(v2sf) =	vpush v11, $0x5;
	[tilespmem:s28], [sflag:$0x2] =	stream.linear.gather [hbm4b:s22+s3], $0x400, $0x38;
	[tilespmem:$0x8600] =	vst v63  }
0x114: {  	s24 =	sand.u32 $0xFFFFF80, s24;
	s28 =	smov.u32 s25;
	s25 =	spop (v2sf)  }
0x115: {  	(v2sf) =	vpush v10, $0x6;
	[tilespmem:s20], [sflag:$0x1] =	stream.linear.gather [hbm4b:s19+s3], $0x400, $0x38;
	[tilespmem:$0x8600] =	vst v63  }
0x116: {  	s22 =	rddreg [dreg:$0x7];
	s20 =	sadd.s32 s17, s23;
	s23 =	sand.u32 $0xFFFFF80, s25  }
0x117: {  	(v2sf) =	vpush v11, $0x6;
	[tilespmem:s22], [sflag:$0x2] =	stream.linear.gather [hbm4b:s20+s3], $0x400, $0x38;
	[tilespmem:$0x8600] =	vst v63  }
0x118: {  	s24 =	sadd.s32 s26, s24;
	s25 =	spop (v2sf);
	s23 =	sadd.s32 s17, s23  }
0x119: {  	(v2sf) =	vpush v10, $0x7;
	[tilespmem:s2], [sflag:$0x1] =	stream.linear.gather [hbm4b:s24+s3], $0x400, $0x38;
	[tilespmem:$0x8600] =	vst v63  }
0x11a: {  	s20 =	rddreg [dreg:$0x9];
	s24 =	sand.u32 $0xFFFFF80, s25;
	s25 =	spop (v2sf)  }
0x11b: {  	(v2sf) =	vpush v11, $0x7;
	[tilespmem:s20], [sflag:$0x2] =	stream.linear.gather [hbm4b:s23+s3], $0x400, $0x38;
	[tilespmem:$0x8600] =	vst v63  }
0x11c: {  	s23 =	sadd.s32 s26, s24;
	s24 =	sand.u32 $0xFFFFF80, s25;
	s25 =	spop (v2sf)  }
0x11d: {  	(v2sf) =	vpush v10, $0x8;
	[tilespmem:s1], [sflag:$0x1] =	stream.linear.gather [hbm4b:s23+s3], $0x400, $0x38;
	[tilespmem:$0x8600] =	vst v63  }
0x11e: {  	s19 =	sadd.s32 s17, s24;
	s22 =	sand.u32 $0xFFFFF80, s25;
	s23 =	spop (v2sf)  }
0x11f: {  	(v2sf) =	vpush v11, $0x8;
	[tilespmem:s29], [sflag:$0x2] =	stream.linear.gather [hbm4b:s19+s3], $0x400, $0x38;
	[tilespmem:$0x8600] =	vst v63  }
0x120: {  	s24 =	sadd.s32 s26, s22;
	s25 =	sand.u32 $0xFFFFF80, s23;
	s29 =	spop (v2sf)  }
0x121: {  	[tilespmem:s18], [sflag:$0x1] =	stream.linear.gather [hbm4b:s24+s3], $0x400, $0x38;
	[tilespmem:$0x8600] =	vst v63  }
0x122: {  	(v2sf) =	vpush v10, $0x9;
	s20 =	sadd.s32 s17, s25;
	s22 =	sand.u32 $0xFFFFF80, s29;
	s23 =	spop (v2sf)  }
0x123: {  	(v2sf) =	vpush v11, $0x9;
	[tilespmem:s12], [sflag:$0x2] =	stream.linear.gather [hbm4b:s20+s3], $0x400, $0x38;
	[tilespmem:$0x8600] =	vst v63  }
0x124: {  	s24 =	sadd.s32 s26, s22;
	s25 =	sand.u32 $0xFFFFF80, s23;
	s29 =	spop (v2sf)  }
0x125: {  	(v2sf) =	vpush v10, $0xA;
	[tilespmem:s11], [sflag:$0x1] =	stream.linear.gather [hbm4b:s24+s3], $0x400, $0x38;
	[tilespmem:$0x8600] =	vst v63  }
0x126: {  	s2 =	sadd.s32 s17, s25;
	s12 =	spop (v2sf);
	s11 =	sand.u32 $0xFFFFF80, s29  }
0x127: {  	(v2sf) =	vpush v11, $0xA;
	[tilespmem:s16], [sflag:$0x2] =	stream.linear.gather [hbm4b:s2+s3], $0x400, $0x38;
	[tilespmem:$0x8600] =	vst v63  }
0x128: {  	s18 =	sand.u32 $0xFFFFF80, s12;
	s19 =	spop (v2sf);
	s16 =	sadd.s32 s26, s11  }
0x129: {  	(v2sf) =	vpush v10, $0xB;
	[tilespmem:s9], [sflag:$0x1] =	stream.linear.gather [hbm4b:s16+s3], $0x400, $0x38;
	[tilespmem:$0x8600] =	vst v63  }
0x12a: {  	s20 =	sadd.s32 s17, s18;
	s22 =	sand.u32 $0xFFFFF80, s19;
	s23 =	spop (v2sf)  }
0x12b: {  	(v2sf) =	vpush v11, $0xB;
	[tilespmem:s8], [sflag:$0x2] =	stream.linear.gather [hbm4b:s20+s3], $0x400, $0x38;
	[tilespmem:$0x8600] =	vst v63  }
0x12c: {  	s24 =	sadd.s32 s26, s22;
	s29 =	spop (v2sf)  }
0x12d: {  	[tilespmem:s7], [sflag:$0x1] =	stream.linear.gather [hbm4b:s24+s3], $0x400, $0x38;
	[tilespmem:$0x8600] =	vst v63  }
0x12e: {  	s25 =	sand.u32 $0xFFFFF80, s23;
	(v2sf) =	vpush v10, $0xC;
	s12 =	spop (v2sf)  }
0x12f: {  	s9 =	sadd.s32 s17, s25;
	s11 =	sand.u32 $0xFFFFF80, s29;
	s18 =	sand.u32 $0xFFFFF80, s12  }
0x130: {  	(v2sf) =	vpush v11, $0xC;
	[tilespmem:s6], [sflag:$0x2] =	stream.linear.gather [hbm4b:s9+s3], $0x400, $0x38;
	[tilespmem:$0x8600] =	vst v63  }
0x131: {  	s16 =	sadd.s32 s26, s11;
	s19 =	spop (v2sf);
	s20 =	sadd.s32 s17, s18  }
0x132: {  	(v2sf) =	vpush v10, $0xD;
	s22 =	sand.u32 $0xFFFFF80, s19;
	s23 =	spop (v2sf);
	s18 =	sld [smem:$0x7F5]  }
0x133: {  	[tilespmem:s5], [sflag:$0x1] =	stream.linear.gather [hbm4b:s16+s3], $0x400, $0x38;
	[tilespmem:$0x8600] =	vst v63  }
0x134: {  	(v2sf) =	vpush v11, $0xD;
	s24 =	sadd.s32 s26, s22;
	s25 =	sand.u32 $0xFFFFF80, s23;
	s29 =	spop (v2sf)  }
0x135: {  	[tilespmem:s15], [sflag:$0x2] =	stream.linear.gather [hbm4b:s20+s3], $0x400, $0x38;
	[tilespmem:$0x8600] =	vst v63  }
0x136: {  	s23 =	sld [smem:$0x7F4];
	(v2sf) =	vpush v10, $0xE;
	s7 =	sand.u32 $0xFFFFF80, s29;
	s8 =	spop (v2sf)  }
0x137: {  	[tilespmem:s10], [sflag:$0x1] =	stream.linear.gather [hbm4b:s24+s3], $0x400, $0x38;
	[tilespmem:$0x8600] =	vst v63  }
0x138: {  	s6 =	sadd.s32 s17, s25;
	(v2sf) =	vpush v11, $0xE;
	s9 =	sadd.s32 s26, s7;
	s11 =	spop (v2sf)  }
0x139: {  	[tilespmem:s4], [sflag:$0x2] =	stream.linear.gather [hbm4b:s6+s3], $0x400, $0x38;
	[tilespmem:$0x8600] =	vst v63  }
0x13a: {  	s15 =	sand.u32 $0xFFFFF80, s11;
	s10 =	sand.u32 $0xFFFFF80, s8;
	s16 =	spop (v2sf)  }
0x13b: {  	s19 =	sadd.s32 s26, s15;
	s8 =	sld [smem:$0x7EC];
	s20 =	sand.u32 $0xFFFFF80, s16  }
0x13c: {  	(v2sf) =	vpush v10, $0xF;
	[tilespmem:s0], [sflag:$0x1] =	stream.linear.gather [hbm4b:s9+s3], $0x400, $0x38;
	[tilespmem:$0x8600] =	vst v63  }
0x13d: {  	s12 =	sadd.s32 s17, s10;
	s24 =	sadd.s32 s17, s20;
	s22 =	spop (v2sf)  }
0x13e: {  	(v2sf) =	vpush v11, $0xF;
	[tilespmem:s18], [sflag:$0x2] =	stream.linear.gather [hbm4b:s12+s3], $0x400, $0x38;
	[tilespmem:$0x8600] =	vst v63  }
0x13f: {  	s25 =	sand.u32 $0xFFFFF80, s22;
	s18 =	sld [smem:$0x7ED];
	s29 =	spop (v2sf)  }
0x140: {  	[tilespmem:s23], [sflag:$0x1] =	stream.linear.gather [hbm4b:s19+s3], $0x400, $0x38;
	[tilespmem:$0x8600] =	vst v63  }
0x141: {  	s1 =	sadd.s32 s26, s25;
	s4 =	spop (v2sf);
	s23 =	sld [smem:$0x7EE]  }
0x142: {  	[tilespmem:s31], [sflag:$0x2] =	stream.linear.gather [hbm4b:s24+s3], $0x400, $0x38;
	[tilespmem:$0x8600] =	vst v63  }
0x143: {  	s2 =	sand.u32 $0xFFFFF80, s29;
	s29 =	sld [smem:$0x7EF];
	s7 =	spop (v2sf)  }
0x144: {  	[tilespmem:s30], [sflag:$0x1] =	stream.linear.gather [hbm4b:s1+s3], $0x400, $0x38;
	[tilespmem:$0x8600] =	vst v63  }
0x145: {  	s5 =	sadd.s32 s17, s2;
	s6 =	sand.u32 $0xFFFFF80, s4;
	s11 =	spop (v2sf)  }
0x146: {  	[tilespmem:s8], [sflag:$0x2] =	stream.linear.gather [hbm4b:s5+s3], $0x400, $0x38;
	[tilespmem:$0x8600] =	vst v63  }
0x147: {  	s9 =	sadd.s32 s26, s6;
	s10 =	sand.u32 $0xFFFFF80, s7;
	s16 =	spop (v2sf)  }
0x148: {  	[tilespmem:s28], [sflag:$0x1] =	stream.linear.gather [hbm4b:s9+s3], $0x400, $0x38;
	[tilespmem:$0x8600] =	vst v63  }
0x149: {  	s12 =	sadd.s32 s17, s10;
	s15 =	sand.u32 $0xFFFFF80, s11;
	s20 =	sand.u32 $0xFFFFF80, s16  }
0x14a: {  	[tilespmem:s18], [sflag:$0x2] =	stream.linear.gather [hbm4b:s12+s3], $0x400, $0x38;
	[tilespmem:$0x8600] =	vst v63  }
0x14b: {  	s19 =	sadd.s32 s26, s15;
	s22 =	spop (v2sf);
	s24 =	sadd.s32 s17, s20  }
0x14c: {  	[tilespmem:s23], [sflag:$0x1] =	stream.linear.gather [hbm4b:s19+s3], $0x400, $0x38;
	[tilespmem:$0x8600] =	vst v63  }
0x14d: {  	s25 =	sand.u32 $0xFFFFF80, s22;
	s8 =	sld [smem:$0x7F0];
	s28 =	spop (v2sf)  }
0x14e: {  	[tilespmem:s29], [sflag:$0x2] =	stream.linear.gather [hbm4b:s24+s3], $0x400, $0x38;
	[tilespmem:$0x8600] =	vst v63  }
0x14f: {  	s7 =	sld [smem:$0x7FD];
	s5 =	sadd.s32 s26, s25;
	s6 =	sand.u32 $0xFFFFF80, s28  }
0x150: {  	[tilespmem:s8], [sflag:$0x1] =	stream.linear.gather [hbm4b:s5+s3], $0x400, $0x38;
	[tilespmem:$0x8600] =	vst v63  }
0x151: {  	s9 =	sadd.s32 s17, s6  }
0x152: {  	[tilespmem:s7], [sflag:$0x2] =	stream.linear.gather [hbm4b:s9+s3], $0x400, $0x38;
	[tilespmem:$0x8600] =	vst v63  }
0x153: {  	s10 =	sld [smem:$0x7F1];
	_ =	swait.ge [sflag:s13], $0x400  }
0x154: {  	[sflag:s13] =	ssyncset.done $0x0  }
0x155: {  	[sflag:s13] =	ssyncadd.s32 $0xFFFFFC00  }
0x156: {  	_ =	swait.ge [sflag:s14], $0x400  }
0x157: {  	[sflag:s14] =	ssyncset.done $0x0  }
0x158: {  	[sflag:s14] =	ssyncadd.s32 $0xFFFFFC00  }
0x159: {  	_ =	swait.ge [sflag:s13], $0x400  }
0x15a: {  	[sflag:s13] =	ssyncset.done $0x0  }
0x15b: {  	[sflag:s13] =	ssyncadd.s32 $0xFFFFFC00  }
0x15c: {  	_ =	swait.ge [sflag:s14], $0x400  }
0x15d: {  	[sflag:s14] =	ssyncset.done $0x0  }
0x15e: {  	[sflag:s14] =	ssyncadd.s32 $0xFFFFFC00  }
0x15f: {  	_ =	swait.ge [sflag:s13], $0x400  }
0x160: {  	[sflag:s13] =	ssyncset.done $0x0  }
0x161: {  	[sflag:s13] =	ssyncadd.s32 $0xFFFFFC00  }
0x162: {  	_ =	swait.ge [sflag:s14], $0x400  }
0x163: {  	[sflag:s14] =	ssyncset.done $0x0  }
0x164: {  	[sflag:s14] =	ssyncadd.s32 $0xFFFFFC00  }
0x165: {  	_ =	swait.ge [sflag:s13], $0x400  }
0x166: {  	[sflag:s13] =	ssyncset.done $0x0  }
0x167: {  	[sflag:s13] =	ssyncadd.s32 $0xFFFFFC00  }
0x168: {  	_ =	swait.ge [sflag:s14], $0x400  }
0x169: {  	[sflag:s14] =	ssyncset.done $0x0  }
0x16a: {  	[sflag:s14] =	ssyncadd.s32 $0xFFFFFC00  }
0x16b: {  	_ =	swait.ge [sflag:s13], $0x400  }
0x16c: {  	[sflag:s13] =	ssyncset.done $0x0  }
0x16d: {  	[sflag:s13] =	ssyncadd.s32 $0xFFFFFC00  }
0x16e: {  	_ =	swait.ge [sflag:s14], $0x400  }
0x16f: {  	[sflag:s14] =	ssyncset.done $0x0  }
0x170: {  	[sflag:s14] =	ssyncadd.s32 $0xFFFFFC00  }
0x171: {  	_ =	swait.ge [sflag:s13], $0x400  }
0x172: {  	[sflag:s13] =	ssyncset.done $0x0  }
0x173: {  	[sflag:s13] =	ssyncadd.s32 $0xFFFFFC00  }
0x174: {  	_ =	swait.ge [sflag:s14], $0x400  }
0x175: {  	[sflag:s14] =	ssyncset.done $0x0  }
0x176: {  	[sflag:s14] =	ssyncadd.s32 $0xFFFFFC00  }
0x177: {  	_ =	swait.ge [sflag:s13], $0x400  }
0x178: {  	[sflag:s13] =	ssyncset.done $0x0  }
0x179: {  	[sflag:s13] =	ssyncadd.s32 $0xFFFFFC00  }
0x17a: {  	_ =	swait.ge [sflag:s14], $0x400  }
0x17b: {  	[sflag:s14] =	ssyncset.done $0x0  }
0x17c: {  	[sflag:s14] =	ssyncadd.s32 $0xFFFFFC00  }
0x17d: {  	_ =	swait.ge [sflag:s13], $0x400  }
0x17e: {  	[sflag:s13] =	ssyncset.done $0x0  }
0x17f: {  	[sflag:s13] =	ssyncadd.s32 $0xFFFFFC00  }
0x180: {  	_ =	swait.ge [sflag:s14], $0x400  }
0x181: {  	[sflag:s14] =	ssyncset.done $0x0  }
0x182: {  	[sflag:s14] =	ssyncadd.s32 $0xFFFFFC00  }
0x183: {  	_ =	swait.ge [sflag:s13], $0x400  }
0x184: {  	[sflag:s13] =	ssyncset.done $0x0  }
0x185: {  	[sflag:s13] =	ssyncadd.s32 $0xFFFFFC00  }
0x186: {  	_ =	swait.ge [sflag:s14], $0x400  }
0x187: {  	[sflag:s14] =	ssyncset.done $0x0  }
0x188: {  	[sflag:s14] =	ssyncadd.s32 $0xFFFFFC00  }
0x189: {  	_ =	swait.ge [sflag:s13], $0x400  }
0x18a: {  	[sflag:s13] =	ssyncset.done $0x0  }
0x18b: {  	[sflag:s13] =	ssyncadd.s32 $0xFFFFFC00  }
0x18c: {  	_ =	swait.ge [sflag:s14], $0x400  }
0x18d: {  	[sflag:s14] =	ssyncset.done $0x0  }
0x18e: {  	[sflag:s14] =	ssyncadd.s32 $0xFFFFFC00  }
0x18f: {  	_ =	swait.ge [sflag:s13], $0x400  }
0x190: {  	[sflag:s13] =	ssyncset.done $0x0  }
0x191: {  	[sflag:s13] =	ssyncadd.s32 $0xFFFFFC00  }
0x192: {  	_ =	swait.ge [sflag:s14], $0x400  }
0x193: {  	[sflag:s14] =	ssyncset.done $0x0  }
0x194: {  	[sflag:s14] =	ssyncadd.s32 $0xFFFFFC00  }
0x195: {  	_ =	swait.ge [sflag:s13], $0x400  }
0x196: {  	[sflag:s13] =	ssyncset.done $0x0  }
0x197: {  	[sflag:s13] =	ssyncadd.s32 $0xFFFFFC00  }
0x198: {  	_ =	swait.ge [sflag:s14], $0x400  }
0x199: {  	[sflag:s14] =	ssyncset.done $0x0  }
0x19a: {  	[sflag:s14] =	ssyncadd.s32 $0xFFFFFC00  }
0x19b: {  	_ =	swait.ge [sflag:s13], $0x400  }
0x19c: {  	[sflag:s13] =	ssyncset.done $0x0  }
0x19d: {  	[sflag:s13] =	ssyncadd.s32 $0xFFFFFC00  }
0x19e: {  	_ =	swait.ge [sflag:s14], $0x400  }
0x19f: {  	[sflag:s14] =	ssyncset.done $0x0  }
0x1a0: {  	[sflag:s14] =	ssyncadd.s32 $0xFFFFFC00  }
0x1a1: {  	_ =	swait.ge [sflag:s13], $0x400  }
0x1a2: {  	[sflag:s13] =	ssyncset.done $0x0  }
0x1a3: {  	[sflag:s13] =	ssyncadd.s32 $0xFFFFFC00  }
0x1a4: {  	_ =	swait.ge [sflag:s14], $0x400  }
0x1a5: {  	[sflag:s14] =	ssyncset.done $0x0  }
0x1a6: {  	[sflag:s14] =	ssyncadd.s32 $0xFFFFFC00  }
0x1a7: {  	_ =	swait.ge [sflag:s13], $0x400  }
0x1a8: {  	[sflag:s13] =	ssyncset.done $0x0  }
0x1a9: {  	[sflag:s13] =	ssyncadd.s32 $0xFFFFFC00  }
0x1aa: {  	_ =	swait.ge [sflag:s14], $0x400  }
0x1ab: {  	[sflag:s14] =	ssyncset.done $0x0  }
0x1ac: {  	[sflag:s14] =	ssyncadd.s32 $0xFFFFFC00  }
0x1ad: {  	_ =	swait.ge [sflag:s13], $0x400  }
0x1ae: {  	[sflag:s13] =	ssyncset.done $0x0  }
0x1af: {  	[sflag:s13] =	ssyncadd.s32 $0xFFFFFC00  }
0x1b0: {  	v10 =	vor.u32 v0, v9;
	_ =	swait.ge [sflag:s14], $0x400  }
0x1b1: {  	v11 =	vor.u32 v0, v8;
	s20 =	sld [smem:$0x7FC]  }
0x1b2: {  	v12 =	vor.u32 v1, v9;
	s22 =	sld [smem:$0x7FB]  }
0x1b3: {  	v13 =	vor.u32 v2, v9;
	[sflag:s14] =	ssyncset.done $0x0;
	s12 =	sld [smem:$0x7F2]  }
0x1b4: {  	v15 =	vor.u32 v1, v8;
	s11 =	simm.s32 $0x600;
	s23 =	sld [smem:$0x7FA];
	[sflag:s14] =	ssyncadd.s32 $0xFFFFFC00  }
0x1b5: {  	v18 =	vor.u32 v3, v9;
	s15 =	simm.s32 $0x4600;
	s24 =	rddreg [dreg:$0x1f];
	v14 =	vld.idx.msk [tilespmem:v10+s11+$0x0], $0xffff  }
0x1b6: {  	v19 =	vor.u32 v3, v8;
	s25 =	rddreg [dreg:$0x1e];
	v16 =	vld.idx.msk [tilespmem:v11+s15+$0x0], $0xffff  }
0x1b7: {  	s26 =	rddreg [dreg:$0x1d];
	v12 =	vld.idx.msk [tilespmem:v12+s11+$0x0], $0xffff  }
0x1b8: {  	v17 =	vor.u32 v2, v8;
	s30 =	rddreg [dreg:$0x1c];
	v13 =	vld.idx.msk [tilespmem:v13+s11+$0x0], $0xffff  }
0x1b9: {  	v20 =	vor.u32 v4, v9;
	s16 =	simm.s32 $0x600;
	s31 =	rddreg [dreg:$0x1b];
	v15 =	vld.idx.msk [tilespmem:v15+s15+$0x0], $0xffff  }
0x1ba: {  	s18 =	rddreg [dreg:$0x1a];
	v18 =	vld.idx.msk [tilespmem:v18+s16+$0x0], $0xffff  }
0x1bb: {  	v21 =	vor.u32 v4, v8;
	s28 =	rddreg [dreg:$0x19];
	v19 =	vld.idx.msk [tilespmem:v19+s15+$0x0], $0xffff;
	s19 =	sshra.s32 s12, $0x2  }
0x1bc: {  	s0 =	rddreg [dreg:$0x18];
	v10 =	vld [tilespmem:s19+$0x0]  }
0x1bd: {  	s4 =	rddreg [dreg:$0x17];
	v14 =	vmul.f32 v16, v14;
	v16 =	vld.idx.msk [tilespmem:v17+s15+$0x0], $0xffff;
	v17 =	vor.u32 v5, v9  }
0x1be: {  	v22 =	vor.u32 v5, v8;
	s17 =	smov.u32 s10;
	s10 =	rddreg [dreg:$0x16];
	v20 =	vld.idx.msk [tilespmem:v20+s16+$0x0], $0xffff  }
0x1bf: {  	v24 =	vor.u32 v6, v9;
	s29 =	simm.s32 $0x4600;
	s5 =	rddreg [dreg:$0x14];
	v11 =	vld [tilespmem:s19+$0x200]  }
0x1c0: {  	v25 =	vor.u32 v6, v8;
	s6 =	rddreg [dreg:$0x13];
	v21 =	vld.idx.msk [tilespmem:v21+s29+$0x0], $0xffff  }
0x1c1: {  	v26 =	vor.u32 v7, v9;
	s7 =	rddreg [dreg:$0x12];
	v15 =	vmul.f32 v15, v12  }
0x1c2: {  	p0 =	sne.s32 s21, $0x7C0;
	s8 =	rddreg [dreg:$0x11];
	(v2sf) =	vpush v10, $0x1;
	v12 =	vld.idx.msk [tilespmem:v17+s16+$0x0], $0xffff;
	v17 =	vor.u32 v7, v8  }
.Ltmp0:
0x1c3: {  	s9 =	rddreg [dreg:$0x10];
	v15 =	vadd.f32 v15, v14;
	v14 =	vld.idx.msk [tilespmem:v22+s29+$0x0], $0xffff;
	(v2sf) =	vpush v10, $0x0;
	v16 =	vmul.f32 v16, v13;
	(pc) =	sbr.rel @p0 .LBB2_2-.Ltmp0, $4  }
0x1c4: {  	[smem:$0x7F4] =	sst s18;
	v18 =	vmul.f32 v19, v18;
	(v2sf) =	vpush v11, $0x0;
	v13 =	vld.idx.msk [tilespmem:v24+s16+$0x0], $0xffff  }
0x1c5: {  	[smem:$0x7F5] =	sst s28;
	v19 =	vmul.f32 v21, v20;
	(v2sf) =	vpush v11, $0x1;
	v63 =	vadd.f32 v16, v15;
	v15 =	vld.idx.msk [tilespmem:v25+s29+$0x0], $0xffff  }
0x1c6: {  	s15 =	rddreg [dreg:$0x15];
	v23 =	vand.u32 $0x7F, v10;
	v62 =	vand.u32 $0x7F, v11;
	(v2sf) =	vpush v10, $0x2;
	v16 =	vld.idx.msk [tilespmem:v26+s16+$0x0], $0xffff  }
0x1c7: {  	s21 =	sadd.s32 $0x40, s21;
	v9 =	vmovc v23;
	v8 =	vmov v62;
	(v2sf) =	vpush v11, $0x2;
	s16 =	rddreg [dreg:$0xf];
	v18 =	vadd.f32 v18, v63;
	v17 =	vld.idx.msk [tilespmem:v17+s29+$0x0], $0xffff  }
0x1c8: {  	_ =	sdelay $0x3  }
0x1c9: {  	v12 =	vmul.f32 v14, v12;
	v18 =	vadd.f32 v19, v18;
	_ =	sdelay $0x1  }
0x1ca: {  	v13 =	vmul.f32 v15, v13;
	v12 =	vadd.f32 v12, v18;
	_ =	sdelay $0x1  }
0x1cb: {  	v41 =	vmul.f32 v17, v16;
	v12 =	vadd.f32 v13, v12  }
0x1cc: {  	s1 =	spop (v2sf)  }
0x1cd: {  	v12 =	vadd.f32 v41, v12;
	s2 =	spop (v2sf)  }
0x1ce: {  	s11 =	rddreg [dreg:$0x2];
	s2 =	sand.u32 $0xFFFFF80, s2  }
0x1cf: {  	[tilespmem:s17+$0x400] =	vst v12;
	s17 =	simm.s32 $0x600;
	(v2sf) =	vpush v10, $0x3;
	s28 =	spop (v2sf);
	s2 =	sadd.s32 s11, s2  }
0x1d0: {  	[tilespmem:s17], [sflag:$0x1] =	stream.linear.gather [hbm4b:s2+s3], $0x400, $0x38;
	[tilespmem:$0x8600] =	vst v63  }
0x1d1: {  	s12 =	rddreg [dreg:$0x3];
	s18 =	simm.s32 $0x4600;
	s2 =	sand.u32 $0xFFFFF80, s28  }
0x1d2: {  	s1 =	sand.u32 $0xFFFFF80, s1;
	s21 =	spop (v2sf);
	s2 =	sadd.s32 s12, s2  }
0x1d3: {  	(v2sf) =	vpush v11, $0x3;
	[tilespmem:s18], [sflag:$0x2] =	stream.linear.gather [hbm4b:s2+s3], $0x400, $0x38;
	[tilespmem:$0x8600] =	vst v63  }
0x1d4: {  	s29 =	rddreg [dreg:$0x6];
	s1 =	sadd.s32 s11, s1  }
0x1d5: {  	[tilespmem:s29], [sflag:$0x1] =	stream.linear.gather [hbm4b:s1+s3], $0x400, $0x38;
	[tilespmem:$0x8600] =	vst v63  }
0x1d6: {  	s1 =	sand.u32 $0xFFFFF80, s21  }
0x1d7: {  	s28 =	rddreg [dreg:$0x7];
	s21 =	spop (v2sf);
	(v2sf) =	vpush v10, $0x4;
	s1 =	sadd.s32 s12, s1  }
0x1d8: {  	[tilespmem:s28], [sflag:$0x2] =	stream.linear.gather [hbm4b:s1+s3], $0x400, $0x38;
	[tilespmem:$0x8600] =	vst v63  }
0x1d9: {  	s2 =	sand.u32 $0xFFFFF80, s21;
	s28 =	spop (v2sf)  }
0x1da: {  	s29 =	rddreg [dreg:$0x8];
	s2 =	sadd.s32 s11, s2;
	s1 =	sand.u32 $0xFFFFF80, s28  }
0x1db: {  	(v2sf) =	vpush v11, $0x4;
	[tilespmem:s29], [sflag:$0x1] =	stream.linear.gather [hbm4b:s2+s3], $0x400, $0x38;
	[tilespmem:$0x8600] =	vst v63  }
0x1dc: {  	s29 =	rddreg [dreg:$0x9];
	s1 =	sadd.s32 s12, s1  }
0x1dd: {  	[tilespmem:s29], [sflag:$0x2] =	stream.linear.gather [hbm4b:s1+s3], $0x400, $0x38;
	[tilespmem:$0x8600] =	vst v63  }
0x1de: {  	s28 =	spop (v2sf)  }
0x1df: {  	(v2sf) =	vpush v10, $0x5;
	s2 =	sand.u32 $0xFFFFF80, s28  }
0x1e0: {  	s21 =	rddreg [dreg:$0xa];
	s2 =	sadd.s32 s11, s2  }
0x1e1: {  	[tilespmem:s21], [sflag:$0x1] =	stream.linear.gather [hbm4b:s2+s3], $0x400, $0x38;
	[tilespmem:$0x8600] =	vst v63  }
0x1e2: {  	s21 =	spop (v2sf)  }
0x1e3: {  	(v2sf) =	vpush v11, $0x5;
	s2 =	sand.u32 $0xFFFFF80, s21  }
0x1e4: {  	s29 =	rddreg [dreg:$0xb];
	s2 =	sadd.s32 s12, s2  }
0x1e5: {  	[tilespmem:s29], [sflag:$0x2] =	stream.linear.gather [hbm4b:s2+s3], $0x400, $0x38;
	[tilespmem:$0x8600] =	vst v63  }
0x1e6: {  	s29 =	spop (v2sf)  }
0x1e7: {  	(v2sf) =	vpush v10, $0x6;
	s2 =	sand.u32 $0xFFFFF80, s29  }
0x1e8: {  	s28 =	rddreg [dreg:$0xc];
	s2 =	sadd.s32 s11, s2  }
0x1e9: {  	[tilespmem:s28], [sflag:$0x1] =	stream.linear.gather [hbm4b:s2+s3], $0x400, $0x38;
	[tilespmem:$0x8600] =	vst v63  }
0x1ea: {  	s28 =	spop (v2sf)  }
0x1eb: {  	(v2sf) =	vpush v11, $0x6;
	s2 =	sand.u32 $0xFFFFF80, s28  }
0x1ec: {  	s21 =	rddreg [dreg:$0xd];
	s2 =	sadd.s32 s12, s2  }
0x1ed: {  	[tilespmem:s21], [sflag:$0x2] =	stream.linear.gather [hbm4b:s2+s3], $0x400, $0x38;
	[tilespmem:$0x8600] =	vst v63  }
0x1ee: {  	s21 =	spop (v2sf)  }
0x1ef: {  	(v2sf) =	vpush v10, $0x7;
	s2 =	sand.u32 $0xFFFFF80, s21  }
0x1f0: {  	s29 =	rddreg [dreg:$0xe];
	s2 =	sadd.s32 s11, s2  }
0x1f1: {  	[tilespmem:s29], [sflag:$0x1] =	stream.linear.gather [hbm4b:s2+s3], $0x400, $0x38;
	[tilespmem:$0x8600] =	vst v63  }
0x1f2: {  	s28 =	spop (v2sf)  }
0x1f3: {  	(v2sf) =	vpush v11, $0x7;
	s1 =	sand.u32 $0xFFFFF80, s28  }
0x1f4: {  	s1 =	sadd.s32 s12, s1  }
0x1f5: {  	[tilespmem:s16], [sflag:$0x2] =	stream.linear.gather [hbm4b:s1+s3], $0x400, $0x38;
	[tilespmem:$0x8600] =	vst v63  }
0x1f6: {  	s29 =	spop (v2sf)  }
0x1f7: {  	(v2sf) =	vpush v10, $0x8;
	s1 =	sand.u32 $0xFFFFF80, s29  }
0x1f8: {  	s1 =	sadd.s32 s11, s1  }
0x1f9: {  	[tilespmem:s9], [sflag:$0x1] =	stream.linear.gather [hbm4b:s1+s3], $0x400, $0x38;
	[tilespmem:$0x8600] =	vst v63  }
0x1fa: {  	s2 =	spop (v2sf)  }
0x1fb: {  	(v2sf) =	vpush v11, $0x8;
	s1 =	sand.u32 $0xFFFFF80, s2  }
0x1fc: {  	s1 =	sadd.s32 s12, s1  }
0x1fd: {  	[tilespmem:s8], [sflag:$0x2] =	stream.linear.gather [hbm4b:s1+s3], $0x400, $0x38;
	[tilespmem:$0x8600] =	vst v63  }
0x1fe: {  	s8 =	spop (v2sf)  }
0x1ff: {  	(v2sf) =	vpush v10, $0x9;
	s1 =	sand.u32 $0xFFFFF80, s8  }
0x200: {  	s1 =	sadd.s32 s11, s1  }
0x201: {  	[tilespmem:s7], [sflag:$0x1] =	stream.linear.gather [hbm4b:s1+s3], $0x400, $0x38;
	[tilespmem:$0x8600] =	vst v63  }
0x202: {  	s9 =	spop (v2sf)  }
0x203: {  	(v2sf) =	vpush v11, $0x9;
	s1 =	sand.u32 $0xFFFFF80, s9  }
0x204: {  	s1 =	sadd.s32 s12, s1  }
0x205: {  	[tilespmem:s6], [sflag:$0x2] =	stream.linear.gather [hbm4b:s1+s3], $0x400, $0x38;
	[tilespmem:$0x8600] =	vst v63  }
0x206: {  	s16 =	spop (v2sf)  }
0x207: {  	(v2sf) =	vpush v10, $0xA;
	s1 =	sand.u32 $0xFFFFF80, s16  }
0x208: {  	s1 =	sadd.s32 s11, s1  }
0x209: {  	[tilespmem:s5], [sflag:$0x1] =	stream.linear.gather [hbm4b:s1+s3], $0x400, $0x38;
	[tilespmem:$0x8600] =	vst v63  }
0x20a: {  	s21 =	spop (v2sf)  }
0x20b: {  	(v2sf) =	vpush v11, $0xA;
	s1 =	sand.u32 $0xFFFFF80, s21  }
0x20c: {  	s1 =	sadd.s32 s12, s1  }
0x20d: {  	[tilespmem:s15], [sflag:$0x2] =	stream.linear.gather [hbm4b:s1+s3], $0x400, $0x38;
	[tilespmem:$0x8600] =	vst v63  }
0x20e: {  	s28 =	spop (v2sf)  }
0x20f: {  	(v2sf) =	vpush v10, $0xB;
	s1 =	sand.u32 $0xFFFFF80, s28  }
0x210: {  	s1 =	sadd.s32 s11, s1  }
0x211: {  	[tilespmem:s10], [sflag:$0x1] =	stream.linear.gather [hbm4b:s1+s3], $0x400, $0x38;
	[tilespmem:$0x8600] =	vst v63  }
0x212: {  	s29 =	spop (v2sf)  }
0x213: {  	(v2sf) =	vpush v11, $0xB;
	s1 =	sand.u32 $0xFFFFF80, s29  }
0x214: {  	s1 =	sadd.s32 s12, s1  }
0x215: {  	[tilespmem:s4], [sflag:$0x2] =	stream.linear.gather [hbm4b:s1+s3], $0x400, $0x38;
	[tilespmem:$0x8600] =	vst v63  }
0x216: {  	s2 =	spop (v2sf)  }
0x217: {  	(v2sf) =	vpush v10, $0xC;
	s1 =	sand.u32 $0xFFFFF80, s2  }
0x218: {  	s1 =	sadd.s32 s11, s1  }
0x219: {  	[tilespmem:s0], [sflag:$0x1] =	stream.linear.gather [hbm4b:s1+s3], $0x400, $0x38;
	[tilespmem:$0x8600] =	vst v63  }
0x21a: {  	s5 =	sld [smem:$0x7F5];
	s4 =	spop (v2sf)  }
0x21b: {  	(v2sf) =	vpush v11, $0xC;
	s0 =	sand.u32 $0xFFFFF80, s4  }
0x21c: {  	s0 =	sadd.s32 s12, s0  }
0x21d: {  	[tilespmem:s5], [sflag:$0x2] =	stream.linear.gather [hbm4b:s0+s3], $0x400, $0x38;
	[tilespmem:$0x8600] =	vst v63  }
0x21e: {  	s7 =	sld [smem:$0x7F4];
	s6 =	spop (v2sf)  }
0x21f: {  	(v2sf) =	vpush v10, $0xD;
	s0 =	sand.u32 $0xFFFFF80, s6  }
0x220: {  	s0 =	sadd.s32 s11, s0  }
0x221: {  	[tilespmem:s7], [sflag:$0x1] =	stream.linear.gather [hbm4b:s0+s3], $0x400, $0x38;
	[tilespmem:$0x8600] =	vst v63  }
0x222: {  	s8 =	spop (v2sf)  }
0x223: {  	(v2sf) =	vpush v11, $0xD;
	s0 =	sand.u32 $0xFFFFF80, s8  }
0x224: {  	s0 =	sadd.s32 s12, s0  }
0x225: {  	[tilespmem:s31], [sflag:$0x2] =	stream.linear.gather [hbm4b:s0+s3], $0x400, $0x38;
	[tilespmem:$0x8600] =	vst v63  }
0x226: {  	s9 =	spop (v2sf)  }
0x227: {  	(v2sf) =	vpush v10, $0xE;
	s0 =	sand.u32 $0xFFFFF80, s9  }
0x228: {  	s0 =	sadd.s32 s11, s0  }
0x229: {  	[tilespmem:s30], [sflag:$0x1] =	stream.linear.gather [hbm4b:s0+s3], $0x400, $0x38;
	[tilespmem:$0x8600] =	vst v63  }
0x22a: {  	s10 =	spop (v2sf)  }
0x22b: {  	(v2sf) =	vpush v11, $0xE;
	s0 =	sand.u32 $0xFFFFF80, s10  }
0x22c: {  	s0 =	sadd.s32 s12, s0  }
0x22d: {  	[tilespmem:s26], [sflag:$0x2] =	stream.linear.gather [hbm4b:s0+s3], $0x400, $0x38;
	[tilespmem:$0x8600] =	vst v63  }
0x22e: {  	s15 =	spop (v2sf)  }
0x22f: {  	(v2sf) =	vpush v10, $0xF;
	s0 =	sand.u32 $0xFFFFF80, s15  }
0x230: {  	s0 =	sadd.s32 s11, s0  }
0x231: {  	[tilespmem:s25], [sflag:$0x1] =	stream.linear.gather [hbm4b:s0+s3], $0x400, $0x38;
	[tilespmem:$0x8600] =	vst v63  }
0x232: {  	s16 =	spop (v2sf)  }
0x233: {  	(v2sf) =	vpush v11, $0xF;
	s0 =	sand.u32 $0xFFFFF80, s16  }
0x234: {  	s0 =	sadd.s32 s12, s0  }
0x235: {  	[tilespmem:s24], [sflag:$0x2] =	stream.linear.gather [hbm4b:s0+s3], $0x400, $0x38;
	[tilespmem:$0x8600] =	vst v63  }
0x236: {  	s21 =	spop (v2sf)  }
0x237: {  	s0 =	sand.u32 $0xFFFFF80, s21  }
0x238: {  	s0 =	sadd.s32 s11, s0  }
0x239: {  	[tilespmem:s23], [sflag:$0x1] =	stream.linear.gather [hbm4b:s0+s3], $0x400, $0x38;
	[tilespmem:$0x8600] =	vst v63  }
0x23a: {  	s23 =	spop (v2sf)  }
0x23b: {  	s0 =	sand.u32 $0xFFFFF80, s23  }
0x23c: {  	s0 =	sadd.s32 s12, s0  }
0x23d: {  	[tilespmem:s22], [sflag:$0x2] =	stream.linear.gather [hbm4b:s0+s3], $0x400, $0x38;
	[tilespmem:$0x8600] =	vst v63  }
0x23e: {  	s24 =	spop (v2sf)  }
0x23f: {  	s0 =	sand.u32 $0xFFFFF80, s24  }
0x240: {  	s0 =	sadd.s32 s11, s0  }
0x241: {  	[tilespmem:s20], [sflag:$0x1] =	stream.linear.gather [hbm4b:s0+s3], $0x400, $0x38;
	[tilespmem:$0x8600] =	vst v63  }
0x242: {  	s26 =	sld [smem:$0x7FD];
	s25 =	spop (v2sf)  }
0x243: {  	s0 =	sand.u32 $0xFFFFF80, s25  }
0x244: {  	s0 =	sadd.s32 s12, s0  }
0x245: {  	[tilespmem:s26], [sflag:$0x2] =	stream.linear.gather [hbm4b:s0+s3], $0x400, $0x38;
	[tilespmem:$0x8600] =	vst v63  }
0x246: {  	_ =	swait.ge [sflag:s13], $0x400  }
0x247: {  	[sflag:s13] =	ssyncset.done $0x0  }
0x248: {  	[sflag:s13] =	ssyncadd.s32 $0xFFFFFC00  }
0x249: {  	_ =	swait.ge [sflag:s14], $0x400  }
0x24a: {  	[sflag:s14] =	ssyncset.done $0x0  }
0x24b: {  	[sflag:s14] =	ssyncadd.s32 $0xFFFFFC00  }
0x24c: {  	_ =	swait.ge [sflag:s13], $0x400  }
0x24d: {  	[sflag:s13] =	ssyncset.done $0x0  }
0x24e: {  	[sflag:s13] =	ssyncadd.s32 $0xFFFFFC00  }
0x24f: {  	_ =	swait.ge [sflag:s14], $0x400  }
0x250: {  	[sflag:s14] =	ssyncset.done $0x0  }
0x251: {  	[sflag:s14] =	ssyncadd.s32 $0xFFFFFC00  }
0x252: {  	_ =	swait.ge [sflag:s13], $0x400  }
0x253: {  	[sflag:s13] =	ssyncset.done $0x0  }
0x254: {  	[sflag:s13] =	ssyncadd.s32 $0xFFFFFC00  }
0x255: {  	_ =	swait.ge [sflag:s14], $0x400  }
0x256: {  	[sflag:s14] =	ssyncset.done $0x0  }
0x257: {  	[sflag:s14] =	ssyncadd.s32 $0xFFFFFC00  }
0x258: {  	_ =	swait.ge [sflag:s13], $0x400  }
0x259: {  	[sflag:s13] =	ssyncset.done $0x0  }
0x25a: {  	[sflag:s13] =	ssyncadd.s32 $0xFFFFFC00  }
0x25b: {  	_ =	swait.ge [sflag:s14], $0x400  }
0x25c: {  	[sflag:s14] =	ssyncset.done $0x0  }
0x25d: {  	[sflag:s14] =	ssyncadd.s32 $0xFFFFFC00  }
0x25e: {  	_ =	swait.ge [sflag:s13], $0x400  }
0x25f: {  	[sflag:s13] =	ssyncset.done $0x0  }
0x260: {  	[sflag:s13] =	ssyncadd.s32 $0xFFFFFC00  }
0x261: {  	_ =	swait.ge [sflag:s14], $0x400  }
0x262: {  	[sflag:s14] =	ssyncset.done $0x0  }
0x263: {  	[sflag:s14] =	ssyncadd.s32 $0xFFFFFC00  }
0x264: {  	_ =	swait.ge [sflag:s13], $0x400  }
0x265: {  	[sflag:s13] =	ssyncset.done $0x0  }
0x266: {  	[sflag:s13] =	ssyncadd.s32 $0xFFFFFC00  }
0x267: {  	_ =	swait.ge [sflag:s14], $0x400  }
0x268: {  	[sflag:s14] =	ssyncset.done $0x0  }
0x269: {  	[sflag:s14] =	ssyncadd.s32 $0xFFFFFC00  }
0x26a: {  	_ =	swait.ge [sflag:s13], $0x400  }
0x26b: {  	[sflag:s13] =	ssyncset.done $0x0  }
0x26c: {  	[sflag:s13] =	ssyncadd.s32 $0xFFFFFC00  }
0x26d: {  	_ =	swait.ge [sflag:s14], $0x400  }
0x26e: {  	[sflag:s14] =	ssyncset.done $0x0  }
0x26f: {  	[sflag:s14] =	ssyncadd.s32 $0xFFFFFC00  }
0x270: {  	_ =	swait.ge [sflag:s13], $0x400  }
0x271: {  	[sflag:s13] =	ssyncset.done $0x0  }
0x272: {  	[sflag:s13] =	ssyncadd.s32 $0xFFFFFC00  }
0x273: {  	_ =	swait.ge [sflag:s14], $0x400  }
0x274: {  	[sflag:s14] =	ssyncset.done $0x0  }
0x275: {  	[sflag:s14] =	ssyncadd.s32 $0xFFFFFC00  }
0x276: {  	_ =	swait.ge [sflag:s13], $0x400  }
0x277: {  	[sflag:s13] =	ssyncset.done $0x0  }
0x278: {  	[sflag:s13] =	ssyncadd.s32 $0xFFFFFC00  }
0x279: {  	_ =	swait.ge [sflag:s14], $0x400  }
0x27a: {  	[sflag:s14] =	ssyncset.done $0x0  }
0x27b: {  	[sflag:s14] =	ssyncadd.s32 $0xFFFFFC00  }
0x27c: {  	_ =	swait.ge [sflag:s13], $0x400  }
0x27d: {  	[sflag:s13] =	ssyncset.done $0x0  }
0x27e: {  	[sflag:s13] =	ssyncadd.s32 $0xFFFFFC00  }
0x27f: {  	_ =	swait.ge [sflag:s14], $0x400  }
0x280: {  	[sflag:s14] =	ssyncset.done $0x0  }
0x281: {  	[sflag:s14] =	ssyncadd.s32 $0xFFFFFC00  }
0x282: {  	_ =	swait.ge [sflag:s13], $0x400  }
0x283: {  	[sflag:s13] =	ssyncset.done $0x0  }
0x284: {  	[sflag:s13] =	ssyncadd.s32 $0xFFFFFC00  }
0x285: {  	_ =	swait.ge [sflag:s14], $0x400  }
0x286: {  	[sflag:s14] =	ssyncset.done $0x0  }
0x287: {  	[sflag:s14] =	ssyncadd.s32 $0xFFFFFC00  }
0x288: {  	_ =	swait.ge [sflag:s13], $0x400  }
0x289: {  	[sflag:s13] =	ssyncset.done $0x0  }
0x28a: {  	[sflag:s13] =	ssyncadd.s32 $0xFFFFFC00  }
0x28b: {  	_ =	swait.ge [sflag:s14], $0x400  }
0x28c: {  	[sflag:s14] =	ssyncset.done $0x0  }
0x28d: {  	[sflag:s14] =	ssyncadd.s32 $0xFFFFFC00  }
0x28e: {  	_ =	swait.ge [sflag:s13], $0x400  }
0x28f: {  	[sflag:s13] =	ssyncset.done $0x0  }
0x290: {  	[sflag:s13] =	ssyncadd.s32 $0xFFFFFC00  }
0x291: {  	_ =	swait.ge [sflag:s14], $0x400  }
0x292: {  	[sflag:s14] =	ssyncset.done $0x0  }
0x293: {  	[sflag:s14] =	ssyncadd.s32 $0xFFFFFC00  }
0x294: {  	_ =	swait.ge [sflag:s13], $0x400  }
0x295: {  	[sflag:s13] =	ssyncset.done $0x0  }
0x296: {  	[sflag:s13] =	ssyncadd.s32 $0xFFFFFC00  }
0x297: {  	_ =	swait.ge [sflag:s14], $0x400  }
0x298: {  	[sflag:s14] =	ssyncset.done $0x0  }
0x299: {  	[sflag:s14] =	ssyncadd.s32 $0xFFFFFC00  }
0x29a: {  	_ =	swait.ge [sflag:s13], $0x400  }
0x29b: {  	[sflag:s13] =	ssyncset.done $0x0  }
0x29c: {  	[sflag:s13] =	ssyncadd.s32 $0xFFFFFC00  }
0x29d: {  	_ =	swait.ge [sflag:s14], $0x400  }
0x29e: {  	[sflag:s14] =	ssyncset.done $0x0  }
0x29f: {  	[sflag:s14] =	ssyncadd.s32 $0xFFFFFC00  }
0x2a0: {  	_ =	swait.ge [sflag:s13], $0x400  }
0x2a1: {  	v42 =	vor.u32 v0, v9;
	[sflag:s13] =	ssyncset.done $0x0  }
0x2a2: {  	v43 =	vor.u32 v0, v8;
	[sflag:s13] =	ssyncadd.s32 $0xFFFFFC00  }
0x2a3: {  	v44 =	vor.u32 v1, v9;
	_ =	swait.ge [sflag:s14], $0x400  }
0x2a4: {  	v45 =	vor.u32 v1, v8;
	[sflag:s14] =	ssyncset.done $0x0  }
0x2a5: {  	v46 =	vor.u32 v2, v9;
	[sflag:s14] =	ssyncadd.s32 $0xFFFFFC00  }
0x2a6: {  	v47 =	vor.u32 v2, v8;
	v10 =	vld.idx.msk [tilespmem:v42+s17+$0x0], $0xffff  }
0x2a7: {  	v48 =	vor.u32 v3, v9;
	v11 =	vld.idx.msk [tilespmem:v43+s18+$0x0], $0xffff  }
0x2a8: {  	v49 =	vor.u32 v3, v8;
	v12 =	vld.idx.msk [tilespmem:v44+s17+$0x0], $0xffff  }
0x2a9: {  	v50 =	vor.u32 v4, v9;
	v13 =	vld.idx.msk [tilespmem:v45+s18+$0x0], $0xffff  }
0x2aa: {  	v51 =	vor.u32 v4, v8;
	v14 =	vld.idx.msk [tilespmem:v46+s17+$0x0], $0xffff  }
0x2ab: {  	v20 =	vor.u32 v5, v9;
	v15 =	vld.idx.msk [tilespmem:v47+s18+$0x0], $0xffff  }
0x2ac: {  	v21 =	vor.u32 v5, v8;
	v16 =	vld.idx.msk [tilespmem:v48+s17+$0x0], $0xffff  }
0x2ad: {  	v22 =	vor.u32 v6, v9;
	v17 =	vld.idx.msk [tilespmem:v49+s18+$0x0], $0xffff  }
0x2ae: {  	v53 =	vor.u32 v6, v8;
	v52 =	vld.idx.msk [tilespmem:v50+s17+$0x0], $0xffff;
	v10 =	vmul.f32 v11, v10;
	v12 =	vmul.f32 v13, v12  }
0x2af: {  	v54 =	vor.u32 v7, v9;
	v55 =	vld.idx.msk [tilespmem:v51+s18+$0x0], $0xffff  }
0x2b0: {  	v8 =	vor.u32 v7, v8;
	v56 =	vld.idx.msk [tilespmem:v20+s17+$0x0], $0xffff;
	v57 =	vmul.f32 v15, v14;
	v10 =	vadd.f32 v12, v10  }
0x2b1: {  	v58 =	vld.idx.msk [tilespmem:v21+s18+$0x0], $0xffff  }
0x2b2: {  	v59 =	vld.idx.msk [tilespmem:v22+s17+$0x0], $0xffff;
	v60 =	vmul.f32 v17, v16;
	v10 =	vadd.f32 v57, v10  }
0x2b3: {  	v61 =	vld.idx.msk [tilespmem:v53+s18+$0x0], $0xffff  }
0x2b4: {  	v9 =	vld.idx.msk [tilespmem:v54+s17+$0x0], $0xffff;
	v11 =	vmul.f32 v55, v52;
	v10 =	vadd.f32 v60, v10  }
0x2b5: {  	v8 =	vld.idx.msk [tilespmem:v8+s18+$0x0], $0xffff  }
0x2b6: {  	v62 =	vmul.f32 v58, v56;
	v10 =	vadd.f32 v11, v10;
	_ =	sdelay $0x1  }
0x2b7: {  	v63 =	vmul.f32 v61, v59;
	v10 =	vadd.f32 v62, v10;
	_ =	sdelay $0x1  }
0x2b8: {  	v8 =	vmul.f32 v8, v9;
	v10 =	vadd.f32 v63, v10;
	_ =	sdelay $0x1  }
0x2b9: {  	s28 =	sld [smem:$0x7F8];
	v8 =	vadd.f32 v8, v10;
	_ =	sdelay $0x1  }
0x2ba: {  	s29 =	simm.s32 $0x400;
	s1 =	simm.s32 $0x3;
	[tilespmem:s19+$0x400] =	vst v8  }
0x2bb: {  	[hbm4b:s28+s3] =	stream.linear.scatter [tilespmem:s29], [sflag:$0x3], $0x200, $0x38;
	[tilespmem:$0x8600] =	vst v63  }
0x2bc: {  	_ =	swait.ge [sflag:s1], $0x200  }
0x2bd: {  	s30 =	sld [smem:$0x7F3]  }
0x2be: {  	s31 =	sld [smem:$0x7F9];
	_ =	sdelay $0x1  }
0x2bf: {  	s2 =	sadd.s32 $0x1, s30  }
0x2c0: {  	p0 =	sne.s32 s2, s31  }
.Ltmp1:
0x2c1: {  	_ = 	snop;
	(pc) =	sbr.rel @p0 .LBB2_1-.Ltmp1, $3  }
0x2c2: {  	_ =	sdelay $0x1  }
0x2c3: {  	[sflag:s1] =	ssyncset.done $0x0  }
0x2c4: {  	[sflag:s1] =	ssyncadd.s32 $0xFFFFFE00  }
0x2c5: {  	_ =	sfence.sel $0x180000  }
0x2c6: {  	[bflag:$0x0] =	sbarrier.arrive $0xFFFF  }
0x2c7: {  	_ =	strace $0x90000047  }
0x2c8: {  	s0 =	stileid.u32;
	[bflag:$0x2] =	sbarrier.arrive $0xFFFF  }
0x2c9: {  	p0 =	sne.s32 s0, $0x0;
	s0 =	rddreg [dreg:$0x5]  }
0x2ca: {  	s0 =	sadd.s32 @!p0 $0x100000, s0  }
0x2cb: {  	[sflag:s0] =	ssyncadd.tile.s32 @!p0 $0x1;
	_ =	shalt  }
.Lfunc_end2:
_tile_overlayer_lowered:
.L_overlay_start_2:
0x2cc: {  	(tag) =	ssettag $0x2  }
0x2cd: {  	s0 =	rddreg [dreg:$0x0];
	s2 =	stileid.u32  }
0x2ce: {  	s1 =	rddreg [dreg:$0x1];
	p0 =	sne.s32 s2, $0x0  }
0x2cf: {  	s3 =	rddreg [dreg:$0x2];
	[bflag:$0x3] =	sbarrier.arrive $0xFFFF;
	s2 =	simm.s32 @!p0 $0x1C03  }
0x2d0: {  	[timem:s3], [sflag:s2] =	dma.local @!p0 [hbm:s0], s1  }
0x2d1: {  	s0 =	simm.s32 @!p0 $0x3  }
0x2d2: {  	_ =	swait.ge @!p0 [sflag:s0], s1  }
0x2d3: {  	s1 =	ssub.s32 @!p0 $0x0, s1;
	[sflag:s0] =	ssyncset.done @!p0 $0x0  }
0x2d4: {  	[sflag:s0] =	ssyncadd.s32 @!p0 s1  }
0x2d5: {  	[bflag:$0x3] =	sbarrier.arrive $0xFFFF  }
0x2d6: {  	_ =	shalt  }

</sc_bundles>
